<compile_context>
chip_gen: v7x
topology: tpu7x:2x2x1
jax: 0.10.2.dev20260603
libtpu: 0.0.44.dev20260713+nightly
codegen_flags: <defaults>
</compile_context>

<pallas_src>
import jax
import jax.numpy as jnp
from jax import lax
from jax.experimental import pallas as pl
from jax.experimental.pallas import tpu as pltpu
from jax.experimental.pallas import tpu_sc as plsc

NUM_GROUPS = 512
GROUP_SIZE = 32
_NW = 32
_RPW = 128
_CAP = 528
_BIG = 1 << 30


def _fps_body(xp_ref, start_ref, sel_ref, cx_ref, cy_ref, cz_ref):
    xs = xp_ref[0]
    ys = xp_ref[1]
    zs = xp_ref[2]
    B, N = xs.shape
    G = NUM_GROUPS
    start = start_ref[...]
    iota = jax.lax.broadcasted_iota(jnp.int32, (B, N), 1)
    giota = jax.lax.broadcasted_iota(jnp.int32, (B, G), 1)

    oh0 = iota == start
    lx = jnp.sum(jnp.where(oh0, xs, 0.0), axis=1, keepdims=True)
    ly = jnp.sum(jnp.where(oh0, ys, 0.0), axis=1, keepdims=True)
    lz = jnp.sum(jnp.where(oh0, zs, 0.0), axis=1, keepdims=True)

    sel_acc = jnp.where(giota == 0, start, 0)
    cx_acc = jnp.where(giota == 0, lx, 0.0)
    cy_acc = jnp.where(giota == 0, ly, 0.0)
    cz_acc = jnp.where(giota == 0, lz, 0.0)
    dists = jnp.full((B, N), jnp.inf, dtype=jnp.float32)

    def body(k, carry):
        lx, ly, lz, dists, sel_acc, cx_acc, cy_acc, cz_acc = carry
        dx = xs - lx
        dy = ys - ly
        dz = zs - lz
        d = (dx * dx + dz * dz) + dy * dy
        dists = jnp.minimum(dists, d)
        m = jnp.max(dists, axis=1, keepdims=True)
        idx = jnp.min(jnp.where(dists == m, iota, N), axis=1, keepdims=True)
        ohk = iota == idx
        lx = jnp.sum(jnp.where(ohk, xs, 0.0), axis=1, keepdims=True)
        ly = jnp.sum(jnp.where(ohk, ys, 0.0), axis=1, keepdims=True)
        lz = jnp.sum(jnp.where(ohk, zs, 0.0), axis=1, keepdims=True)
        ohg = giota == k
        sel_acc = jnp.where(ohg, idx, sel_acc)
        cx_acc = jnp.where(ohg, lx, cx_acc)
        cy_acc = jnp.where(ohg, ly, cy_acc)
        cz_acc = jnp.where(ohg, lz, cz_acc)
        return (lx, ly, lz, dists, sel_acc, cx_acc, cy_acc, cz_acc)

    carry = (lx, ly, lz, dists, sel_acc, cx_acc, cy_acc, cz_acc)
    carry = jax.lax.fori_loop(1, G, body, carry)
    _, _, _, _, sel_acc, cx_acc, cy_acc, cz_acc = carry
    sel_ref[...] = sel_acc
    cx_ref[...] = cx_acc
    cy_ref[...] = cy_acc
    cz_ref[...] = cz_acc


def _fps_pallas(xp, starts):
    B = xp.shape[1]
    G = NUM_GROUPS
    out_shapes = (
        jax.ShapeDtypeStruct((B, G), jnp.int32),
        jax.ShapeDtypeStruct((B, G), jnp.float32),
        jax.ShapeDtypeStruct((B, G), jnp.float32),
        jax.ShapeDtypeStruct((B, G), jnp.float32),
    )
    return pl.pallas_call(
        _fps_body,
        out_shape=out_shapes,
    )(xp, starts)


def _d2_body(c_ref, xt_ref, d2_ref, cm_ref):
    c = c_ref[0]
    xt = xt_ref[0]
    GB = c.shape[0]
    cross = jax.lax.dot_general(
        c, xt, (((1,), (0,)), ((), ())), preferred_element_type=jnp.float32)
    c0 = c[:, 0:1]
    c1 = c[:, 1:2]
    c2 = c[:, 2:3]
    cn = (c0 * c0 + c1 * c1) + c2 * c2
    xs = xt[0:1, :]
    ys = xt[1:2, :]
    zs = xt[2:3, :]
    pn = (xs * xs + ys * ys) + zs * zs
    d2 = (cn - 2.0 * cross) + pn
    d2_ref[0] = d2
    cm128 = jnp.min(d2.reshape(GB, 64, 128), axis=1)
    cm_ref[0] = jnp.minimum(cm128[:, :64], cm128[:, 64:])


def _d2_pallas(centers, xT):
    B, G, _ = centers.shape
    N = xT.shape[2]
    GB = 256
    return pl.pallas_call(
        _d2_body,
        grid=(B, G // GB),
        in_specs=[
            pl.BlockSpec((1, GB, 3), lambda b, j: (b, j, 0)),
            pl.BlockSpec((1, 3, N), lambda b, j: (b, 0, 0)),
        ],
        out_specs=[
            pl.BlockSpec((1, GB, N), lambda b, j: (b, j, 0)),
            pl.BlockSpec((1, GB, 64), lambda b, j: (b, j, 0)),
        ],
        out_shape=(
            jax.ShapeDtypeStruct((B, G, N), jnp.float32),
            jax.ShapeDtypeStruct((B, G, 64), jnp.float32),
        ),
    )(centers, xT)


def _srt(v):
    k, _ = plsc.sort_key_val(v, v)
    return k


def _merge16(a, b):
    rb = lax.rev(b, (0,))
    return _srt(jnp.minimum(a, rb)), _srt(jnp.maximum(a, rb))


def _sc_body(d2_hbm, cm_hbm, pts_hbm, ctr_hbm, out_hbm,
             ptsv, cmv, ctrv, rowbuf, sidx, svals, outv, rsem):
    caxis = lax.axis_index("c")
    saxis = lax.axis_index("s")
    w = saxis * 2 + caxis
    b = w // 4
    base = w * _RPW
    iota = lax.iota(jnp.int32, 16)
    inf = jnp.float32(jnp.inf)
    N = 8192

    pltpu.sync_copy(pts_hbm.at[pl.ds(b * N * 6, N * 6)], ptsv)
    pltpu.sync_copy(cm_hbm.at[pl.ds(base * 64, _RPW * 64)], cmv)
    pltpu.sync_copy(ctr_hbm.at[pl.ds(base * 3, _RPW * 3)], ctrv)

    def initb(j, _):
        sidx[pl.ds(j * 16, 16)] = jnp.zeros((16,), jnp.int32)
        return 0

    lax.fori_loop(0, _CAP // 16, initb, 0)

    pltpu.async_copy(d2_hbm.at[pl.ds(base * N, N)], rowbuf.at[pl.ds(0, N)], rsem)
    pltpu.async_copy(d2_hbm.at[pl.ds((base + 1) * N, N)],
                     rowbuf.at[pl.ds(N, N)], rsem)

    def process(g, slot):
        pltpu.make_async_copy(
            d2_hbm.at[pl.ds((base + g) * N, N)],
            rowbuf.at[pl.ds(slot * N, N)], rsem).wait()

        s0 = _srt(cmv[pl.ds(g * 64, 16)])
        s1 = _srt(cmv[pl.ds(g * 64 + 16, 16)])
        s2 = _srt(cmv[pl.ds(g * 64 + 32, 16)])
        s3 = _srt(cmv[pl.ds(g * 64 + 48, 16)])
        m0, m1 = _merge16(s0, s1)
        m2, m3 = _merge16(s2, s3)
        lo0 = jnp.minimum(m0, lax.rev(m3, (0,)))
        lo1 = jnp.minimum(m1, lax.rev(m2, (0,)))
        t = jnp.max(jnp.maximum(lo0, lo1))
        tb = jnp.broadcast_to(t, (16,))

        @plsc.parallel_loop(0, 512, carry=jnp.zeros((16,), jnp.int32),
                            unroll=8)
        def p2(i, off):
            v = rowbuf[pl.ds(slot * N + i * 16, 16)]
            msk = v <= tb
            ones = jnp.where(msk, 1, 0).astype(jnp.int32)
            pos = off + plsc.cumsum(ones) - 1
            msk2 = jnp.logical_and(msk, pos < _CAP)
            plsc.store_scatter(sidx, [pos], iota + i * 16, mask=msk2)
            return off + plsc.all_reduce_population_count(msk)

        cnt = jnp.minimum(jnp.max(p2), _CAP)
        cntb = jnp.broadcast_to(cnt, (16,))
        nv = (cnt + 15) // 16

        sbase = jnp.full((16,), slot * N, jnp.int32)

        def gsv(j, _):
            siv = sidx[pl.ds(j * 16, 16)]
            valid = (iota + j * 16) < cntb
            vv = plsc.load_gather(rowbuf, [sbase + siv], mask=valid)
            svals[pl.ds(j * 16, 16)] = jnp.where(valid, vv, inf)
            return 0

        lax.fori_loop(0, jnp.maximum(nv, 4), gsv, 0)

        def skv(k, i2):
            return plsc.sort_key_val(k, i2)

        def pmm(ak, ai, bk, bi):
            m = jnp.logical_or(ak < bk,
                               jnp.logical_and(ak == bk, ai < bi))
            return (jnp.where(m, ak, bk), jnp.where(m, ai, bi),
                    jnp.where(m, bk, ak), jnp.where(m, bi, ai))

        def ld(j):
            return svals[pl.ds(j * 16, 16)], sidx[pl.ds(j * 16, 16)]

        def rv(k, i2):
            return lax.rev(k, (0,)), lax.rev(i2, (0,))

        def merge32(ak, ai, bk, bi):
            rbk, rbi = rv(bk, bi)
            lok, loi, hik, hii = pmm(ak, ai, rbk, rbi)
            lok, loi = skv(lok, loi)
            hik, hii = skv(hik, hii)
            return lok, loi, hik, hii

        k0, i0 = ld(0)
        k1, i1 = ld(1)
        k2, i2 = ld(2)
        k3, i3 = ld(3)
        k0, i0 = skv(k0, i0)
        k1, i1 = skv(k1, i1)
        k2, i2 = skv(k2, i2)
        k3, i3 = skv(k3, i3)
        a0k, a0i, a1k, a1i = merge32(k0, i0, k1, i1)
        b0k, b0i, b1k, b1i = merge32(k2, i2, k3, i3)
        r1k, r1i = rv(b1k, b1i)
        r0k, r0i = rv(b0k, b0i)
        l0k, l0i, _, _ = pmm(a0k, a0i, r1k, r1i)
        l1k, l1i, _, _ = pmm(a1k, a1i, r0k, r0i)
        lo0k, lo0i, hi0k, hi0i = pmm(l0k, l0i, l1k, l1i)
        w0k, w0i = skv(lo0k, lo0i)
        w1k, w1i = skv(hi0k, hi0i)

        def fold(j, st):
            w0k, w0i, w1k, w1i = st
            ek, ei = ld(j)
            ek, ei = skv(ek, ei)
            rek, rei = rv(ek, ei)
            mlk, mli, _, _ = pmm(w1k, w1i, rek, rei)
            lok, loi, hik, hii = pmm(w0k, w0i, mlk, mli)
            w0k, w0i = skv(lok, loi)
            w1k, w1i = skv(hik, hii)
            return (w0k, w0i, w1k, w1i)

        w0k, w0i, w1k, w1i = lax.fori_loop(
            4, jnp.maximum(nv, 4), fold, (w0k, w0i, w1k, w1i))
        wv0 = jnp.minimum(w0i, 8191)
        wv1 = jnp.minimum(w1i, 8191)

        orow = g % 16
        coff = g * 3
        csplat = [plsc.load_gather(ctrv, [jnp.full((16,), ch, jnp.int32) + coff])
                  for ch in range(3)]
        for vi, wv in enumerate((wv0, wv1)):
            kvec = iota + vi * 16
            for ch in range(6):
                val = plsc.load_gather(ptsv, [wv * 6 + ch])
                if ch < 3:
                    val = val - csplat[ch]
                plsc.store_scatter(outv, [orow * 192 + kvec * 6 + ch], val)

        @pl.when(orow == 15)
        def _():
            pltpu.sync_copy(
                outv, out_hbm.at[pl.ds((base + g - 15) * 192, 16 * 192)])

        @pl.when(g + 2 < _RPW)
        def _():
            pltpu.async_copy(d2_hbm.at[pl.ds((base + g + 2) * N, N)],
                             rowbuf.at[pl.ds(slot * N, N)], rsem)

    def outer(gp, _):
        process(gp * 2, 0)
        process(gp * 2 + 1, 1)
        return 0

    lax.fori_loop(0, _RPW // 2, outer, 0)


def _select_gather_sc(d2, cm, points, centers):
    B, G, N = d2.shape
    R = B * G
    mesh = plsc.VectorSubcoreMesh(
        core_axis_name="c", subcore_axis_name="s", num_cores=2, num_subcores=16)
    run = pl.kernel(
        _sc_body,
        out_type=jax.ShapeDtypeStruct((R * GROUP_SIZE * 6,), jnp.float32),
        mesh=mesh,
        compiler_params=pltpu.CompilerParams(needs_layout_passes=False),
        scratch_types=[
            pltpu.VMEM((N * 6,), jnp.float32),
            pltpu.VMEM((_RPW * 64,), jnp.float32),
            pltpu.VMEM((_RPW * 3,), jnp.float32),
            pltpu.VMEM((2 * N,), jnp.float32),
            pltpu.VMEM((_CAP,), jnp.int32),
            pltpu.VMEM((_CAP,), jnp.float32),
            pltpu.VMEM((16 * GROUP_SIZE * 6,), jnp.float32),
            pltpu.SemaphoreType.DMA,
        ],
    )
    grouped = run(d2.reshape(R * N), cm.reshape(R * 64), points.reshape(-1),
                  centers.reshape(R * 3))
    return grouped.reshape(B, G, GROUP_SIZE, 6)


def kernel(points):
    B, N, C = points.shape
    xyz = points[:, :, :3]
    xp = jnp.moveaxis(xyz, 2, 0)
    starts = jax.random.randint(jax.random.key(42), (B,), 0, N).astype(jnp.int32)
    sel, cx, cy, cz = _fps_pallas(xp, starts.reshape(B, 1))
    centers = jnp.stack([cx, cy, cz], axis=-1)

    xT = jnp.swapaxes(xyz, 1, 2)
    d2, cm = _d2_pallas(centers, xT)

    grouped = _select_gather_sc(d2, cm, points, centers)
    return grouped, centers

# --- scband reference (transcript-rebuilt; emitter-appended) ---
"""Pipeline reference for scband-pointcloud-grouping-57123065037459 (READ-ONLY COPY).

The authoritative reference and input builder live on the scoring server;
editing this copy changes nothing except your own understanding.
"""

import jax, jax.numpy as jnp
import numpy as np

NUM_GROUPS = 512
GROUP_SIZE = 32


def _fps_single(pts, start, K):
    # pts: [N, 3] float; start: scalar int32; returns [K] int32 selected indices
    N = pts.shape[0]
    dists0 = jnp.full((N,), jnp.inf, dtype=pts.dtype)
    sel0 = jnp.zeros((K,), dtype=jnp.int32).at[0].set(start)

    def body(k, state):
        dists, sel = state
        last = jax.lax.dynamic_index_in_dim(sel, k - 1, keepdims=False)
        lp = pts[last]
        d = jnp.sum((pts - lp) ** 2, axis=-1)
        dists = jnp.minimum(dists, d)
        idx = jnp.argmax(dists).astype(jnp.int32)
        sel = sel.at[k].set(idx)
        return (dists, sel)

    _, sel = jax.lax.fori_loop(1, K, body, (dists0, sel0))
    return sel


def setup_inputs(seed: int = 0) -> dict:
    key = jax.random.key(seed)
    points = jax.random.normal(key, (8, 8192, 6), dtype=jnp.float32)
    return {"points": points}


def reference(points):
    # points: [B, N, C] with first 3 channels = xyz
    B, N, C = points.shape
    xyz = points[:, :, :3]
    xyz_sg = jax.lax.stop_gradient(xyz)

    # sample_farthest_points with random_start_point=True (deterministic key)
    starts = jax.random.randint(jax.random.key(42), (B,), 0, N).astype(jnp.int32)
    sel = jax.vmap(lambda p, s: _fps_single(p, s, NUM_GROUPS))(xyz_sg, starts)  # [B, G]

    # centers gathered from (differentiable) xyz
    centers = jax.vmap(lambda p, i: p[i])(xyz, sel)  # [B, G, 3]
    c_sg = jax.lax.stop_gradient(centers)

    # knn_points(centers, xyz, K=group_size): squared L2 distances [B, G, N]
    cn = jnp.sum(c_sg ** 2, axis=-1)                     # [B, G]
    pn = jnp.sum(xyz_sg ** 2, axis=-1)                   # [B, N]
    cross = jnp.einsum('bgd,bnd->bgn', c_sg, xyz_sg)     # [B, G, N]
    d2 = cn[:, :, None] - 2.0 * cross + pn[:, None, :]
    _, idx = jax.lax.top_k(-d2, GROUP_SIZE)              # [B, G, K] smallest distances

    # knn_gather(points, idx) -> [B, G, K, C]
    grouped = jax.vmap(lambda p, i: p[i])(points, idx)

    # grouped[:, :, :, :3] -= centers.unsqueeze(2)
    grouped = jnp.concatenate(
        [grouped[..., :3] - centers[:, :, None, :], grouped[..., 3:]], axis=-1)
    return grouped, centers

if __name__ == "__main__":
    import jax
    _d = setup_inputs()
    print(jax.jit(kernel)(*tuple(_d.values())))

</pallas_src>

<mosaic_0001>
#map = affine_map<(d0, d1) -> (0)>
module attributes {stable_mosaic.version = 14 : i64} {
  func.func @_sc_body(%arg0: i32, %arg1: i32, %arg2: memref<33554432xf32, #tpu.memory_space<hbm>>, %arg3: memref<262144xf32, #tpu.memory_space<hbm>>, %arg4: memref<393216xf32, #tpu.memory_space<hbm>>, %arg5: memref<12288xf32, #tpu.memory_space<hbm>>, %arg6: memref<786432xf32, #tpu.memory_space<hbm>>, %arg7: memref<49152xf32, #tpu.memory_space<vmem>>, %arg8: memref<8192xf32, #tpu.memory_space<vmem>>, %arg9: memref<384xf32, #tpu.memory_space<vmem>>, %arg10: memref<16384xf32, #tpu.memory_space<vmem>>, %arg11: memref<528xi32, #tpu.memory_space<vmem>>, %arg12: memref<528xf32, #tpu.memory_space<vmem>>, %arg13: memref<3072xf32, #tpu.memory_space<vmem>>, %arg14: memref<!tpu.dma_semaphore, #tpu.memory_space<semaphore_mem>>) attributes {dimension_semantics = [#tpu.dimension_semantics<core_parallel>, #tpu.dimension_semantics<subcore_parallel>], iteration_bounds = array<i64: 2, 16>, scalar_prefetch = 0 : i64, scratch_operands = 8 : i64, tpu.core_type = #tpu.core_type<sc_vector_subcore>, window_params = [{transform_indices = #map}, {transform_indices = #map}, {transform_indices = #map}, {transform_indices = #map}, {transform_indices = #map}]} {
    %mul3A = arith.constant 2 : i32
    %mul3A_0 = arith.muli %arg1, %mul3A : i32
    %add3A = arith.addi %mul3A_0, %arg0 : i32
    %jit3A = arith.constant 4 : i32
    %div3A = arith.divsi %add3A, %jit3A : i32
    %sign3A = arith.constant 0 : i32
    %sign3A_1 = arith.cmpi sgt, %add3A, %sign3A : i32
    %sign3A_2 = arith.extui %sign3A_1 : i1 to i32
    %sign3A_3 = arith.constant 0 : i32
    %sign3A_4 = arith.cmpi slt, %add3A, %sign3A_3 : i32
    %sign3A_5 = arith.extui %sign3A_4 : i1 to i32
    %sign3A_6 = arith.subi %sign3A_2, %sign3A_5 : i32
    %sign3A_7 = arith.constant 0 : i32
    %sign3A_8 = arith.cmpi sgt, %jit3A, %sign3A_7 : i32
    %sign3A_9 = arith.extui %sign3A_8 : i1 to i32
    %sign3A_10 = arith.constant 0 : i32
    %sign3A_11 = arith.cmpi slt, %jit3A, %sign3A_10 : i32
    %sign3A_12 = arith.extui %sign3A_11 : i1 to i32
    %sign3A_13 = arith.subi %sign3A_9, %sign3A_12 : i32
    %ne3A = arith.cmpi ne, %sign3A_6, %sign3A_13 : i32
    %rem3A = arith.remsi %add3A, %jit3A : i32
    %ne3A_14 = arith.constant 0 : i32
    %ne3A_15 = arith.cmpi ne, %rem3A, %ne3A_14 : i32
    %and3A = arith.andi %ne3A, %ne3A_15 : i1
    %sub3A = arith.constant 1 : i32
    %sub3A_16 = arith.subi %div3A, %sub3A : i32
    %select_n3A = arith.select %and3A, %sub3A_16, %div3A : i32
    %mul3A_17 = arith.constant 128 : i32
    %mul3A_18 = arith.muli %add3A, %mul3A_17 : i32
    %iota3A = tpu.iota {dimensions = array<i32: 0>} : vector<16xi32>
    %mul3A_19 = arith.constant 8192 : i32
    %mul3A_20 = arith.muli %select_n3A, %mul3A_19 : i32
    %mul3A_21 = arith.constant 6 : i32
    %mul3A_22 = arith.muli %mul3A_20, %mul3A_21 : i32
    "tpu.region"() ({
      %run_scoped3A = tpu.sem_alloc : memref<!tpu.dma_semaphore, #tpu.memory_space<semaphore_mem>>
      %dma_start3A_58 = tpu.memref_slice %arg4[%mul3A_22] : memref<393216xf32, #tpu.memory_space<hbm>> -> memref<49152xf32, #tpu.memory_space<hbm>>
      %dma_start3A_59 = tpu.memref_slice %arg4[%mul3A_22] : memref<393216xf32, #tpu.memory_space<hbm>> -> memref<49152xf32, #tpu.memory_space<hbm>>
      tpu.enqueue_dma source(%dma_start3A_59 : memref<49152xf32, #tpu.memory_space<hbm>>) target(%arg7 : memref<49152xf32, #tpu.memory_space<vmem>>) target_semaphore(%run_scoped3A : memref<!tpu.dma_semaphore, #tpu.memory_space<semaphore_mem>>)
      %dma_wait3A = tpu.memref_slice %arg4[%mul3A_22] : memref<393216xf32, #tpu.memory_space<hbm>> -> memref<49152xf32, #tpu.memory_space<hbm>>
      %dma_wait3A_60 = tpu.memref_slice %arg4[%mul3A_22] : memref<393216xf32, #tpu.memory_space<hbm>> -> memref<49152xf32, #tpu.memory_space<hbm>>
      tpu.wait_dma2 semaphore(%run_scoped3A : memref<!tpu.dma_semaphore, #tpu.memory_space<semaphore_mem>>) src(%dma_wait3A_60 : memref<49152xf32, #tpu.memory_space<hbm>>) dst(%arg7 : memref<49152xf32, #tpu.memory_space<vmem>>)
      tpu.yield
    }) : () -> ()
    %mul3A_23 = arith.constant 64 : i32
    %mul3A_24 = arith.muli %mul3A_18, %mul3A_23 : i32
    "tpu.region"() ({
      %run_scoped3A = tpu.sem_alloc : memref<!tpu.dma_semaphore, #tpu.memory_space<semaphore_mem>>
      %dma_start3A_58 = tpu.memref_slice %arg3[%mul3A_24] : memref<262144xf32, #tpu.memory_space<hbm>> -> memref<8192xf32, #tpu.memory_space<hbm>>
      %dma_start3A_59 = tpu.memref_slice %arg3[%mul3A_24] : memref<262144xf32, #tpu.memory_space<hbm>> -> memref<8192xf32, #tpu.memory_space<hbm>>
      tpu.enqueue_dma source(%dma_start3A_59 : memref<8192xf32, #tpu.memory_space<hbm>>) target(%arg8 : memref<8192xf32, #tpu.memory_space<vmem>>) target_semaphore(%run_scoped3A : memref<!tpu.dma_semaphore, #tpu.memory_space<semaphore_mem>>)
      %dma_wait3A = tpu.memref_slice %arg3[%mul3A_24] : memref<262144xf32, #tpu.memory_space<hbm>> -> memref<8192xf32, #tpu.memory_space<hbm>>
      %dma_wait3A_60 = tpu.memref_slice %arg3[%mul3A_24] : memref<262144xf32, #tpu.memory_space<hbm>> -> memref<8192xf32, #tpu.memory_space<hbm>>
      tpu.wait_dma2 semaphore(%run_scoped3A : memref<!tpu.dma_semaphore, #tpu.memory_space<semaphore_mem>>) src(%dma_wait3A_60 : memref<8192xf32, #tpu.memory_space<hbm>>) dst(%arg8 : memref<8192xf32, #tpu.memory_space<vmem>>)
      tpu.yield
    }) : () -> ()
    %mul3A_25 = arith.constant 3 : i32
    %mul3A_26 = arith.muli %mul3A_18, %mul3A_25 : i32
    "tpu.region"() ({
      %run_scoped3A = tpu.sem_alloc : memref<!tpu.dma_semaphore, #tpu.memory_space<semaphore_mem>>
      %dma_start3A_58 = tpu.memref_slice %arg5[%mul3A_26] : memref<12288xf32, #tpu.memory_space<hbm>> -> memref<384xf32, #tpu.memory_space<hbm>>
      %dma_start3A_59 = tpu.memref_slice %arg5[%mul3A_26] : memref<12288xf32, #tpu.memory_space<hbm>> -> memref<384xf32, #tpu.memory_space<hbm>>
      tpu.enqueue_dma source(%dma_start3A_59 : memref<384xf32, #tpu.memory_space<hbm>>) target(%arg9 : memref<384xf32, #tpu.memory_space<vmem>>) target_semaphore(%run_scoped3A : memref<!tpu.dma_semaphore, #tpu.memory_space<semaphore_mem>>)
      %dma_wait3A = tpu.memref_slice %arg5[%mul3A_26] : memref<12288xf32, #tpu.memory_space<hbm>> -> memref<384xf32, #tpu.memory_space<hbm>>
      %dma_wait3A_60 = tpu.memref_slice %arg5[%mul3A_26] : memref<12288xf32, #tpu.memory_space<hbm>> -> memref<384xf32, #tpu.memory_space<hbm>>
      tpu.wait_dma2 semaphore(%run_scoped3A : memref<!tpu.dma_semaphore, #tpu.memory_space<semaphore_mem>>) src(%dma_wait3A_60 : memref<384xf32, #tpu.memory_space<hbm>>) dst(%arg9 : memref<384xf32, #tpu.memory_space<vmem>>)
      tpu.yield
    }) : () -> ()
    %scan3A = arith.constant 0 : i32
    %scan3A_27 = arith.constant 0 : i32
    %scan3A_28 = arith.constant 33 : i32
    %scan3A_29 = arith.addi %scan3A_27, %scan3A_28 : i32
    %scan3A_30 = arith.constant 1 : i32
    %scan3A_31 = scf.for %scan3A_58 = %scan3A_27 to %scan3A_29 step %scan3A_30 iter_args(%scan3A_59 = %scan3A) -> (i32)  : i32 {
      %broadcast_in_dim3A = arith.constant 0 : i32
      %broadcast_in_dim3A_60 = vector.broadcast %broadcast_in_dim3A : i32 to vector<16xi32>
      %mul3A_61 = arith.constant 16 : i32
      %mul3A_62 = arith.muli %scan3A_58, %mul3A_61 : i32
      %swap3A = arith.index_cast %mul3A_62 : i32 to index
      %swap3A_63 = tpu.vector_load %arg11[%swap3A] {strides = array<i32>} : memref<528xi32, #tpu.memory_space<vmem>>, vector<16xi32>,
      tpu.vector_store %arg11[%swap3A], %broadcast_in_dim3A_60 {strides = array<i32>} : memref<528xi32, #tpu.memory_space<vmem>>, vector<16xi32>,
      %scan3A_64 = arith.constant 0 : i32
      scf.yield %scan3A_64 : i32
    }
    %scan3A_32 = arith.constant 33 : i32
    %mul3A_33 = arith.constant 8192 : i32
    %mul3A_34 = arith.muli %mul3A_18, %mul3A_33 : i32
    %dma_start3A = arith.constant 0 : i32
    %dma_start3A_35 = tpu.memref_slice %arg10[%dma_start3A] : memref<16384xf32, #tpu.memory_space<vmem>> -> memref<8192xf32, #tpu.memory_space<vmem>>
    %dma_start3A_36 = tpu.memref_slice %arg2[%mul3A_34] : memref<33554432xf32, #tpu.memory_space<hbm>> -> memref<8192xf32, #tpu.memory_space<hbm>>
    %dma_start3A_37 = arith.constant 0 : i32
    %dma_start3A_38 = tpu.memref_slice %arg10[%dma_start3A_37] : memref<16384xf32, #tpu.memory_space<vmem>> -> memref<8192xf32, #tpu.memory_space<vmem>>
    %dma_start3A_39 = tpu.memref_slice %arg2[%mul3A_34] : memref<33554432xf32, #tpu.memory_space<hbm>> -> memref<8192xf32, #tpu.memory_space<hbm>>
    tpu.enqueue_dma source(%dma_start3A_39 : memref<8192xf32, #tpu.memory_space<hbm>>) target(%dma_start3A_38 : memref<8192xf32, #tpu.memory_space<vmem>>) target_semaphore(%arg14 : memref<!tpu.dma_semaphore, #tpu.memory_space<semaphore_mem>>)
    %add3A_40 = arith.constant 1 : i32
    %add3A_41 = arith.addi %mul3A_18, %add3A_40 : i32
    %mul3A_42 = arith.constant 8192 : i32
    %mul3A_43 = arith.muli %add3A_41, %mul3A_42 : i32
    %dma_start3A_44 = arith.constant 8192 : i32
    %dma_start3A_45 = tpu.memref_slice %arg10[%dma_start3A_44] : memref<16384xf32, #tpu.memory_space<vmem>> -> memref<8192xf32, #tpu.memory_space<vmem>>
    %dma_start3A_46 = tpu.memref_slice %arg2[%mul3A_43] : memref<33554432xf32, #tpu.memory_space<hbm>> -> memref<8192xf32, #tpu.memory_space<hbm>>
    %dma_start3A_47 = arith.constant 8192 : i32
    %dma_start3A_48 = tpu.memref_slice %arg10[%dma_start3A_47] : memref<16384xf32, #tpu.memory_space<vmem>> -> memref<8192xf32, #tpu.memory_space<vmem>>
    %dma_start3A_49 = tpu.memref_slice %arg2[%mul3A_43] : memref<33554432xf32, #tpu.memory_space<hbm>> -> memref<8192xf32, #tpu.memory_space<hbm>>
    tpu.enqueue_dma source(%dma_start3A_49 : memref<8192xf32, #tpu.memory_space<hbm>>) target(%dma_start3A_48 : memref<8192xf32, #tpu.memory_space<vmem>>) target_semaphore(%arg14 : memref<!tpu.dma_semaphore, #tpu.memory_space<semaphore_mem>>)
    %scan3A_50 = arith.constant 0x7F800000 : f32
    %scan3A_51 = arith.constant 0 : i32
    %scan3A_52 = arith.constant 0 : i32
    %scan3A_53 = arith.constant 64 : i32
    %scan3A_54 = arith.addi %scan3A_52, %scan3A_53 : i32
    %scan3A_55 = arith.constant 1 : i32
    %scan3A_56 = scf.for %scan3A_58 = %scan3A_52 to %scan3A_54 step %scan3A_55 iter_args(%scan3A_59 = %scan3A_51) -> (i32)  : i32 {
      %mul3A_60 = arith.constant 2 : i32
      %mul3A_61 = arith.muli %scan3A_58, %mul3A_60 : i32
      %add3A_62 = arith.addi %mul3A_18, %mul3A_61 : i32
      %mul3A_63 = arith.constant 8192 : i32
      %mul3A_64 = arith.muli %add3A_62, %mul3A_63 : i32
      %dma_wait3A = arith.constant 0 : i32
      %dma_wait3A_65 = tpu.memref_slice %arg10[%dma_wait3A] : memref<16384xf32, #tpu.memory_space<vmem>> -> memref<8192xf32, #tpu.memory_space<vmem>>
      %dma_wait3A_66 = tpu.memref_slice %arg2[%mul3A_64] : memref<33554432xf32, #tpu.memory_space<hbm>> -> memref<8192xf32, #tpu.memory_space<hbm>>
      %dma_wait3A_67 = arith.constant 0 : i32
      %dma_wait3A_68 = tpu.memref_slice %arg10[%dma_wait3A_67] : memref<16384xf32, #tpu.memory_space<vmem>> -> memref<8192xf32, #tpu.memory_space<vmem>>
      %dma_wait3A_69 = tpu.memref_slice %arg2[%mul3A_64] : memref<33554432xf32, #tpu.memory_space<hbm>> -> memref<8192xf32, #tpu.memory_space<hbm>>
      tpu.wait_dma2 semaphore(%arg14 : memref<!tpu.dma_semaphore, #tpu.memory_space<semaphore_mem>>) src(%dma_wait3A_69 : memref<8192xf32, #tpu.memory_space<hbm>>) dst(%dma_wait3A_68 : memref<8192xf32, #tpu.memory_space<vmem>>)
      %mul3A_70 = arith.constant 64 : i32
      %mul3A_71 = arith.muli %mul3A_61, %mul3A_70 : i32
      %get3A = arith.index_cast %mul3A_71 : i32 to index
      %get3A_72 = tpu.vector_load %arg8[%get3A] {strides = array<i32>} : memref<8192xf32, #tpu.memory_space<vmem>>, vector<16xf32>,
      %masked_sort3A = arith.constant dense<true> : vector<16xi1>
      %masked_sort3A_73, %masked_sort3A_74, %masked_sort3A_75 = tpu.sort %get3A_72, %get3A_72 masked %masked_sort3A : (vector<16xf32>, vector<16xf32>, vector<16xi1>) -> (vector<16xi1>, vector<16xf32>, vector<16xf32>)
      %mul3A_76 = arith.constant 64 : i32
      %mul3A_77 = arith.muli %mul3A_61, %mul3A_76 : i32
      %add3A_78 = arith.constant 16 : i32
      %add3A_79 = arith.addi %mul3A_77, %add3A_78 : i32
      %get3A_80 = arith.index_cast %add3A_79 : i32 to index
      %get3A_81 = tpu.vector_load %arg8[%get3A_80] {strides = array<i32>} : memref<8192xf32, #tpu.memory_space<vmem>>, vector<16xf32>,
      %masked_sort3A_82 = arith.constant dense<true> : vector<16xi1>
      %masked_sort3A_83, %masked_sort3A_84, %masked_sort3A_85 = tpu.sort %get3A_81, %get3A_81 masked %masked_sort3A_82 : (vector<16xf32>, vector<16xf32>, vector<16xi1>) -> (vector<16xi1>, vector<16xf32>, vector<16xf32>)
      %mul3A_86 = arith.constant 64 : i32
      %mul3A_87 = arith.muli %mul3A_61, %mul3A_86 : i32
      %add3A_88 = arith.constant 32 : i32
      %add3A_89 = arith.addi %mul3A_87, %add3A_88 : i32
      %get3A_90 = arith.index_cast %add3A_89 : i32 to index
      %get3A_91 = tpu.vector_load %arg8[%get3A_90] {strides = array<i32>} : memref<8192xf32, #tpu.memory_space<vmem>>, vector<16xf32>,
      %masked_sort3A_92 = arith.constant dense<true> : vector<16xi1>
      %masked_sort3A_93, %masked_sort3A_94, %masked_sort3A_95 = tpu.sort %get3A_91, %get3A_91 masked %masked_sort3A_92 : (vector<16xf32>, vector<16xf32>, vector<16xi1>) -> (vector<16xi1>, vector<16xf32>, vector<16xf32>)
      %mul3A_96 = arith.constant 64 : i32
      %mul3A_97 = arith.muli %mul3A_61, %mul3A_96 : i32
      %add3A_98 = arith.constant 48 : i32
      %add3A_99 = arith.addi %mul3A_97, %add3A_98 : i32
      %get3A_100 = arith.index_cast %add3A_99 : i32 to index
      %get3A_101 = tpu.vector_load %arg8[%get3A_100] {strides = array<i32>} : memref<8192xf32, #tpu.memory_space<vmem>>, vector<16xf32>,
      %masked_sort3A_102 = arith.constant dense<true> : vector<16xi1>
      %masked_sort3A_103, %masked_sort3A_104, %masked_sort3A_105 = tpu.sort %get3A_101, %get3A_101 masked %masked_sort3A_102 : (vector<16xf32>, vector<16xf32>, vector<16xi1>) -> (vector<16xi1>, vector<16xf32>, vector<16xf32>)
      %rev3A = arith.constant 15 : i32
      %rev3A_106 = vector.broadcast %rev3A : i32 to vector<16xi32>
      %rev3A_107 = tpu.iota {dimensions = array<i32: 0>} : vector<16xi32>
      %rev3A_108 = arith.subi %rev3A_106, %rev3A_107 : vector<16xi32>
      %rev3A_109 = tpu.dynamic_gather %masked_sort3A_84[%rev3A_108] in [0] : vector<16xf32>, vector<16xi32> -> vector<16xf32>
      %min3A = arith.minimumf %masked_sort3A_74, %rev3A_109 : vector<16xf32>
      %masked_sort3A_110 = arith.constant dense<true> : vector<16xi1>
      %masked_sort3A_111, %masked_sort3A_112, %masked_sort3A_113 = tpu.sort %min3A, %min3A masked %masked_sort3A_110 : (vector<16xf32>, vector<16xf32>, vector<16xi1>) -> (vector<16xi1>, vector<16xf32>, vector<16xf32>)
      %max3A = arith.maximumf %masked_sort3A_74, %rev3A_109 : vector<16xf32>
      %masked_sort3A_114 = arith.constant dense<true> : vector<16xi1>
      %masked_sort3A_115, %masked_sort3A_116, %masked_sort3A_117 = tpu.sort %max3A, %max3A masked %masked_sort3A_114 : (vector<16xf32>, vector<16xf32>, vector<16xi1>) -> (vector<16xi1>, vector<16xf32>, vector<16xf32>)
      %rev3A_118 = arith.constant 15 : i32
      %rev3A_119 = vector.broadcast %rev3A_118 : i32 to vector<16xi32>
      %rev3A_120 = tpu.iota {dimensions = array<i32: 0>} : vector<16xi32>
      %rev3A_121 = arith.subi %rev3A_119, %rev3A_120 : vector<16xi32>
      %rev3A_122 = tpu.dynamic_gather %masked_sort3A_104[%rev3A_121] in [0] : vector<16xf32>, vector<16xi32> -> vector<16xf32>
      %min3A_123 = arith.minimumf %masked_sort3A_94, %rev3A_122 : vector<16xf32>
      %masked_sort3A_124 = arith.constant dense<true> : vector<16xi1>
      %masked_sort3A_125, %masked_sort3A_126, %masked_sort3A_127 = tpu.sort %min3A_123, %min3A_123 masked %masked_sort3A_124 : (vector<16xf32>, vector<16xf32>, vector<16xi1>) -> (vector<16xi1>, vector<16xf32>, vector<16xf32>)
      %max3A_128 = arith.maximumf %masked_sort3A_94, %rev3A_122 : vector<16xf32>
      %masked_sort3A_129 = arith.constant dense<true> : vector<16xi1>
      %masked_sort3A_130, %masked_sort3A_131, %masked_sort3A_132 = tpu.sort %max3A_128, %max3A_128 masked %masked_sort3A_129 : (vector<16xf32>, vector<16xf32>, vector<16xi1>) -> (vector<16xi1>, vector<16xf32>, vector<16xf32>)
      %rev3A_133 = arith.constant 15 : i32
      %rev3A_134 = vector.broadcast %rev3A_133 : i32 to vector<16xi32>
      %rev3A_135 = tpu.iota {dimensions = array<i32: 0>} : vector<16xi32>
      %rev3A_136 = arith.subi %rev3A_134, %rev3A_135 : vector<16xi32>
      %rev3A_137 = tpu.dynamic_gather %masked_sort3A_131[%rev3A_136] in [0] : vector<16xf32>, vector<16xi32> -> vector<16xf32>
      %min3A_138 = arith.minimumf %masked_sort3A_112, %rev3A_137 : vector<16xf32>
      %rev3A_139 = arith.constant 15 : i32
      %rev3A_140 = vector.broadcast %rev3A_139 : i32 to vector<16xi32>
      %rev3A_141 = tpu.iota {dimensions = array<i32: 0>} : vector<16xi32>
      %rev3A_142 = arith.subi %rev3A_140, %rev3A_141 : vector<16xi32>
      %rev3A_143 = tpu.dynamic_gather %masked_sort3A_126[%rev3A_142] in [0] : vector<16xf32>, vector<16xi32> -> vector<16xf32>
      %min3A_144 = arith.minimumf %masked_sort3A_116, %rev3A_143 : vector<16xf32>
      %max3A_145 = arith.maximumf %min3A_138, %min3A_144 : vector<16xf32>
      %reduce_max3A = arith.constant true
      %reduce_max3A_146 = vector.broadcast %reduce_max3A : i1 to vector<16xi1>
      %reduce_max3A_147 = tpu.scan <max>, %max3A_145 masked %reduce_max3A_146 : vector<16xf32>, vector<16xi1> -> vector<16xf32>
      %reduce_max3A_148 = vector.extract %reduce_max3A_147[15] : f32 from vector<16xf32>
      %broadcast_in_dim3A = vector.broadcast %reduce_max3A_148 : f32 to vector<16xf32>
      %broadcast_in_dim3A_149 = arith.constant 0 : i32
      %broadcast_in_dim3A_150 = vector.broadcast %broadcast_in_dim3A_149 : i32 to vector<16xi32>
      %parallel_loop3A = arith.constant 0 : i32
      %parallel_loop3A_151 = arith.constant 512 : i32
      %parallel_loop3A_152 = arith.constant 1 : i32
      %parallel_loop3A_153 = scf.for %parallel_loop3A_1201 = %parallel_loop3A to %parallel_loop3A_151 step %parallel_loop3A_152 iter_args(%parallel_loop3A_1202 = %broadcast_in_dim3A_150) -> (vector<16xi32>)  : i32 {
        %parallel_loop3A_1203 = arith.constant 16 : i32
        %parallel_loop3A_1204 = arith.muli %parallel_loop3A_1201, %parallel_loop3A_1203 : i32
        %parallel_loop3A_1205 = arith.constant 0 : i32
        %parallel_loop3A_1206 = arith.addi %parallel_loop3A_1205, %parallel_loop3A_1204 : i32
        %parallel_loop3A_1207 = arith.index_cast %parallel_loop3A_1206 : i32 to index
        %parallel_loop3A_1208 = tpu.vector_load %arg10[%parallel_loop3A_1207] {strides = array<i32>} : memref<16384xf32, #tpu.memory_space<vmem>>, vector<16xf32>,
        %parallel_loop3A_1209 = arith.cmpf ole, %parallel_loop3A_1208, %broadcast_in_dim3A : vector<16xf32>
        %parallel_loop3A_1210 = arith.constant 1 : i32
        %parallel_loop3A_1211 = arith.constant 0 : i32
        %parallel_loop3A_1212 = vector.broadcast %parallel_loop3A_1210 : i32 to vector<16xi32>
        %parallel_loop3A_1213 = vector.broadcast %parallel_loop3A_1211 : i32 to vector<16xi32>
        %parallel_loop3A_1214 = arith.select %parallel_loop3A_1209, %parallel_loop3A_1212, %parallel_loop3A_1213 : vector<16xi1>, vector<16xi32>
        %parallel_loop3A_1215 = arith.constant true
        %parallel_loop3A_1216 = vector.broadcast %parallel_loop3A_1215 : i1 to vector<16xi1>
        %parallel_loop3A_1217 = tpu.scan <sum>, %parallel_loop3A_1214 masked %parallel_loop3A_1216 : vector<16xi32>, vector<16xi1> -> vector<16xi32>
        %parallel_loop3A_1218 = arith.addi %parallel_loop3A_1202, %parallel_loop3A_1217 : vector<16xi32>
        %parallel_loop3A_1219 = arith.constant 1 : i32
        %parallel_loop3A_1220 = vector.broadcast %parallel_loop3A_1219 : i32 to vector<16xi32>
        %parallel_loop3A_1221 = arith.subi %parallel_loop3A_1218, %parallel_loop3A_1220 : vector<16xi32>
        %parallel_loop3A_1222 = arith.constant 528 : i32
        %parallel_loop3A_1223 = vector.broadcast %parallel_loop3A_1222 : i32 to vector<16xi32>
        %parallel_loop3A_1224 = arith.cmpi slt, %parallel_loop3A_1221, %parallel_loop3A_1223 : vector<16xi32>
        %parallel_loop3A_1225 = arith.andi %parallel_loop3A_1209, %parallel_loop3A_1224 : vector<16xi1>
        %parallel_loop3A_1226 = arith.constant 16 : i32
        %parallel_loop3A_1227 = arith.muli %parallel_loop3A_1201, %parallel_loop3A_1226 : i32
        %parallel_loop3A_1228 = vector.broadcast %parallel_loop3A_1227 : i32 to vector<16xi32>
        %parallel_loop3A_1229 = arith.addi %iota3A, %parallel_loop3A_1228 : vector<16xi32>
        tpu.vector_store_idx %arg11[%parallel_loop3A_1221], %parallel_loop3A_1229 masked %parallel_loop3A_1225 : memref<528xi32, #tpu.memory_space<vmem>>[vector<16xi32>], vector<16xi32>, vector<16xi1>
        %parallel_loop3A_1230 = tpu.all_reduce %parallel_loop3A_1209 {dim = 0 : i64, kind = #tpu.reduction_kind<sum>} : vector<16xi1> -> vector<16xi32>
        %parallel_loop3A_1231 = arith.addi %parallel_loop3A_1202, %parallel_loop3A_1230 : vector<16xi32>
        scf.yield %parallel_loop3A_1231 : vector<16xi32>
      } {sc.loop_unroll_factor = 8 : i64, sc.parallel_access}
      %reduce_max3A_154 = arith.constant true
      %reduce_max3A_155 = vector.broadcast %reduce_max3A_154 : i1 to vector<16xi1>
      %reduce_max3A_156 = arith.constant -2147483648 : i32
      %reduce_max3A_157 = vector.broadcast %reduce_max3A_156 : i32 to vector<16xi32>
      %reduce_max3A_158 = arith.xori %parallel_loop3A_153, %reduce_max3A_157 : vector<16xi32>
      %reduce_max3A_159 = tpu.scan <max>, %reduce_max3A_158 masked %reduce_max3A_155 : vector<16xi32>, vector<16xi1> -> vector<16xi32>
      %reduce_max3A_160 = arith.xori %reduce_max3A_159, %reduce_max3A_157 : vector<16xi32>
      %reduce_max3A_161 = vector.extract %reduce_max3A_160[15] : i32 from vector<16xi32>
      %min3A_162 = arith.constant 528 : i32
      %min3A_163 = arith.minsi %reduce_max3A_161, %min3A_162 : i32
      %broadcast_in_dim3A_164 = vector.broadcast %min3A_163 : i32 to vector<16xi32>
      %add3A_165 = arith.constant 15 : i32
      %add3A_166 = arith.addi %min3A_163, %add3A_165 : i32
      %jit3A_167 = arith.constant 16 : i32
      %div3A_168 = arith.divsi %add3A_166, %jit3A_167 : i32
      %sign3A_169 = arith.constant 0 : i32
      %sign3A_170 = arith.cmpi sgt, %add3A_166, %sign3A_169 : i32
      %sign3A_171 = arith.extui %sign3A_170 : i1 to i32
      %sign3A_172 = arith.constant 0 : i32
      %sign3A_173 = arith.cmpi slt, %add3A_166, %sign3A_172 : i32
      %sign3A_174 = arith.extui %sign3A_173 : i1 to i32
      %sign3A_175 = arith.subi %sign3A_171, %sign3A_174 : i32
      %sign3A_176 = arith.constant 0 : i32
      %sign3A_177 = arith.cmpi sgt, %jit3A_167, %sign3A_176 : i32
      %sign3A_178 = arith.extui %sign3A_177 : i1 to i32
      %sign3A_179 = arith.constant 0 : i32
      %sign3A_180 = arith.cmpi slt, %jit3A_167, %sign3A_179 : i32
      %sign3A_181 = arith.extui %sign3A_180 : i1 to i32
      %sign3A_182 = arith.subi %sign3A_178, %sign3A_181 : i32
      %ne3A_183 = arith.cmpi ne, %sign3A_175, %sign3A_182 : i32
      %rem3A_184 = arith.remsi %add3A_166, %jit3A_167 : i32
      %ne3A_185 = arith.constant 0 : i32
      %ne3A_186 = arith.cmpi ne, %rem3A_184, %ne3A_185 : i32
      %and3A_187 = arith.andi %ne3A_183, %ne3A_186 : i1
      %sub3A_188 = arith.constant 1 : i32
      %sub3A_189 = arith.subi %div3A_168, %sub3A_188 : i32
      %select_n3A_190 = arith.select %and3A_187, %sub3A_189, %div3A_168 : i32
      %broadcast_in_dim3A_191 = arith.constant 0 : i32
      %broadcast_in_dim3A_192 = vector.broadcast %broadcast_in_dim3A_191 : i32 to vector<16xi32>
      %max3A_193 = arith.constant 4 : i32
      %max3A_194 = arith.maxsi %select_n3A_190, %max3A_193 : i32
      %while3A = arith.constant 0 : i32
      %while3A_195 = arith.constant 0 : i32
      %while3A_196 = arith.subi %max3A_194, %while3A : i32
      %while3A_197 = arith.addi %while3A, %while3A_196 : i32
      %while3A_198 = arith.constant 1 : i32
      %while3A_199 = arith.divsi %while3A_196, %while3A_198 : i32
      %while3A_200 = arith.muli %while3A_199, %while3A_198 : i32
      %while3A_201 = arith.addi %while3A, %while3A_200 : i32
      %while3A_202 = arith.constant 1 : i32
      %while3A_203 = scf.for %while3A_1201 = %while3A to %while3A_201 step %while3A_202 iter_args(%while3A_1202 = %while3A_195) -> (i32)  : i32 {
        %mul3A_1203 = arith.constant 16 : i32
        %mul3A_1204 = arith.muli %while3A_1201, %mul3A_1203 : i32
        %get3A_1205 = arith.index_cast %mul3A_1204 : i32 to index
        %get3A_1206 = tpu.vector_load %arg11[%get3A_1205] {strides = array<i32>} : memref<528xi32, #tpu.memory_space<vmem>>, vector<16xi32>,
        %mul3A_1207 = arith.constant 16 : i32
        %mul3A_1208 = arith.muli %while3A_1201, %mul3A_1207 : i32
        %add3A_1209 = vector.broadcast %mul3A_1208 : i32 to vector<16xi32>
        %add3A_1210 = arith.addi %iota3A, %add3A_1209 : vector<16xi32>
        %lt3A_1211 = arith.cmpi slt, %add3A_1210, %broadcast_in_dim3A_164 : vector<16xi32>
        %add3A_1212 = arith.addi %broadcast_in_dim3A_192, %get3A_1206 : vector<16xi32>
        %gather3A_1213 = tpu.vector_load_idx %arg10[%add3A_1212] masked %lt3A_1211 : memref<16384xf32, #tpu.memory_space<vmem>>[vector<16xi32>], vector<16xf32>, vector<16xi1>
        %broadcast_in_dim3A_1214 = vector.broadcast %scan3A_50 : f32 to vector<16xf32>
        %select_n3A_1215 = arith.select %lt3A_1211, %gather3A_1213, %broadcast_in_dim3A_1214 : vector<16xi1>, vector<16xf32>
        %mul3A_1216 = arith.constant 16 : i32
        %mul3A_1217 = arith.muli %while3A_1201, %mul3A_1216 : i32
        %swap3A = arith.index_cast %mul3A_1217 : i32 to index
        %swap3A_1218 = tpu.vector_load %arg12[%swap3A] {strides = array<i32>} : memref<528xf32, #tpu.memory_space<vmem>>, vector<16xf32>,
        tpu.vector_store %arg12[%swap3A], %select_n3A_1215 {strides = array<i32>} : memref<528xf32, #tpu.memory_space<vmem>>, vector<16xf32>,
        %while3A_1219 = arith.constant 0 : i32
        scf.yield %while3A_1219 : i32
      }
      %while3A_204 = arith.constant 1 : i32
      %while3A_205 = scf.for %while3A_1201 = %while3A_201 to %while3A_197 step %while3A_204 iter_args(%while3A_1202 = %while3A_203) -> (i32)  : i32 {
        %mul3A_1203 = arith.constant 16 : i32
        %mul3A_1204 = arith.muli %while3A_1201, %mul3A_1203 : i32
        %get3A_1205 = arith.index_cast %mul3A_1204 : i32 to index
        %get3A_1206 = tpu.vector_load %arg11[%get3A_1205] {strides = array<i32>} : memref<528xi32, #tpu.memory_space<vmem>>, vector<16xi32>,
        %mul3A_1207 = arith.constant 16 : i32
        %mul3A_1208 = arith.muli %while3A_1201, %mul3A_1207 : i32
        %add3A_1209 = vector.broadcast %mul3A_1208 : i32 to vector<16xi32>
        %add3A_1210 = arith.addi %iota3A, %add3A_1209 : vector<16xi32>
        %lt3A_1211 = arith.cmpi slt, %add3A_1210, %broadcast_in_dim3A_164 : vector<16xi32>
        %add3A_1212 = arith.addi %broadcast_in_dim3A_192, %get3A_1206 : vector<16xi32>
        %gather3A_1213 = tpu.vector_load_idx %arg10[%add3A_1212] masked %lt3A_1211 : memref<16384xf32, #tpu.memory_space<vmem>>[vector<16xi32>], vector<16xf32>, vector<16xi1>
        %broadcast_in_dim3A_1214 = vector.broadcast %scan3A_50 : f32 to vector<16xf32>
        %select_n3A_1215 = arith.select %lt3A_1211, %gather3A_1213, %broadcast_in_dim3A_1214 : vector<16xi1>, vector<16xf32>
        %mul3A_1216 = arith.constant 16 : i32
        %mul3A_1217 = arith.muli %while3A_1201, %mul3A_1216 : i32
        %swap3A = arith.index_cast %mul3A_1217 : i32 to index
        %swap3A_1218 = tpu.vector_load %arg12[%swap3A] {strides = array<i32>} : memref<528xf32, #tpu.memory_space<vmem>>, vector<16xf32>,
        tpu.vector_store %arg12[%swap3A], %select_n3A_1215 {strides = array<i32>} : memref<528xf32, #tpu.memory_space<vmem>>, vector<16xf32>,
        %while3A_1219 = arith.constant 0 : i32
        scf.yield %while3A_1219 : i32
      }
      %get3A_206 = arith.constant 0 : index
      %get3A_207 = tpu.vector_load %arg12[%get3A_206] {strides = array<i32>} : memref<528xf32, #tpu.memory_space<vmem>>, vector<16xf32>,
      %get3A_208 = arith.constant 0 : index
      %get3A_209 = tpu.vector_load %arg11[%get3A_208] {strides = array<i32>} : memref<528xi32, #tpu.memory_space<vmem>>, vector<16xi32>,
      %get3A_210 = arith.constant 16 : index
      %get3A_211 = tpu.vector_load %arg12[%get3A_210] {strides = array<i32>} : memref<528xf32, #tpu.memory_space<vmem>>, vector<16xf32>,
      %get3A_212 = arith.constant 16 : index
      %get3A_213 = tpu.vector_load %arg11[%get3A_212] {strides = array<i32>} : memref<528xi32, #tpu.memory_space<vmem>>, vector<16xi32>,
      %get3A_214 = arith.constant 32 : index
      %get3A_215 = tpu.vector_load %arg12[%get3A_214] {strides = array<i32>} : memref<528xf32, #tpu.memory_space<vmem>>, vector<16xf32>,
      %get3A_216 = arith.constant 32 : index
      %get3A_217 = tpu.vector_load %arg11[%get3A_216] {strides = array<i32>} : memref<528xi32, #tpu.memory_space<vmem>>, vector<16xi32>,
      %get3A_218 = arith.constant 48 : index
      %get3A_219 = tpu.vector_load %arg12[%get3A_218] {strides = array<i32>} : memref<528xf32, #tpu.memory_space<vmem>>, vector<16xf32>,
      %get3A_220 = arith.constant 48 : index
      %get3A_221 = tpu.vector_load %arg11[%get3A_220] {strides = array<i32>} : memref<528xi32, #tpu.memory_space<vmem>>, vector<16xi32>,
      %masked_sort3A_222 = arith.constant dense<true> : vector<16xi1>
      %masked_sort3A_223, %masked_sort3A_224, %masked_sort3A_225 = tpu.sort %get3A_207, %get3A_209 masked %masked_sort3A_222 : (vector<16xf32>, vector<16xi32>, vector<16xi1>) -> (vector<16xi1>, vector<16xf32>, vector<16xi32>)
      %masked_sort3A_226 = arith.constant dense<true> : vector<16xi1>
      %masked_sort3A_227, %masked_sort3A_228, %masked_sort3A_229 = tpu.sort %get3A_211, %get3A_213 masked %masked_sort3A_226 : (vector<16xf32>, vector<16xi32>, vector<16xi1>) -> (vector<16xi1>, vector<16xf32>, vector<16xi32>)
      %masked_sort3A_230 = arith.constant dense<true> : vector<16xi1>
      %masked_sort3A_231, %masked_sort3A_232, %masked_sort3A_233 = tpu.sort %get3A_215, %get3A_217 masked %masked_sort3A_230 : (vector<16xf32>, vector<16xi32>, vector<16xi1>) -> (vector<16xi1>, vector<16xf32>, vector<16xi32>)
      %masked_sort3A_234 = arith.constant dense<true> : vector<16xi1>
      %masked_sort3A_235, %masked_sort3A_236, %masked_sort3A_237 = tpu.sort %get3A_219, %get3A_221 masked %masked_sort3A_234 : (vector<16xf32>, vector<16xi32>, vector<16xi1>) -> (vector<16xi1>, vector<16xf32>, vector<16xi32>)
      %rev3A_238 = arith.constant 15 : i32
      %rev3A_239 = vector.broadcast %rev3A_238 : i32 to vector<16xi32>
      %rev3A_240 = tpu.iota {dimensions = array<i32: 0>} : vector<16xi32>
      %rev3A_241 = arith.subi %rev3A_239, %rev3A_240 : vector<16xi32>
      %rev3A_242 = tpu.dynamic_gather %masked_sort3A_228[%rev3A_241] in [0] : vector<16xf32>, vector<16xi32> -> vector<16xf32>
      %rev3A_243 = arith.constant 15 : i32
      %rev3A_244 = vector.broadcast %rev3A_243 : i32 to vector<16xi32>
      %rev3A_245 = tpu.iota {dimensions = array<i32: 0>} : vector<16xi32>
      %rev3A_246 = arith.subi %rev3A_244, %rev3A_245 : vector<16xi32>
      %rev3A_247 = tpu.dynamic_gather %masked_sort3A_229[%rev3A_246] in [0] : vector<16xi32>, vector<16xi32> -> vector<16xi32>
      %lt3A = arith.cmpf olt, %masked_sort3A_224, %rev3A_242 : vector<16xf32>
      %eq3A = arith.cmpf oeq, %masked_sort3A_224, %rev3A_242 : vector<16xf32>
      %lt3A_248 = arith.cmpi slt, %masked_sort3A_225, %rev3A_247 : vector<16xi32>
      %and3A_249 = arith.andi %eq3A, %lt3A_248 : vector<16xi1>
      %or3A = arith.ori %lt3A, %and3A_249 : vector<16xi1>
      %select_n3A_250 = arith.select %or3A, %masked_sort3A_224, %rev3A_242 : vector<16xi1>, vector<16xf32>
      %select_n3A_251 = arith.select %or3A, %masked_sort3A_225, %rev3A_247 : vector<16xi1>, vector<16xi32>
      %select_n3A_252 = arith.select %or3A, %rev3A_242, %masked_sort3A_224 : vector<16xi1>, vector<16xf32>
      %select_n3A_253 = arith.select %or3A, %rev3A_247, %masked_sort3A_225 : vector<16xi1>, vector<16xi32>
      %masked_sort3A_254 = arith.constant dense<true> : vector<16xi1>
      %masked_sort3A_255, %masked_sort3A_256, %masked_sort3A_257 = tpu.sort %select_n3A_250, %select_n3A_251 masked %masked_sort3A_254 : (vector<16xf32>, vector<16xi32>, vector<16xi1>) -> (vector<16xi1>, vector<16xf32>, vector<16xi32>)
      %masked_sort3A_258 = arith.constant dense<true> : vector<16xi1>
      %masked_sort3A_259, %masked_sort3A_260, %masked_sort3A_261 = tpu.sort %select_n3A_252, %select_n3A_253 masked %masked_sort3A_258 : (vector<16xf32>, vector<16xi32>, vector<16xi1>) -> (vector<16xi1>, vector<16xf32>, vector<16xi32>)
      %rev3A_262 = arith.constant 15 : i32
      %rev3A_263 = vector.broadcast %rev3A_262 : i32 to vector<16xi32>
      %rev3A_264 = tpu.iota {dimensions = array<i32: 0>} : vector<16xi32>
      %rev3A_265 = arith.subi %rev3A_263, %rev3A_264 : vector<16xi32>
      %rev3A_266 = tpu.dynamic_gather %masked_sort3A_236[%rev3A_265] in [0] : vector<16xf32>, vector<16xi32> -> vector<16xf32>
      %rev3A_267 = arith.constant 15 : i32
      %rev3A_268 = vector.broadcast %rev3A_267 : i32 to vector<16xi32>
      %rev3A_269 = tpu.iota {dimensions = array<i32: 0>} : vector<16xi32>
      %rev3A_270 = arith.subi %rev3A_268, %rev3A_269 : vector<16xi32>
      %rev3A_271 = tpu.dynamic_gather %masked_sort3A_237[%rev3A_270] in [0] : vector<16xi32>, vector<16xi32> -> vector<16xi32>
      %lt3A_272 = arith.cmpf olt, %masked_sort3A_232, %rev3A_266 : vector<16xf32>
      %eq3A_273 = arith.cmpf oeq, %masked_sort3A_232, %rev3A_266 : vector<16xf32>
      %lt3A_274 = arith.cmpi slt, %masked_sort3A_233, %rev3A_271 : vector<16xi32>
      %and3A_275 = arith.andi %eq3A_273, %lt3A_274 : vector<16xi1>
      %or3A_276 = arith.ori %lt3A_272, %and3A_275 : vector<16xi1>
      %select_n3A_277 = arith.select %or3A_276, %masked_sort3A_232, %rev3A_266 : vector<16xi1>, vector<16xf32>
      %select_n3A_278 = arith.select %or3A_276, %masked_sort3A_233, %rev3A_271 : vector<16xi1>, vector<16xi32>
      %select_n3A_279 = arith.select %or3A_276, %rev3A_266, %masked_sort3A_232 : vector<16xi1>, vector<16xf32>
      %select_n3A_280 = arith.select %or3A_276, %rev3A_271, %masked_sort3A_233 : vector<16xi1>, vector<16xi32>
      %masked_sort3A_281 = arith.constant dense<true> : vector<16xi1>
      %masked_sort3A_282, %masked_sort3A_283, %masked_sort3A_284 = tpu.sort %select_n3A_277, %select_n3A_278 masked %masked_sort3A_281 : (vector<16xf32>, vector<16xi32>, vector<16xi1>) -> (vector<16xi1>, vector<16xf32>, vector<16xi32>)
      %masked_sort3A_285 = arith.constant dense<true> : vector<16xi1>
      %masked_sort3A_286, %masked_sort3A_287, %masked_sort3A_288 = tpu.sort %select_n3A_279, %select_n3A_280 masked %masked_sort3A_285 : (vector<16xf32>, vector<16xi32>, vector<16xi1>) -> (vector<16xi1>, vector<16xf32>, vector<16xi32>)
      %rev3A_289 = arith.constant 15 : i32
      %rev3A_290 = vector.broadcast %rev3A_289 : i32 to vector<16xi32>
      %rev3A_291 = tpu.iota {dimensions = array<i32: 0>} : vector<16xi32>
      %rev3A_292 = arith.subi %rev3A_290, %rev3A_291 : vector<16xi32>
      %rev3A_293 = tpu.dynamic_gather %masked_sort3A_287[%rev3A_292] in [0] : vector<16xf32>, vector<16xi32> -> vector<16xf32>
      %rev3A_294 = arith.constant 15 : i32
      %rev3A_295 = vector.broadcast %rev3A_294 : i32 to vector<16xi32>
      %rev3A_296 = tpu.iota {dimensions = array<i32: 0>} : vector<16xi32>
      %rev3A_297 = arith.subi %rev3A_295, %rev3A_296 : vector<16xi32>
      %rev3A_298 = tpu.dynamic_gather %masked_sort3A_288[%rev3A_297] in [0] : vector<16xi32>, vector<16xi32> -> vector<16xi32>
      %rev3A_299 = arith.constant 15 : i32
      %rev3A_300 = vector.broadcast %rev3A_299 : i32 to vector<16xi32>
      %rev3A_301 = tpu.iota {dimensions = array<i32: 0>} : vector<16xi32>
      %rev3A_302 = arith.subi %rev3A_300, %rev3A_301 : vector<16xi32>
      %rev3A_303 = tpu.dynamic_gather %masked_sort3A_283[%rev3A_302] in [0] : vector<16xf32>, vector<16xi32> -> vector<16xf32>
      %rev3A_304 = arith.constant 15 : i32
      %rev3A_305 = vector.broadcast %rev3A_304 : i32 to vector<16xi32>
      %rev3A_306 = tpu.iota {dimensions = array<i32: 0>} : vector<16xi32>
      %rev3A_307 = arith.subi %rev3A_305, %rev3A_306 : vector<16xi32>
      %rev3A_308 = tpu.dynamic_gather %masked_sort3A_284[%rev3A_307] in [0] : vector<16xi32>, vector<16xi32> -> vector<16xi32>
      %lt3A_309 = arith.cmpf olt, %masked_sort3A_256, %rev3A_293 : vector<16xf32>
      %eq3A_310 = arith.cmpf oeq, %masked_sort3A_256, %rev3A_293 : vector<16xf32>
      %lt3A_311 = arith.cmpi slt, %masked_sort3A_257, %rev3A_298 : vector<16xi32>
      %and3A_312 = arith.andi %eq3A_310, %lt3A_311 : vector<16xi1>
      %or3A_313 = arith.ori %lt3A_309, %and3A_312 : vector<16xi1>
      %select_n3A_314 = arith.select %or3A_313, %masked_sort3A_256, %rev3A_293 : vector<16xi1>, vector<16xf32>
      %select_n3A_315 = arith.select %or3A_313, %masked_sort3A_257, %rev3A_298 : vector<16xi1>, vector<16xi32>
      %select_n3A_316 = arith.select %or3A_313, %rev3A_293, %masked_sort3A_256 : vector<16xi1>, vector<16xf32>
      %select_n3A_317 = arith.select %or3A_313, %rev3A_298, %masked_sort3A_257 : vector<16xi1>, vector<16xi32>
      %lt3A_318 = arith.cmpf olt, %masked_sort3A_260, %rev3A_303 : vector<16xf32>
      %eq3A_319 = arith.cmpf oeq, %masked_sort3A_260, %rev3A_303 : vector<16xf32>
      %lt3A_320 = arith.cmpi slt, %masked_sort3A_261, %rev3A_308 : vector<16xi32>
      %and3A_321 = arith.andi %eq3A_319, %lt3A_320 : vector<16xi1>
      %or3A_322 = arith.ori %lt3A_318, %and3A_321 : vector<16xi1>
      %select_n3A_323 = arith.select %or3A_322, %masked_sort3A_260, %rev3A_303 : vector<16xi1>, vector<16xf32>
      %select_n3A_324 = arith.select %or3A_322, %masked_sort3A_261, %rev3A_308 : vector<16xi1>, vector<16xi32>
      %select_n3A_325 = arith.select %or3A_322, %rev3A_303, %masked_sort3A_260 : vector<16xi1>, vector<16xf32>
      %select_n3A_326 = arith.select %or3A_322, %rev3A_308, %masked_sort3A_261 : vector<16xi1>, vector<16xi32>
      %lt3A_327 = arith.cmpf olt, %select_n3A_314, %select_n3A_323 : vector<16xf32>
      %eq3A_328 = arith.cmpf oeq, %select_n3A_314, %select_n3A_323 : vector<16xf32>
      %lt3A_329 = arith.cmpi slt, %select_n3A_315, %select_n3A_324 : vector<16xi32>
      %and3A_330 = arith.andi %eq3A_328, %lt3A_329 : vector<16xi1>
      %or3A_331 = arith.ori %lt3A_327, %and3A_330 : vector<16xi1>
      %select_n3A_332 = arith.select %or3A_331, %select_n3A_314, %select_n3A_323 : vector<16xi1>, vector<16xf32>
      %select_n3A_333 = arith.select %or3A_331, %select_n3A_315, %select_n3A_324 : vector<16xi1>, vector<16xi32>
      %select_n3A_334 = arith.select %or3A_331, %select_n3A_323, %select_n3A_314 : vector<16xi1>, vector<16xf32>
      %select_n3A_335 = arith.select %or3A_331, %select_n3A_324, %select_n3A_315 : vector<16xi1>, vector<16xi32>
      %masked_sort3A_336 = arith.constant dense<true> : vector<16xi1>
      %masked_sort3A_337, %masked_sort3A_338, %masked_sort3A_339 = tpu.sort %select_n3A_332, %select_n3A_333 masked %masked_sort3A_336 : (vector<16xf32>, vector<16xi32>, vector<16xi1>) -> (vector<16xi1>, vector<16xf32>, vector<16xi32>)
      %masked_sort3A_340 = arith.constant dense<true> : vector<16xi1>
      %masked_sort3A_341, %masked_sort3A_342, %masked_sort3A_343 = tpu.sort %select_n3A_334, %select_n3A_335 masked %masked_sort3A_340 : (vector<16xf32>, vector<16xi32>, vector<16xi1>) -> (vector<16xi1>, vector<16xf32>, vector<16xi32>)
      %max3A_344 = arith.constant 4 : i32
      %max3A_345 = arith.maxsi %select_n3A_190, %max3A_344 : i32
      %while3A_346 = arith.constant 4 : i32
      %while3A_347 = arith.subi %max3A_345, %while3A_346 : i32
      %while3A_348 = arith.addi %while3A_346, %while3A_347 : i32
      %while3A_349 = arith.constant 1 : i32
      %while3A_350 = arith.divsi %while3A_347, %while3A_349 : i32
      %while3A_351 = arith.muli %while3A_350, %while3A_349 : i32
      %while3A_352 = arith.addi %while3A_346, %while3A_351 : i32
      %while3A_353 = arith.constant 1 : i32
      %while3A_354:4 = scf.for %while3A_1201 = %while3A_346 to %while3A_352 step %while3A_353 iter_args(%while3A_1202 = %masked_sort3A_338, %while3A_1203 = %masked_sort3A_339, %while3A_1204 = %masked_sort3A_342, %while3A_1205 = %masked_sort3A_343) -> (vector<16xf32>, vector<16xi32>, vector<16xf32>, vector<16xi32>)  : i32 {
        %mul3A_1206 = arith.constant 16 : i32
        %mul3A_1207 = arith.muli %while3A_1201, %mul3A_1206 : i32
        %get3A_1208 = arith.index_cast %mul3A_1207 : i32 to index
        %get3A_1209 = tpu.vector_load %arg12[%get3A_1208] {strides = array<i32>} : memref<528xf32, #tpu.memory_space<vmem>>, vector<16xf32>,
        %mul3A_1210 = arith.constant 16 : i32
        %mul3A_1211 = arith.muli %while3A_1201, %mul3A_1210 : i32
        %get3A_1212 = arith.index_cast %mul3A_1211 : i32 to index
        %get3A_1213 = tpu.vector_load %arg11[%get3A_1212] {strides = array<i32>} : memref<528xi32, #tpu.memory_space<vmem>>, vector<16xi32>,
        %masked_sort3A_1214 = arith.constant dense<true> : vector<16xi1>
        %masked_sort3A_1215, %masked_sort3A_1216, %masked_sort3A_1217 = tpu.sort %get3A_1209, %get3A_1213 masked %masked_sort3A_1214 : (vector<16xf32>, vector<16xi32>, vector<16xi1>) -> (vector<16xi1>, vector<16xf32>, vector<16xi32>)
        %rev3A_1218 = arith.constant 15 : i32
        %rev3A_1219 = vector.broadcast %rev3A_1218 : i32 to vector<16xi32>
        %rev3A_1220 = tpu.iota {dimensions = array<i32: 0>} : vector<16xi32>
        %rev3A_1221 = arith.subi %rev3A_1219, %rev3A_1220 : vector<16xi32>
        %rev3A_1222 = tpu.dynamic_gather %masked_sort3A_1216[%rev3A_1221] in [0] : vector<16xf32>, vector<16xi32> -> vector<16xf32>
        %rev3A_1223 = arith.constant 15 : i32
        %rev3A_1224 = vector.broadcast %rev3A_1223 : i32 to vector<16xi32>
        %rev3A_1225 = tpu.iota {dimensions = array<i32: 0>} : vector<16xi32>
        %rev3A_1226 = arith.subi %rev3A_1224, %rev3A_1225 : vector<16xi32>
        %rev3A_1227 = tpu.dynamic_gather %masked_sort3A_1217[%rev3A_1226] in [0] : vector<16xi32>, vector<16xi32> -> vector<16xi32>
        %lt3A_1228 = arith.cmpf olt, %while3A_1204, %rev3A_1222 : vector<16xf32>
        %eq3A_1229 = arith.cmpf oeq, %while3A_1204, %rev3A_1222 : vector<16xf32>
        %lt3A_1230 = arith.cmpi slt, %while3A_1205, %rev3A_1227 : vector<16xi32>
        %and3A_1231 = arith.andi %eq3A_1229, %lt3A_1230 : vector<16xi1>
        %or3A_1232 = arith.ori %lt3A_1228, %and3A_1231 : vector<16xi1>
        %select_n3A_1233 = arith.select %or3A_1232, %while3A_1204, %rev3A_1222 : vector<16xi1>, vector<16xf32>
        %select_n3A_1234 = arith.select %or3A_1232, %while3A_1205, %rev3A_1227 : vector<16xi1>, vector<16xi32>
        %select_n3A_1235 = arith.select %or3A_1232, %rev3A_1222, %while3A_1204 : vector<16xi1>, vector<16xf32>
        %select_n3A_1236 = arith.select %or3A_1232, %rev3A_1227, %while3A_1205 : vector<16xi1>, vector<16xi32>
        %lt3A_1237 = arith.cmpf olt, %while3A_1202, %select_n3A_1233 : vector<16xf32>
        %eq3A_1238 = arith.cmpf oeq, %while3A_1202, %select_n3A_1233 : vector<16xf32>
        %lt3A_1239 = arith.cmpi slt, %while3A_1203, %select_n3A_1234 : vector<16xi32>
        %and3A_1240 = arith.andi %eq3A_1238, %lt3A_1239 : vector<16xi1>
        %or3A_1241 = arith.ori %lt3A_1237, %and3A_1240 : vector<16xi1>
        %select_n3A_1242 = arith.select %or3A_1241, %while3A_1202, %select_n3A_1233 : vector<16xi1>, vector<16xf32>
        %select_n3A_1243 = arith.select %or3A_1241, %while3A_1203, %select_n3A_1234 : vector<16xi1>, vector<16xi32>
        %select_n3A_1244 = arith.select %or3A_1241, %select_n3A_1233, %while3A_1202 : vector<16xi1>, vector<16xf32>
        %select_n3A_1245 = arith.select %or3A_1241, %select_n3A_1234, %while3A_1203 : vector<16xi1>, vector<16xi32>
        %masked_sort3A_1246 = arith.constant dense<true> : vector<16xi1>
        %masked_sort3A_1247, %masked_sort3A_1248, %masked_sort3A_1249 = tpu.sort %select_n3A_1242, %select_n3A_1243 masked %masked_sort3A_1246 : (vector<16xf32>, vector<16xi32>, vector<16xi1>) -> (vector<16xi1>, vector<16xf32>, vector<16xi32>)
        %masked_sort3A_1250 = arith.constant dense<true> : vector<16xi1>
        %masked_sort3A_1251, %masked_sort3A_1252, %masked_sort3A_1253 = tpu.sort %select_n3A_1244, %select_n3A_1245 masked %masked_sort3A_1250 : (vector<16xf32>, vector<16xi32>, vector<16xi1>) -> (vector<16xi1>, vector<16xf32>, vector<16xi32>)
        scf.yield %masked_sort3A_1248, %masked_sort3A_1249, %masked_sort3A_1252, %masked_sort3A_1253 : vector<16xf32>, vector<16xi32>, vector<16xf32>, vector<16xi32>
      }
      %while3A_355 = arith.constant 1 : i32
      %while3A_356:4 = scf.for %while3A_1201 = %while3A_352 to %while3A_348 step %while3A_355 iter_args(%while3A_1202 = %while3A_354#0, %while3A_1203 = %while3A_354#1, %while3A_1204 = %while3A_354#2, %while3A_1205 = %while3A_354#3) -> (vector<16xf32>, vector<16xi32>, vector<16xf32>, vector<16xi32>)  : i32 {
        %mul3A_1206 = arith.constant 16 : i32
        %mul3A_1207 = arith.muli %while3A_1201, %mul3A_1206 : i32
        %get3A_1208 = arith.index_cast %mul3A_1207 : i32 to index
        %get3A_1209 = tpu.vector_load %arg12[%get3A_1208] {strides = array<i32>} : memref<528xf32, #tpu.memory_space<vmem>>, vector<16xf32>,
        %mul3A_1210 = arith.constant 16 : i32
        %mul3A_1211 = arith.muli %while3A_1201, %mul3A_1210 : i32
        %get3A_1212 = arith.index_cast %mul3A_1211 : i32 to index
        %get3A_1213 = tpu.vector_load %arg11[%get3A_1212] {strides = array<i32>} : memref<528xi32, #tpu.memory_space<vmem>>, vector<16xi32>,
        %masked_sort3A_1214 = arith.constant dense<true> : vector<16xi1>
        %masked_sort3A_1215, %masked_sort3A_1216, %masked_sort3A_1217 = tpu.sort %get3A_1209, %get3A_1213 masked %masked_sort3A_1214 : (vector<16xf32>, vector<16xi32>, vector<16xi1>) -> (vector<16xi1>, vector<16xf32>, vector<16xi32>)
        %rev3A_1218 = arith.constant 15 : i32
        %rev3A_1219 = vector.broadcast %rev3A_1218 : i32 to vector<16xi32>
        %rev3A_1220 = tpu.iota {dimensions = array<i32: 0>} : vector<16xi32>
        %rev3A_1221 = arith.subi %rev3A_1219, %rev3A_1220 : vector<16xi32>
        %rev3A_1222 = tpu.dynamic_gather %masked_sort3A_1216[%rev3A_1221] in [0] : vector<16xf32>, vector<16xi32> -> vector<16xf32>
        %rev3A_1223 = arith.constant 15 : i32
        %rev3A_1224 = vector.broadcast %rev3A_1223 : i32 to vector<16xi32>
        %rev3A_1225 = tpu.iota {dimensions = array<i32: 0>} : vector<16xi32>
        %rev3A_1226 = arith.subi %rev3A_1224, %rev3A_1225 : vector<16xi32>
        %rev3A_1227 = tpu.dynamic_gather %masked_sort3A_1217[%rev3A_1226] in [0] : vector<16xi32>, vector<16xi32> -> vector<16xi32>
        %lt3A_1228 = arith.cmpf olt, %while3A_1204, %rev3A_1222 : vector<16xf32>
        %eq3A_1229 = arith.cmpf oeq, %while3A_1204, %rev3A_1222 : vector<16xf32>
        %lt3A_1230 = arith.cmpi slt, %while3A_1205, %rev3A_1227 : vector<16xi32>
        %and3A_1231 = arith.andi %eq3A_1229, %lt3A_1230 : vector<16xi1>
        %or3A_1232 = arith.ori %lt3A_1228, %and3A_1231 : vector<16xi1>
        %select_n3A_1233 = arith.select %or3A_1232, %while3A_1204, %rev3A_1222 : vector<16xi1>, vector<16xf32>
        %select_n3A_1234 = arith.select %or3A_1232, %while3A_1205, %rev3A_1227 : vector<16xi1>, vector<16xi32>
        %select_n3A_1235 = arith.select %or3A_1232, %rev3A_1222, %while3A_1204 : vector<16xi1>, vector<16xf32>
        %select_n3A_1236 = arith.select %or3A_1232, %rev3A_1227, %while3A_1205 : vector<16xi1>, vector<16xi32>
        %lt3A_1237 = arith.cmpf olt, %while3A_1202, %select_n3A_1233 : vector<16xf32>
        %eq3A_1238 = arith.cmpf oeq, %while3A_1202, %select_n3A_1233 : vector<16xf32>
        %lt3A_1239 = arith.cmpi slt, %while3A_1203, %select_n3A_1234 : vector<16xi32>
        %and3A_1240 = arith.andi %eq3A_1238, %lt3A_1239 : vector<16xi1>
        %or3A_1241 = arith.ori %lt3A_1237, %and3A_1240 : vector<16xi1>
        %select_n3A_1242 = arith.select %or3A_1241, %while3A_1202, %select_n3A_1233 : vector<16xi1>, vector<16xf32>
        %select_n3A_1243 = arith.select %or3A_1241, %while3A_1203, %select_n3A_1234 : vector<16xi1>, vector<16xi32>
        %select_n3A_1244 = arith.select %or3A_1241, %select_n3A_1233, %while3A_1202 : vector<16xi1>, vector<16xf32>
        %select_n3A_1245 = arith.select %or3A_1241, %select_n3A_1234, %while3A_1203 : vector<16xi1>, vector<16xi32>
        %masked_sort3A_1246 = arith.constant dense<true> : vector<16xi1>
        %masked_sort3A_1247, %masked_sort3A_1248, %masked_sort3A_1249 = tpu.sort %select_n3A_1242, %select_n3A_1243 masked %masked_sort3A_1246 : (vector<16xf32>, vector<16xi32>, vector<16xi1>) -> (vector<16xi1>, vector<16xf32>, vector<16xi32>)
        %masked_sort3A_1250 = arith.constant dense<true> : vector<16xi1>
        %masked_sort3A_1251, %masked_sort3A_1252, %masked_sort3A_1253 = tpu.sort %select_n3A_1244, %select_n3A_1245 masked %masked_sort3A_1250 : (vector<16xf32>, vector<16xi32>, vector<16xi1>) -> (vector<16xi1>, vector<16xf32>, vector<16xi32>)
        scf.yield %masked_sort3A_1248, %masked_sort3A_1249, %masked_sort3A_1252, %masked_sort3A_1253 : vector<16xf32>, vector<16xi32>, vector<16xf32>, vector<16xi32>
      }
      %min3A_357 = arith.constant 8191 : i32
      %min3A_358 = vector.broadcast %min3A_357 : i32 to vector<16xi32>
      %min3A_359 = arith.minsi %while3A_356#1, %min3A_358 : vector<16xi32>
      %min3A_360 = arith.constant 8191 : i32
      %min3A_361 = vector.broadcast %min3A_360 : i32 to vector<16xi32>
      %min3A_362 = arith.minsi %while3A_356#3, %min3A_361 : vector<16xi32>
      %jit3A_363 = arith.constant 16 : i32
      %eq3A_364 = arith.constant 0 : i32
      %eq3A_365 = arith.cmpi eq, %jit3A_363, %eq3A_364 : i32
      %jit3A_366 = arith.constant 1 : i32
      %select_n3A_367 = arith.select %eq3A_365, %jit3A_366, %jit3A_363 : i32
      %rem3A_368 = arith.remsi %mul3A_61, %select_n3A_367 : i32
      %ne3A_369 = arith.constant 0 : i32
      %ne3A_370 = arith.cmpi ne, %rem3A_368, %ne3A_369 : i32
      %lt3A_371 = arith.constant 0 : i32
      %lt3A_372 = arith.cmpi slt, %rem3A_368, %lt3A_371 : i32
      %lt3A_373 = arith.constant 0 : i32
      %lt3A_374 = arith.cmpi slt, %select_n3A_367, %lt3A_373 : i32
      %ne3A_375 = arith.xori %lt3A_372, %lt3A_374 : i1
      %and3A_376 = arith.andi %ne3A_375, %ne3A_370 : i1
      %add3A_377 = arith.addi %rem3A_368, %select_n3A_367 : i32
      %select_n3A_378 = arith.select %and3A_376, %add3A_377, %rem3A_368 : i32
      %mul3A_379 = arith.constant 3 : i32
      %mul3A_380 = arith.muli %mul3A_61, %mul3A_379 : i32
      %broadcast_in_dim3A_381 = arith.constant 0 : i32
      %broadcast_in_dim3A_382 = vector.broadcast %broadcast_in_dim3A_381 : i32 to vector<16xi32>
      %add3A_383 = vector.broadcast %mul3A_380 : i32 to vector<16xi32>
      %add3A_384 = arith.addi %broadcast_in_dim3A_382, %add3A_383 : vector<16xi32>
      %gather3A = tpu.vector_load_idx %arg9[%add3A_384] : memref<384xf32, #tpu.memory_space<vmem>>[vector<16xi32>], vector<16xf32>,
      %broadcast_in_dim3A_385 = arith.constant 1 : i32
      %broadcast_in_dim3A_386 = vector.broadcast %broadcast_in_dim3A_385 : i32 to vector<16xi32>
      %add3A_387 = vector.broadcast %mul3A_380 : i32 to vector<16xi32>
      %add3A_388 = arith.addi %broadcast_in_dim3A_386, %add3A_387 : vector<16xi32>
      %gather3A_389 = tpu.vector_load_idx %arg9[%add3A_388] : memref<384xf32, #tpu.memory_space<vmem>>[vector<16xi32>], vector<16xf32>,
      %broadcast_in_dim3A_390 = arith.constant 2 : i32
      %broadcast_in_dim3A_391 = vector.broadcast %broadcast_in_dim3A_390 : i32 to vector<16xi32>
      %add3A_392 = vector.broadcast %mul3A_380 : i32 to vector<16xi32>
      %add3A_393 = arith.addi %broadcast_in_dim3A_391, %add3A_392 : vector<16xi32>
      %gather3A_394 = tpu.vector_load_idx %arg9[%add3A_393] : memref<384xf32, #tpu.memory_space<vmem>>[vector<16xi32>], vector<16xf32>,
      %add3A_395 = arith.constant 0 : i32
      %add3A_396 = vector.broadcast %add3A_395 : i32 to vector<16xi32>
      %add3A_397 = arith.addi %iota3A, %add3A_396 : vector<16xi32>
      %mul3A_398 = arith.constant 6 : i32
      %mul3A_399 = vector.broadcast %mul3A_398 : i32 to vector<16xi32>
      %mul3A_400 = arith.muli %min3A_359, %mul3A_399 : vector<16xi32>
      %add3A_401 = arith.constant 0 : i32
      %add3A_402 = vector.broadcast %add3A_401 : i32 to vector<16xi32>
      %add3A_403 = arith.addi %mul3A_400, %add3A_402 : vector<16xi32>
      %gather3A_404 = tpu.vector_load_idx %arg7[%add3A_403] : memref<49152xf32, #tpu.memory_space<vmem>>[vector<16xi32>], vector<16xf32>,
      %sub3A_405 = arith.subf %gather3A_404, %gather3A : vector<16xf32>
      %mul3A_406 = arith.constant 192 : i32
      %mul3A_407 = arith.muli %select_n3A_378, %mul3A_406 : i32
      %mul3A_408 = arith.constant 6 : i32
      %mul3A_409 = vector.broadcast %mul3A_408 : i32 to vector<16xi32>
      %mul3A_410 = arith.muli %add3A_397, %mul3A_409 : vector<16xi32>
      %add3A_411 = vector.broadcast %mul3A_407 : i32 to vector<16xi32>
      %add3A_412 = arith.addi %add3A_411, %mul3A_410 : vector<16xi32>
      %add3A_413 = arith.constant 0 : i32
      %add3A_414 = vector.broadcast %add3A_413 : i32 to vector<16xi32>
      %add3A_415 = arith.addi %add3A_412, %add3A_414 : vector<16xi32>
      tpu.vector_store_idx %arg13[%add3A_415], %sub3A_405 : memref<3072xf32, #tpu.memory_space<vmem>>[vector<16xi32>], vector<16xf32>,
      %mul3A_416 = arith.constant 6 : i32
      %mul3A_417 = vector.broadcast %mul3A_416 : i32 to vector<16xi32>
      %mul3A_418 = arith.muli %min3A_359, %mul3A_417 : vector<16xi32>
      %add3A_419 = arith.constant 1 : i32
      %add3A_420 = vector.broadcast %add3A_419 : i32 to vector<16xi32>
      %add3A_421 = arith.addi %mul3A_418, %add3A_420 : vector<16xi32>
      %gather3A_422 = tpu.vector_load_idx %arg7[%add3A_421] : memref<49152xf32, #tpu.memory_space<vmem>>[vector<16xi32>], vector<16xf32>,
      %sub3A_423 = arith.subf %gather3A_422, %gather3A_389 : vector<16xf32>
      %mul3A_424 = arith.constant 192 : i32
      %mul3A_425 = arith.muli %select_n3A_378, %mul3A_424 : i32
      %mul3A_426 = arith.constant 6 : i32
      %mul3A_427 = vector.broadcast %mul3A_426 : i32 to vector<16xi32>
      %mul3A_428 = arith.muli %add3A_397, %mul3A_427 : vector<16xi32>
      %add3A_429 = vector.broadcast %mul3A_425 : i32 to vector<16xi32>
      %add3A_430 = arith.addi %add3A_429, %mul3A_428 : vector<16xi32>
      %add3A_431 = arith.constant 1 : i32
      %add3A_432 = vector.broadcast %add3A_431 : i32 to vector<16xi32>
      %add3A_433 = arith.addi %add3A_430, %add3A_432 : vector<16xi32>
      tpu.vector_store_idx %arg13[%add3A_433], %sub3A_423 : memref<3072xf32, #tpu.memory_space<vmem>>[vector<16xi32>], vector<16xf32>,
      %mul3A_434 = arith.constant 6 : i32
      %mul3A_435 = vector.broadcast %mul3A_434 : i32 to vector<16xi32>
      %mul3A_436 = arith.muli %min3A_359, %mul3A_435 : vector<16xi32>
      %add3A_437 = arith.constant 2 : i32
      %add3A_438 = vector.broadcast %add3A_437 : i32 to vector<16xi32>
      %add3A_439 = arith.addi %mul3A_436, %add3A_438 : vector<16xi32>
      %gather3A_440 = tpu.vector_load_idx %arg7[%add3A_439] : memref<49152xf32, #tpu.memory_space<vmem>>[vector<16xi32>], vector<16xf32>,
      %sub3A_441 = arith.subf %gather3A_440, %gather3A_394 : vector<16xf32>
      %mul3A_442 = arith.constant 192 : i32
      %mul3A_443 = arith.muli %select_n3A_378, %mul3A_442 : i32
      %mul3A_444 = arith.constant 6 : i32
      %mul3A_445 = vector.broadcast %mul3A_444 : i32 to vector<16xi32>
      %mul3A_446 = arith.muli %add3A_397, %mul3A_445 : vector<16xi32>
      %add3A_447 = vector.broadcast %mul3A_443 : i32 to vector<16xi32>
      %add3A_448 = arith.addi %add3A_447, %mul3A_446 : vector<16xi32>
      %add3A_449 = arith.constant 2 : i32
      %add3A_450 = vector.broadcast %add3A_449 : i32 to vector<16xi32>
      %add3A_451 = arith.addi %add3A_448, %add3A_450 : vector<16xi32>
      tpu.vector_store_idx %arg13[%add3A_451], %sub3A_441 : memref<3072xf32, #tpu.memory_space<vmem>>[vector<16xi32>], vector<16xf32>,
      %mul3A_452 = arith.constant 6 : i32
      %mul3A_453 = vector.broadcast %mul3A_452 : i32 to vector<16xi32>
      %mul3A_454 = arith.muli %min3A_359, %mul3A_453 : vector<16xi32>
      %add3A_455 = arith.constant 3 : i32
      %add3A_456 = vector.broadcast %add3A_455 : i32 to vector<16xi32>
      %add3A_457 = arith.addi %mul3A_454, %add3A_456 : vector<16xi32>
      %gather3A_458 = tpu.vector_load_idx %arg7[%add3A_457] : memref<49152xf32, #tpu.memory_space<vmem>>[vector<16xi32>], vector<16xf32>,
      %mul3A_459 = arith.constant 192 : i32
      %mul3A_460 = arith.muli %select_n3A_378, %mul3A_459 : i32
      %mul3A_461 = arith.constant 6 : i32
      %mul3A_462 = vector.broadcast %mul3A_461 : i32 to vector<16xi32>
      %mul3A_463 = arith.muli %add3A_397, %mul3A_462 : vector<16xi32>
      %add3A_464 = vector.broadcast %mul3A_460 : i32 to vector<16xi32>
      %add3A_465 = arith.addi %add3A_464, %mul3A_463 : vector<16xi32>
      %add3A_466 = arith.constant 3 : i32
      %add3A_467 = vector.broadcast %add3A_466 : i32 to vector<16xi32>
      %add3A_468 = arith.addi %add3A_465, %add3A_467 : vector<16xi32>
      tpu.vector_store_idx %arg13[%add3A_468], %gather3A_458 : memref<3072xf32, #tpu.memory_space<vmem>>[vector<16xi32>], vector<16xf32>,
      %mul3A_469 = arith.constant 6 : i32
      %mul3A_470 = vector.broadcast %mul3A_469 : i32 to vector<16xi32>
      %mul3A_471 = arith.muli %min3A_359, %mul3A_470 : vector<16xi32>
      %add3A_472 = arith.constant 4 : i32
      %add3A_473 = vector.broadcast %add3A_472 : i32 to vector<16xi32>
      %add3A_474 = arith.addi %mul3A_471, %add3A_473 : vector<16xi32>
      %gather3A_475 = tpu.vector_load_idx %arg7[%add3A_474] : memref<49152xf32, #tpu.memory_space<vmem>>[vector<16xi32>], vector<16xf32>,
      %mul3A_476 = arith.constant 192 : i32
      %mul3A_477 = arith.muli %select_n3A_378, %mul3A_476 : i32
      %mul3A_478 = arith.constant 6 : i32
      %mul3A_479 = vector.broadcast %mul3A_478 : i32 to vector<16xi32>
      %mul3A_480 = arith.muli %add3A_397, %mul3A_479 : vector<16xi32>
      %add3A_481 = vector.broadcast %mul3A_477 : i32 to vector<16xi32>
      %add3A_482 = arith.addi %add3A_481, %mul3A_480 : vector<16xi32>
      %add3A_483 = arith.constant 4 : i32
      %add3A_484 = vector.broadcast %add3A_483 : i32 to vector<16xi32>
      %add3A_485 = arith.addi %add3A_482, %add3A_484 : vector<16xi32>
      tpu.vector_store_idx %arg13[%add3A_485], %gather3A_475 : memref<3072xf32, #tpu.memory_space<vmem>>[vector<16xi32>], vector<16xf32>,
      %mul3A_486 = arith.constant 6 : i32
      %mul3A_487 = vector.broadcast %mul3A_486 : i32 to vector<16xi32>
      %mul3A_488 = arith.muli %min3A_359, %mul3A_487 : vector<16xi32>
      %add3A_489 = arith.constant 5 : i32
      %add3A_490 = vector.broadcast %add3A_489 : i32 to vector<16xi32>
      %add3A_491 = arith.addi %mul3A_488, %add3A_490 : vector<16xi32>
      %gather3A_492 = tpu.vector_load_idx %arg7[%add3A_491] : memref<49152xf32, #tpu.memory_space<vmem>>[vector<16xi32>], vector<16xf32>,
      %mul3A_493 = arith.constant 192 : i32
      %mul3A_494 = arith.muli %select_n3A_378, %mul3A_493 : i32
      %mul3A_495 = arith.constant 6 : i32
      %mul3A_496 = vector.broadcast %mul3A_495 : i32 to vector<16xi32>
      %mul3A_497 = arith.muli %add3A_397, %mul3A_496 : vector<16xi32>
      %add3A_498 = vector.broadcast %mul3A_494 : i32 to vector<16xi32>
      %add3A_499 = arith.addi %add3A_498, %mul3A_497 : vector<16xi32>
      %add3A_500 = arith.constant 5 : i32
      %add3A_501 = vector.broadcast %add3A_500 : i32 to vector<16xi32>
      %add3A_502 = arith.addi %add3A_499, %add3A_501 : vector<16xi32>
      tpu.vector_store_idx %arg13[%add3A_502], %gather3A_492 : memref<3072xf32, #tpu.memory_space<vmem>>[vector<16xi32>], vector<16xf32>,
      %add3A_503 = arith.constant 16 : i32
      %add3A_504 = vector.broadcast %add3A_503 : i32 to vector<16xi32>
      %add3A_505 = arith.addi %iota3A, %add3A_504 : vector<16xi32>
      %mul3A_506 = arith.constant 6 : i32
      %mul3A_507 = vector.broadcast %mul3A_506 : i32 to vector<16xi32>
      %mul3A_508 = arith.muli %min3A_362, %mul3A_507 : vector<16xi32>
      %add3A_509 = arith.constant 0 : i32
      %add3A_510 = vector.broadcast %add3A_509 : i32 to vector<16xi32>
      %add3A_511 = arith.addi %mul3A_508, %add3A_510 : vector<16xi32>
      %gather3A_512 = tpu.vector_load_idx %arg7[%add3A_511] : memref<49152xf32, #tpu.memory_space<vmem>>[vector<16xi32>], vector<16xf32>,
      %sub3A_513 = arith.subf %gather3A_512, %gather3A : vector<16xf32>
      %mul3A_514 = arith.constant 192 : i32
      %mul3A_515 = arith.muli %select_n3A_378, %mul3A_514 : i32
      %mul3A_516 = arith.constant 6 : i32
      %mul3A_517 = vector.broadcast %mul3A_516 : i32 to vector<16xi32>
      %mul3A_518 = arith.muli %add3A_505, %mul3A_517 : vector<16xi32>
      %add3A_519 = vector.broadcast %mul3A_515 : i32 to vector<16xi32>
      %add3A_520 = arith.addi %add3A_519, %mul3A_518 : vector<16xi32>
      %add3A_521 = arith.constant 0 : i32
      %add3A_522 = vector.broadcast %add3A_521 : i32 to vector<16xi32>
      %add3A_523 = arith.addi %add3A_520, %add3A_522 : vector<16xi32>
      tpu.vector_store_idx %arg13[%add3A_523], %sub3A_513 : memref<3072xf32, #tpu.memory_space<vmem>>[vector<16xi32>], vector<16xf32>,
      %mul3A_524 = arith.constant 6 : i32
      %mul3A_525 = vector.broadcast %mul3A_524 : i32 to vector<16xi32>
      %mul3A_526 = arith.muli %min3A_362, %mul3A_525 : vector<16xi32>
      %add3A_527 = arith.constant 1 : i32
      %add3A_528 = vector.broadcast %add3A_527 : i32 to vector<16xi32>
      %add3A_529 = arith.addi %mul3A_526, %add3A_528 : vector<16xi32>
      %gather3A_530 = tpu.vector_load_idx %arg7[%add3A_529] : memref<49152xf32, #tpu.memory_space<vmem>>[vector<16xi32>], vector<16xf32>,
      %sub3A_531 = arith.subf %gather3A_530, %gather3A_389 : vector<16xf32>
      %mul3A_532 = arith.constant 192 : i32
      %mul3A_533 = arith.muli %select_n3A_378, %mul3A_532 : i32
      %mul3A_534 = arith.constant 6 : i32
      %mul3A_535 = vector.broadcast %mul3A_534 : i32 to vector<16xi32>
      %mul3A_536 = arith.muli %add3A_505, %mul3A_535 : vector<16xi32>
      %add3A_537 = vector.broadcast %mul3A_533 : i32 to vector<16xi32>
      %add3A_538 = arith.addi %add3A_537, %mul3A_536 : vector<16xi32>
      %add3A_539 = arith.constant 1 : i32
      %add3A_540 = vector.broadcast %add3A_539 : i32 to vector<16xi32>
      %add3A_541 = arith.addi %add3A_538, %add3A_540 : vector<16xi32>
      tpu.vector_store_idx %arg13[%add3A_541], %sub3A_531 : memref<3072xf32, #tpu.memory_space<vmem>>[vector<16xi32>], vector<16xf32>,
      %mul3A_542 = arith.constant 6 : i32
      %mul3A_543 = vector.broadcast %mul3A_542 : i32 to vector<16xi32>
      %mul3A_544 = arith.muli %min3A_362, %mul3A_543 : vector<16xi32>
      %add3A_545 = arith.constant 2 : i32
      %add3A_546 = vector.broadcast %add3A_545 : i32 to vector<16xi32>
      %add3A_547 = arith.addi %mul3A_544, %add3A_546 : vector<16xi32>
      %gather3A_548 = tpu.vector_load_idx %arg7[%add3A_547] : memref<49152xf32, #tpu.memory_space<vmem>>[vector<16xi32>], vector<16xf32>,
      %sub3A_549 = arith.subf %gather3A_548, %gather3A_394 : vector<16xf32>
      %mul3A_550 = arith.constant 192 : i32
      %mul3A_551 = arith.muli %select_n3A_378, %mul3A_550 : i32
      %mul3A_552 = arith.constant 6 : i32
      %mul3A_553 = vector.broadcast %mul3A_552 : i32 to vector<16xi32>
      %mul3A_554 = arith.muli %add3A_505, %mul3A_553 : vector<16xi32>
      %add3A_555 = vector.broadcast %mul3A_551 : i32 to vector<16xi32>
      %add3A_556 = arith.addi %add3A_555, %mul3A_554 : vector<16xi32>
      %add3A_557 = arith.constant 2 : i32
      %add3A_558 = vector.broadcast %add3A_557 : i32 to vector<16xi32>
      %add3A_559 = arith.addi %add3A_556, %add3A_558 : vector<16xi32>
      tpu.vector_store_idx %arg13[%add3A_559], %sub3A_549 : memref<3072xf32, #tpu.memory_space<vmem>>[vector<16xi32>], vector<16xf32>,
      %mul3A_560 = arith.constant 6 : i32
      %mul3A_561 = vector.broadcast %mul3A_560 : i32 to vector<16xi32>
      %mul3A_562 = arith.muli %min3A_362, %mul3A_561 : vector<16xi32>
      %add3A_563 = arith.constant 3 : i32
      %add3A_564 = vector.broadcast %add3A_563 : i32 to vector<16xi32>
      %add3A_565 = arith.addi %mul3A_562, %add3A_564 : vector<16xi32>
      %gather3A_566 = tpu.vector_load_idx %arg7[%add3A_565] : memref<49152xf32, #tpu.memory_space<vmem>>[vector<16xi32>], vector<16xf32>,
      %mul3A_567 = arith.constant 192 : i32
      %mul3A_568 = arith.muli %select_n3A_378, %mul3A_567 : i32
      %mul3A_569 = arith.constant 6 : i32
      %mul3A_570 = vector.broadcast %mul3A_569 : i32 to vector<16xi32>
      %mul3A_571 = arith.muli %add3A_505, %mul3A_570 : vector<16xi32>
      %add3A_572 = vector.broadcast %mul3A_568 : i32 to vector<16xi32>
      %add3A_573 = arith.addi %add3A_572, %mul3A_571 : vector<16xi32>
      %add3A_574 = arith.constant 3 : i32
      %add3A_575 = vector.broadcast %add3A_574 : i32 to vector<16xi32>
      %add3A_576 = arith.addi %add3A_573, %add3A_575 : vector<16xi32>
      tpu.vector_store_idx %arg13[%add3A_576], %gather3A_566 : memref<3072xf32, #tpu.memory_space<vmem>>[vector<16xi32>], vector<16xf32>,
      %mul3A_577 = arith.constant 6 : i32
      %mul3A_578 = vector.broadcast %mul3A_577 : i32 to vector<16xi32>
      %mul3A_579 = arith.muli %min3A_362, %mul3A_578 : vector<16xi32>
      %add3A_580 = arith.constant 4 : i32
      %add3A_581 = vector.broadcast %add3A_580 : i32 to vector<16xi32>
      %add3A_582 = arith.addi %mul3A_579, %add3A_581 : vector<16xi32>
      %gather3A_583 = tpu.vector_load_idx %arg7[%add3A_582] : memref<49152xf32, #tpu.memory_space<vmem>>[vector<16xi32>], vector<16xf32>,
      %mul3A_584 = arith.constant 192 : i32
      %mul3A_585 = arith.muli %select_n3A_378, %mul3A_584 : i32
      %mul3A_586 = arith.constant 6 : i32
      %mul3A_587 = vector.broadcast %mul3A_586 : i32 to vector<16xi32>
      %mul3A_588 = arith.muli %add3A_505, %mul3A_587 : vector<16xi32>
      %add3A_589 = vector.broadcast %mul3A_585 : i32 to vector<16xi32>
      %add3A_590 = arith.addi %add3A_589, %mul3A_588 : vector<16xi32>
      %add3A_591 = arith.constant 4 : i32
      %add3A_592 = vector.broadcast %add3A_591 : i32 to vector<16xi32>
      %add3A_593 = arith.addi %add3A_590, %add3A_592 : vector<16xi32>
      tpu.vector_store_idx %arg13[%add3A_593], %gather3A_583 : memref<3072xf32, #tpu.memory_space<vmem>>[vector<16xi32>], vector<16xf32>,
      %mul3A_594 = arith.constant 6 : i32
      %mul3A_595 = vector.broadcast %mul3A_594 : i32 to vector<16xi32>
      %mul3A_596 = arith.muli %min3A_362, %mul3A_595 : vector<16xi32>
      %add3A_597 = arith.constant 5 : i32
      %add3A_598 = vector.broadcast %add3A_597 : i32 to vector<16xi32>
      %add3A_599 = arith.addi %mul3A_596, %add3A_598 : vector<16xi32>
      %gather3A_600 = tpu.vector_load_idx %arg7[%add3A_599] : memref<49152xf32, #tpu.memory_space<vmem>>[vector<16xi32>], vector<16xf32>,
      %mul3A_601 = arith.constant 192 : i32
      %mul3A_602 = arith.muli %select_n3A_378, %mul3A_601 : i32
      %mul3A_603 = arith.constant 6 : i32
      %mul3A_604 = vector.broadcast %mul3A_603 : i32 to vector<16xi32>
      %mul3A_605 = arith.muli %add3A_505, %mul3A_604 : vector<16xi32>
      %add3A_606 = vector.broadcast %mul3A_602 : i32 to vector<16xi32>
      %add3A_607 = arith.addi %add3A_606, %mul3A_605 : vector<16xi32>
      %add3A_608 = arith.constant 5 : i32
      %add3A_609 = vector.broadcast %add3A_608 : i32 to vector<16xi32>
      %add3A_610 = arith.addi %add3A_607, %add3A_609 : vector<16xi32>
      tpu.vector_store_idx %arg13[%add3A_610], %gather3A_600 : memref<3072xf32, #tpu.memory_space<vmem>>[vector<16xi32>], vector<16xf32>,
      %eq3A_611 = arith.constant 15 : i32
      %eq3A_612 = arith.cmpi eq, %select_n3A_378, %eq3A_611 : i32
      %convert_element_type3A = arith.extui %eq3A_612 : i1 to i32
      %cond3A = arith.constant 0 : i32
      %cond3A_613 = arith.cmpi ne, %convert_element_type3A, %cond3A : i32
      scf.if %cond3A_613 {
        %add3A_1201 = arith.addi %mul3A_18, %mul3A_61 : i32
        %sub3A_1202 = arith.constant 15 : i32
        %sub3A_1203 = arith.subi %add3A_1201, %sub3A_1202 : i32
        %mul3A_1204 = arith.constant 192 : i32
        %mul3A_1205 = arith.muli %sub3A_1203, %mul3A_1204 : i32
        "tpu.region"() ({
          %run_scoped3A = tpu.sem_alloc : memref<!tpu.dma_semaphore, #tpu.memory_space<semaphore_mem>>
          %dma_start3A_1206 = tpu.memref_slice %arg6[%mul3A_1205] : memref<786432xf32, #tpu.memory_space<hbm>> -> memref<3072xf32, #tpu.memory_space<hbm>>
          %dma_start3A_1207 = tpu.memref_slice %arg6[%mul3A_1205] : memref<786432xf32, #tpu.memory_space<hbm>> -> memref<3072xf32, #tpu.memory_space<hbm>>
          tpu.enqueue_dma source(%arg13 : memref<3072xf32, #tpu.memory_space<vmem>>) target(%dma_start3A_1207 : memref<3072xf32, #tpu.memory_space<hbm>>) target_semaphore(%run_scoped3A : memref<!tpu.dma_semaphore, #tpu.memory_space<semaphore_mem>>)
          %dma_wait3A_1208 = tpu.memref_slice %arg6[%mul3A_1205] : memref<786432xf32, #tpu.memory_space<hbm>> -> memref<3072xf32, #tpu.memory_space<hbm>>
          %dma_wait3A_1209 = tpu.memref_slice %arg6[%mul3A_1205] : memref<786432xf32, #tpu.memory_space<hbm>> -> memref<3072xf32, #tpu.memory_space<hbm>>
          tpu.wait_dma2 semaphore(%run_scoped3A : memref<!tpu.dma_semaphore, #tpu.memory_space<semaphore_mem>>) src(%arg13 : memref<3072xf32, #tpu.memory_space<vmem>>) dst(%dma_wait3A_1209 : memref<3072xf32, #tpu.memory_space<hbm>>)
          tpu.yield
        }) : () -> ()
      } else {
      }
      %add3A_614 = arith.constant 2 : i32
      %add3A_615 = arith.addi %mul3A_61, %add3A_614 : i32
      %lt3A_616 = arith.constant 128 : i32
      %lt3A_617 = arith.cmpi slt, %add3A_615, %lt3A_616 : i32
      %convert_element_type3A_618 = arith.extui %lt3A_617 : i1 to i32
      %cond3A_619 = arith.constant 0 : i32
      %cond3A_620 = arith.cmpi ne, %convert_element_type3A_618, %cond3A_619 : i32
      scf.if %cond3A_620 {
        %add3A_1201 = arith.addi %mul3A_18, %mul3A_61 : i32
        %add3A_1202 = arith.constant 2 : i32
        %add3A_1203 = arith.addi %add3A_1201, %add3A_1202 : i32
        %mul3A_1204 = arith.constant 8192 : i32
        %mul3A_1205 = arith.muli %add3A_1203, %mul3A_1204 : i32
        %dma_start3A_1206 = arith.constant 0 : i32
        %dma_start3A_1207 = tpu.memref_slice %arg10[%dma_start3A_1206] : memref<16384xf32, #tpu.memory_space<vmem>> -> memref<8192xf32, #tpu.memory_space<vmem>>
        %dma_start3A_1208 = tpu.memref_slice %arg2[%mul3A_1205] : memref<33554432xf32, #tpu.memory_space<hbm>> -> memref<8192xf32, #tpu.memory_space<hbm>>
        %dma_start3A_1209 = arith.constant 0 : i32
        %dma_start3A_1210 = tpu.memref_slice %arg10[%dma_start3A_1209] : memref<16384xf32, #tpu.memory_space<vmem>> -> memref<8192xf32, #tpu.memory_space<vmem>>
        %dma_start3A_1211 = tpu.memref_slice %arg2[%mul3A_1205] : memref<33554432xf32, #tpu.memory_space<hbm>> -> memref<8192xf32, #tpu.memory_space<hbm>>
        tpu.enqueue_dma source(%dma_start3A_1211 : memref<8192xf32, #tpu.memory_space<hbm>>) target(%dma_start3A_1210 : memref<8192xf32, #tpu.memory_space<vmem>>) target_semaphore(%arg14 : memref<!tpu.dma_semaphore, #tpu.memory_space<semaphore_mem>>)
      } else {
      }
      %mul3A_621 = arith.constant 2 : i32
      %mul3A_622 = arith.muli %scan3A_58, %mul3A_621 : i32
      %add3A_623 = arith.constant 1 : i32
      %add3A_624 = arith.addi %mul3A_622, %add3A_623 : i32
      %add3A_625 = arith.addi %mul3A_18, %add3A_624 : i32
      %mul3A_626 = arith.constant 8192 : i32
      %mul3A_627 = arith.muli %add3A_625, %mul3A_626 : i32
      %dma_wait3A_628 = arith.constant 8192 : i32
      %dma_wait3A_629 = tpu.memref_slice %arg10[%dma_wait3A_628] : memref<16384xf32, #tpu.memory_space<vmem>> -> memref<8192xf32, #tpu.memory_space<vmem>>
      %dma_wait3A_630 = tpu.memref_slice %arg2[%mul3A_627] : memref<33554432xf32, #tpu.memory_space<hbm>> -> memref<8192xf32, #tpu.memory_space<hbm>>
      %dma_wait3A_631 = arith.constant 8192 : i32
      %dma_wait3A_632 = tpu.memref_slice %arg10[%dma_wait3A_631] : memref<16384xf32, #tpu.memory_space<vmem>> -> memref<8192xf32, #tpu.memory_space<vmem>>
      %dma_wait3A_633 = tpu.memref_slice %arg2[%mul3A_627] : memref<33554432xf32, #tpu.memory_space<hbm>> -> memref<8192xf32, #tpu.memory_space<hbm>>
      tpu.wait_dma2 semaphore(%arg14 : memref<!tpu.dma_semaphore, #tpu.memory_space<semaphore_mem>>) src(%dma_wait3A_633 : memref<8192xf32, #tpu.memory_space<hbm>>) dst(%dma_wait3A_632 : memref<8192xf32, #tpu.memory_space<vmem>>)
      %mul3A_634 = arith.constant 64 : i32
      %mul3A_635 = arith.muli %add3A_624, %mul3A_634 : i32
      %get3A_636 = arith.index_cast %mul3A_635 : i32 to index
      %get3A_637 = tpu.vector_load %arg8[%get3A_636] {strides = array<i32>} : memref<8192xf32, #tpu.memory_space<vmem>>, vector<16xf32>,
      %masked_sort3A_638 = arith.constant dense<true> : vector<16xi1>
      %masked_sort3A_639, %masked_sort3A_640, %masked_sort3A_641 = tpu.sort %get3A_637, %get3A_637 masked %masked_sort3A_638 : (vector<16xf32>, vector<16xf32>, vector<16xi1>) -> (vector<16xi1>, vector<16xf32>, vector<16xf32>)
      %mul3A_642 = arith.constant 64 : i32
      %mul3A_643 = arith.muli %add3A_624, %mul3A_642 : i32
      %add3A_644 = arith.constant 16 : i32
      %add3A_645 = arith.addi %mul3A_643, %add3A_644 : i32
      %get3A_646 = arith.index_cast %add3A_645 : i32 to index
      %get3A_647 = tpu.vector_load %arg8[%get3A_646] {strides = array<i32>} : memref<8192xf32, #tpu.memory_space<vmem>>, vector<16xf32>,
      %masked_sort3A_648 = arith.constant dense<true> : vector<16xi1>
      %masked_sort3A_649, %masked_sort3A_650, %masked_sort3A_651 = tpu.sort %get3A_647, %get3A_647 masked %masked_sort3A_648 : (vector<16xf32>, vector<16xf32>, vector<16xi1>) -> (vector<16xi1>, vector<16xf32>, vector<16xf32>)
      %mul3A_652 = arith.constant 64 : i32
      %mul3A_653 = arith.muli %add3A_624, %mul3A_652 : i32
      %add3A_654 = arith.constant 32 : i32
      %add3A_655 = arith.addi %mul3A_653, %add3A_654 : i32
      %get3A_656 = arith.index_cast %add3A_655 : i32 to index
      %get3A_657 = tpu.vector_load %arg8[%get3A_656] {strides = array<i32>} : memref<8192xf32, #tpu.memory_space<vmem>>, vector<16xf32>,
      %masked_sort3A_658 = arith.constant dense<true> : vector<16xi1>
      %masked_sort3A_659, %masked_sort3A_660, %masked_sort3A_661 = tpu.sort %get3A_657, %get3A_657 masked %masked_sort3A_658 : (vector<16xf32>, vector<16xf32>, vector<16xi1>) -> (vector<16xi1>, vector<16xf32>, vector<16xf32>)
      %mul3A_662 = arith.constant 64 : i32
      %mul3A_663 = arith.muli %add3A_624, %mul3A_662 : i32
      %add3A_664 = arith.constant 48 : i32
      %add3A_665 = arith.addi %mul3A_663, %add3A_664 : i32
      %get3A_666 = arith.index_cast %add3A_665 : i32 to index
      %get3A_667 = tpu.vector_load %arg8[%get3A_666] {strides = array<i32>} : memref<8192xf32, #tpu.memory_space<vmem>>, vector<16xf32>,
      %masked_sort3A_668 = arith.constant dense<true> : vector<16xi1>
      %masked_sort3A_669, %masked_sort3A_670, %masked_sort3A_671 = tpu.sort %get3A_667, %get3A_667 masked %masked_sort3A_668 : (vector<16xf32>, vector<16xf32>, vector<16xi1>) -> (vector<16xi1>, vector<16xf32>, vector<16xf32>)
      %rev3A_672 = arith.constant 15 : i32
      %rev3A_673 = vector.broadcast %rev3A_672 : i32 to vector<16xi32>
      %rev3A_674 = tpu.iota {dimensions = array<i32: 0>} : vector<16xi32>
      %rev3A_675 = arith.subi %rev3A_673, %rev3A_674 : vector<16xi32>
      %rev3A_676 = tpu.dynamic_gather %masked_sort3A_650[%rev3A_675] in [0] : vector<16xf32>, vector<16xi32> -> vector<16xf32>
      %min3A_677 = arith.minimumf %masked_sort3A_640, %rev3A_676 : vector<16xf32>
      %masked_sort3A_678 = arith.constant dense<true> : vector<16xi1>
      %masked_sort3A_679, %masked_sort3A_680, %masked_sort3A_681 = tpu.sort %min3A_677, %min3A_677 masked %masked_sort3A_678 : (vector<16xf32>, vector<16xf32>, vector<16xi1>) -> (vector<16xi1>, vector<16xf32>, vector<16xf32>)
      %max3A_682 = arith.maximumf %masked_sort3A_640, %rev3A_676 : vector<16xf32>
      %masked_sort3A_683 = arith.constant dense<true> : vector<16xi1>
      %masked_sort3A_684, %masked_sort3A_685, %masked_sort3A_686 = tpu.sort %max3A_682, %max3A_682 masked %masked_sort3A_683 : (vector<16xf32>, vector<16xf32>, vector<16xi1>) -> (vector<16xi1>, vector<16xf32>, vector<16xf32>)
      %rev3A_687 = arith.constant 15 : i32
      %rev3A_688 = vector.broadcast %rev3A_687 : i32 to vector<16xi32>
      %rev3A_689 = tpu.iota {dimensions = array<i32: 0>} : vector<16xi32>
      %rev3A_690 = arith.subi %rev3A_688, %rev3A_689 : vector<16xi32>
      %rev3A_691 = tpu.dynamic_gather %masked_sort3A_670[%rev3A_690] in [0] : vector<16xf32>, vector<16xi32> -> vector<16xf32>
      %min3A_692 = arith.minimumf %masked_sort3A_660, %rev3A_691 : vector<16xf32>
      %masked_sort3A_693 = arith.constant dense<true> : vector<16xi1>
      %masked_sort3A_694, %masked_sort3A_695, %masked_sort3A_696 = tpu.sort %min3A_692, %min3A_692 masked %masked_sort3A_693 : (vector<16xf32>, vector<16xf32>, vector<16xi1>) -> (vector<16xi1>, vector<16xf32>, vector<16xf32>)
      %max3A_697 = arith.maximumf %masked_sort3A_660, %rev3A_691 : vector<16xf32>
      %masked_sort3A_698 = arith.constant dense<true> : vector<16xi1>
      %masked_sort3A_699, %masked_sort3A_700, %masked_sort3A_701 = tpu.sort %max3A_697, %max3A_697 masked %masked_sort3A_698 : (vector<16xf32>, vector<16xf32>, vector<16xi1>) -> (vector<16xi1>, vector<16xf32>, vector<16xf32>)
      %rev3A_702 = arith.constant 15 : i32
      %rev3A_703 = vector.broadcast %rev3A_702 : i32 to vector<16xi32>
      %rev3A_704 = tpu.iota {dimensions = array<i32: 0>} : vector<16xi32>
      %rev3A_705 = arith.subi %rev3A_703, %rev3A_704 : vector<16xi32>
      %rev3A_706 = tpu.dynamic_gather %masked_sort3A_700[%rev3A_705] in [0] : vector<16xf32>, vector<16xi32> -> vector<16xf32>
      %min3A_707 = arith.minimumf %masked_sort3A_680, %rev3A_706 : vector<16xf32>
      %rev3A_708 = arith.constant 15 : i32
      %rev3A_709 = vector.broadcast %rev3A_708 : i32 to vector<16xi32>
      %rev3A_710 = tpu.iota {dimensions = array<i32: 0>} : vector<16xi32>
      %rev3A_711 = arith.subi %rev3A_709, %rev3A_710 : vector<16xi32>
      %rev3A_712 = tpu.dynamic_gather %masked_sort3A_695[%rev3A_711] in [0] : vector<16xf32>, vector<16xi32> -> vector<16xf32>
      %min3A_713 = arith.minimumf %masked_sort3A_685, %rev3A_712 : vector<16xf32>
      %max3A_714 = arith.maximumf %min3A_707, %min3A_713 : vector<16xf32>
      %reduce_max3A_715 = arith.constant true
      %reduce_max3A_716 = vector.broadcast %reduce_max3A_715 : i1 to vector<16xi1>
      %reduce_max3A_717 = tpu.scan <max>, %max3A_714 masked %reduce_max3A_716 : vector<16xf32>, vector<16xi1> -> vector<16xf32>
      %reduce_max3A_718 = vector.extract %reduce_max3A_717[15] : f32 from vector<16xf32>
      %broadcast_in_dim3A_719 = vector.broadcast %reduce_max3A_718 : f32 to vector<16xf32>
      %broadcast_in_dim3A_720 = arith.constant 0 : i32
      %broadcast_in_dim3A_721 = vector.broadcast %broadcast_in_dim3A_720 : i32 to vector<16xi32>
      %parallel_loop3A_722 = arith.constant 0 : i32
      %parallel_loop3A_723 = arith.constant 512 : i32
      %parallel_loop3A_724 = arith.constant 1 : i32
      %parallel_loop3A_725 = scf.for %parallel_loop3A_1201 = %parallel_loop3A_722 to %parallel_loop3A_723 step %parallel_loop3A_724 iter_args(%parallel_loop3A_1202 = %broadcast_in_dim3A_721) -> (vector<16xi32>)  : i32 {
        %parallel_loop3A_1203 = arith.constant 16 : i32
        %parallel_loop3A_1204 = arith.muli %parallel_loop3A_1201, %parallel_loop3A_1203 : i32
        %parallel_loop3A_1205 = arith.constant 8192 : i32
        %parallel_loop3A_1206 = arith.addi %parallel_loop3A_1205, %parallel_loop3A_1204 : i32
        %parallel_loop3A_1207 = arith.index_cast %parallel_loop3A_1206 : i32 to index
        %parallel_loop3A_1208 = tpu.vector_load %arg10[%parallel_loop3A_1207] {strides = array<i32>} : memref<16384xf32, #tpu.memory_space<vmem>>, vector<16xf32>,
        %parallel_loop3A_1209 = arith.cmpf ole, %parallel_loop3A_1208, %broadcast_in_dim3A_719 : vector<16xf32>
        %parallel_loop3A_1210 = arith.constant 1 : i32
        %parallel_loop3A_1211 = arith.constant 0 : i32
        %parallel_loop3A_1212 = vector.broadcast %parallel_loop3A_1210 : i32 to vector<16xi32>
        %parallel_loop3A_1213 = vector.broadcast %parallel_loop3A_1211 : i32 to vector<16xi32>
        %parallel_loop3A_1214 = arith.select %parallel_loop3A_1209, %parallel_loop3A_1212, %parallel_loop3A_1213 : vector<16xi1>, vector<16xi32>
        %parallel_loop3A_1215 = arith.constant true
        %parallel_loop3A_1216 = vector.broadcast %parallel_loop3A_1215 : i1 to vector<16xi1>
        %parallel_loop3A_1217 = tpu.scan <sum>, %parallel_loop3A_1214 masked %parallel_loop3A_1216 : vector<16xi32>, vector<16xi1> -> vector<16xi32>
        %parallel_loop3A_1218 = arith.addi %parallel_loop3A_1202, %parallel_loop3A_1217 : vector<16xi32>
        %parallel_loop3A_1219 = arith.constant 1 : i32
        %parallel_loop3A_1220 = vector.broadcast %parallel_loop3A_1219 : i32 to vector<16xi32>
        %parallel_loop3A_1221 = arith.subi %parallel_loop3A_1218, %parallel_loop3A_1220 : vector<16xi32>
        %parallel_loop3A_1222 = arith.constant 528 : i32
        %parallel_loop3A_1223 = vector.broadcast %parallel_loop3A_1222 : i32 to vector<16xi32>
        %parallel_loop3A_1224 = arith.cmpi slt, %parallel_loop3A_1221, %parallel_loop3A_1223 : vector<16xi32>
        %parallel_loop3A_1225 = arith.andi %parallel_loop3A_1209, %parallel_loop3A_1224 : vector<16xi1>
        %parallel_loop3A_1226 = arith.constant 16 : i32
        %parallel_loop3A_1227 = arith.muli %parallel_loop3A_1201, %parallel_loop3A_1226 : i32
        %parallel_loop3A_1228 = vector.broadcast %parallel_loop3A_1227 : i32 to vector<16xi32>
        %parallel_loop3A_1229 = arith.addi %iota3A, %parallel_loop3A_1228 : vector<16xi32>
        tpu.vector_store_idx %arg11[%parallel_loop3A_1221], %parallel_loop3A_1229 masked %parallel_loop3A_1225 : memref<528xi32, #tpu.memory_space<vmem>>[vector<16xi32>], vector<16xi32>, vector<16xi1>
        %parallel_loop3A_1230 = tpu.all_reduce %parallel_loop3A_1209 {dim = 0 : i64, kind = #tpu.reduction_kind<sum>} : vector<16xi1> -> vector<16xi32>
        %parallel_loop3A_1231 = arith.addi %parallel_loop3A_1202, %parallel_loop3A_1230 : vector<16xi32>
        scf.yield %parallel_loop3A_1231 : vector<16xi32>
      } {sc.loop_unroll_factor = 8 : i64, sc.parallel_access}
      %reduce_max3A_726 = arith.constant true
      %reduce_max3A_727 = vector.broadcast %reduce_max3A_726 : i1 to vector<16xi1>
      %reduce_max3A_728 = arith.constant -2147483648 : i32
      %reduce_max3A_729 = vector.broadcast %reduce_max3A_728 : i32 to vector<16xi32>
      %reduce_max3A_730 = arith.xori %parallel_loop3A_725, %reduce_max3A_729 : vector<16xi32>
      %reduce_max3A_731 = tpu.scan <max>, %reduce_max3A_730 masked %reduce_max3A_727 : vector<16xi32>, vector<16xi1> -> vector<16xi32>
      %reduce_max3A_732 = arith.xori %reduce_max3A_731, %reduce_max3A_729 : vector<16xi32>
      %reduce_max3A_733 = vector.extract %reduce_max3A_732[15] : i32 from vector<16xi32>
      %min3A_734 = arith.constant 528 : i32
      %min3A_735 = arith.minsi %reduce_max3A_733, %min3A_734 : i32
      %broadcast_in_dim3A_736 = vector.broadcast %min3A_735 : i32 to vector<16xi32>
      %add3A_737 = arith.constant 15 : i32
      %add3A_738 = arith.addi %min3A_735, %add3A_737 : i32
      %jit3A_739 = arith.constant 16 : i32
      %div3A_740 = arith.divsi %add3A_738, %jit3A_739 : i32
      %sign3A_741 = arith.constant 0 : i32
      %sign3A_742 = arith.cmpi sgt, %add3A_738, %sign3A_741 : i32
      %sign3A_743 = arith.extui %sign3A_742 : i1 to i32
      %sign3A_744 = arith.constant 0 : i32
      %sign3A_745 = arith.cmpi slt, %add3A_738, %sign3A_744 : i32
      %sign3A_746 = arith.extui %sign3A_745 : i1 to i32
      %sign3A_747 = arith.subi %sign3A_743, %sign3A_746 : i32
      %sign3A_748 = arith.constant 0 : i32
      %sign3A_749 = arith.cmpi sgt, %jit3A_739, %sign3A_748 : i32
      %sign3A_750 = arith.extui %sign3A_749 : i1 to i32
      %sign3A_751 = arith.constant 0 : i32
      %sign3A_752 = arith.cmpi slt, %jit3A_739, %sign3A_751 : i32
      %sign3A_753 = arith.extui %sign3A_752 : i1 to i32
      %sign3A_754 = arith.subi %sign3A_750, %sign3A_753 : i32
      %ne3A_755 = arith.cmpi ne, %sign3A_747, %sign3A_754 : i32
      %rem3A_756 = arith.remsi %add3A_738, %jit3A_739 : i32
      %ne3A_757 = arith.constant 0 : i32
      %ne3A_758 = arith.cmpi ne, %rem3A_756, %ne3A_757 : i32
      %and3A_759 = arith.andi %ne3A_755, %ne3A_758 : i1
      %sub3A_760 = arith.constant 1 : i32
      %sub3A_761 = arith.subi %div3A_740, %sub3A_760 : i32
      %select_n3A_762 = arith.select %and3A_759, %sub3A_761, %div3A_740 : i32
      %broadcast_in_dim3A_763 = arith.constant 8192 : i32
      %broadcast_in_dim3A_764 = vector.broadcast %broadcast_in_dim3A_763 : i32 to vector<16xi32>
      %max3A_765 = arith.constant 4 : i32
      %max3A_766 = arith.maxsi %select_n3A_762, %max3A_765 : i32
      %while3A_767 = arith.constant 0 : i32
      %while3A_768 = arith.constant 0 : i32
      %while3A_769 = arith.subi %max3A_766, %while3A_767 : i32
      %while3A_770 = arith.addi %while3A_767, %while3A_769 : i32
      %while3A_771 = arith.constant 1 : i32
      %while3A_772 = arith.divsi %while3A_769, %while3A_771 : i32
      %while3A_773 = arith.muli %while3A_772, %while3A_771 : i32
      %while3A_774 = arith.addi %while3A_767, %while3A_773 : i32
      %while3A_775 = arith.constant 1 : i32
      %while3A_776 = scf.for %while3A_1201 = %while3A_767 to %while3A_774 step %while3A_775 iter_args(%while3A_1202 = %while3A_768) -> (i32)  : i32 {
        %mul3A_1203 = arith.constant 16 : i32
        %mul3A_1204 = arith.muli %while3A_1201, %mul3A_1203 : i32
        %get3A_1205 = arith.index_cast %mul3A_1204 : i32 to index
        %get3A_1206 = tpu.vector_load %arg11[%get3A_1205] {strides = array<i32>} : memref<528xi32, #tpu.memory_space<vmem>>, vector<16xi32>,
        %mul3A_1207 = arith.constant 16 : i32
        %mul3A_1208 = arith.muli %while3A_1201, %mul3A_1207 : i32
        %add3A_1209 = vector.broadcast %mul3A_1208 : i32 to vector<16xi32>
        %add3A_1210 = arith.addi %iota3A, %add3A_1209 : vector<16xi32>
        %lt3A_1211 = arith.cmpi slt, %add3A_1210, %broadcast_in_dim3A_736 : vector<16xi32>
        %add3A_1212 = arith.addi %broadcast_in_dim3A_764, %get3A_1206 : vector<16xi32>
        %gather3A_1213 = tpu.vector_load_idx %arg10[%add3A_1212] masked %lt3A_1211 : memref<16384xf32, #tpu.memory_space<vmem>>[vector<16xi32>], vector<16xf32>, vector<16xi1>
        %broadcast_in_dim3A_1214 = vector.broadcast %scan3A_50 : f32 to vector<16xf32>
        %select_n3A_1215 = arith.select %lt3A_1211, %gather3A_1213, %broadcast_in_dim3A_1214 : vector<16xi1>, vector<16xf32>
        %mul3A_1216 = arith.constant 16 : i32
        %mul3A_1217 = arith.muli %while3A_1201, %mul3A_1216 : i32
        %swap3A = arith.index_cast %mul3A_1217 : i32 to index
        %swap3A_1218 = tpu.vector_load %arg12[%swap3A] {strides = array<i32>} : memref<528xf32, #tpu.memory_space<vmem>>, vector<16xf32>,
        tpu.vector_store %arg12[%swap3A], %select_n3A_1215 {strides = array<i32>} : memref<528xf32, #tpu.memory_space<vmem>>, vector<16xf32>,
        %while3A_1219 = arith.constant 0 : i32
        scf.yield %while3A_1219 : i32
      }
      %while3A_777 = arith.constant 1 : i32
      %while3A_778 = scf.for %while3A_1201 = %while3A_774 to %while3A_770 step %while3A_777 iter_args(%while3A_1202 = %while3A_776) -> (i32)  : i32 {
        %mul3A_1203 = arith.constant 16 : i32
        %mul3A_1204 = arith.muli %while3A_1201, %mul3A_1203 : i32
        %get3A_1205 = arith.index_cast %mul3A_1204 : i32 to index
        %get3A_1206 = tpu.vector_load %arg11[%get3A_1205] {strides = array<i32>} : memref<528xi32, #tpu.memory_space<vmem>>, vector<16xi32>,
        %mul3A_1207 = arith.constant 16 : i32
        %mul3A_1208 = arith.muli %while3A_1201, %mul3A_1207 : i32
        %add3A_1209 = vector.broadcast %mul3A_1208 : i32 to vector<16xi32>
        %add3A_1210 = arith.addi %iota3A, %add3A_1209 : vector<16xi32>
        %lt3A_1211 = arith.cmpi slt, %add3A_1210, %broadcast_in_dim3A_736 : vector<16xi32>
        %add3A_1212 = arith.addi %broadcast_in_dim3A_764, %get3A_1206 : vector<16xi32>
        %gather3A_1213 = tpu.vector_load_idx %arg10[%add3A_1212] masked %lt3A_1211 : memref<16384xf32, #tpu.memory_space<vmem>>[vector<16xi32>], vector<16xf32>, vector<16xi1>
        %broadcast_in_dim3A_1214 = vector.broadcast %scan3A_50 : f32 to vector<16xf32>
        %select_n3A_1215 = arith.select %lt3A_1211, %gather3A_1213, %broadcast_in_dim3A_1214 : vector<16xi1>, vector<16xf32>
        %mul3A_1216 = arith.constant 16 : i32
        %mul3A_1217 = arith.muli %while3A_1201, %mul3A_1216 : i32
        %swap3A = arith.index_cast %mul3A_1217 : i32 to index
        %swap3A_1218 = tpu.vector_load %arg12[%swap3A] {strides = array<i32>} : memref<528xf32, #tpu.memory_space<vmem>>, vector<16xf32>,
        tpu.vector_store %arg12[%swap3A], %select_n3A_1215 {strides = array<i32>} : memref<528xf32, #tpu.memory_space<vmem>>, vector<16xf32>,
        %while3A_1219 = arith.constant 0 : i32
        scf.yield %while3A_1219 : i32
      }
      %get3A_779 = arith.constant 0 : index
      %get3A_780 = tpu.vector_load %arg12[%get3A_779] {strides = array<i32>} : memref<528xf32, #tpu.memory_space<vmem>>, vector<16xf32>,
      %get3A_781 = arith.constant 0 : index
      %get3A_782 = tpu.vector_load %arg11[%get3A_781] {strides = array<i32>} : memref<528xi32, #tpu.memory_space<vmem>>, vector<16xi32>,
      %get3A_783 = arith.constant 16 : index
      %get3A_784 = tpu.vector_load %arg12[%get3A_783] {strides = array<i32>} : memref<528xf32, #tpu.memory_space<vmem>>, vector<16xf32>,
      %get3A_785 = arith.constant 16 : index
      %get3A_786 = tpu.vector_load %arg11[%get3A_785] {strides = array<i32>} : memref<528xi32, #tpu.memory_space<vmem>>, vector<16xi32>,
      %get3A_787 = arith.constant 32 : index
      %get3A_788 = tpu.vector_load %arg12[%get3A_787] {strides = array<i32>} : memref<528xf32, #tpu.memory_space<vmem>>, vector<16xf32>,
      %get3A_789 = arith.constant 32 : index
      %get3A_790 = tpu.vector_load %arg11[%get3A_789] {strides = array<i32>} : memref<528xi32, #tpu.memory_space<vmem>>, vector<16xi32>,
      %get3A_791 = arith.constant 48 : index
      %get3A_792 = tpu.vector_load %arg12[%get3A_791] {strides = array<i32>} : memref<528xf32, #tpu.memory_space<vmem>>, vector<16xf32>,
      %get3A_793 = arith.constant 48 : index
      %get3A_794 = tpu.vector_load %arg11[%get3A_793] {strides = array<i32>} : memref<528xi32, #tpu.memory_space<vmem>>, vector<16xi32>,
      %masked_sort3A_795 = arith.constant dense<true> : vector<16xi1>
      %masked_sort3A_796, %masked_sort3A_797, %masked_sort3A_798 = tpu.sort %get3A_780, %get3A_782 masked %masked_sort3A_795 : (vector<16xf32>, vector<16xi32>, vector<16xi1>) -> (vector<16xi1>, vector<16xf32>, vector<16xi32>)
      %masked_sort3A_799 = arith.constant dense<true> : vector<16xi1>
      %masked_sort3A_800, %masked_sort3A_801, %masked_sort3A_802 = tpu.sort %get3A_784, %get3A_786 masked %masked_sort3A_799 : (vector<16xf32>, vector<16xi32>, vector<16xi1>) -> (vector<16xi1>, vector<16xf32>, vector<16xi32>)
      %masked_sort3A_803 = arith.constant dense<true> : vector<16xi1>
      %masked_sort3A_804, %masked_sort3A_805, %masked_sort3A_806 = tpu.sort %get3A_788, %get3A_790 masked %masked_sort3A_803 : (vector<16xf32>, vector<16xi32>, vector<16xi1>) -> (vector<16xi1>, vector<16xf32>, vector<16xi32>)
      %masked_sort3A_807 = arith.constant dense<true> : vector<16xi1>
      %masked_sort3A_808, %masked_sort3A_809, %masked_sort3A_810 = tpu.sort %get3A_792, %get3A_794 masked %masked_sort3A_807 : (vector<16xf32>, vector<16xi32>, vector<16xi1>) -> (vector<16xi1>, vector<16xf32>, vector<16xi32>)
      %rev3A_811 = arith.constant 15 : i32
      %rev3A_812 = vector.broadcast %rev3A_811 : i32 to vector<16xi32>
      %rev3A_813 = tpu.iota {dimensions = array<i32: 0>} : vector<16xi32>
      %rev3A_814 = arith.subi %rev3A_812, %rev3A_813 : vector<16xi32>
      %rev3A_815 = tpu.dynamic_gather %masked_sort3A_801[%rev3A_814] in [0] : vector<16xf32>, vector<16xi32> -> vector<16xf32>
      %rev3A_816 = arith.constant 15 : i32
      %rev3A_817 = vector.broadcast %rev3A_816 : i32 to vector<16xi32>
      %rev3A_818 = tpu.iota {dimensions = array<i32: 0>} : vector<16xi32>
      %rev3A_819 = arith.subi %rev3A_817, %rev3A_818 : vector<16xi32>
      %rev3A_820 = tpu.dynamic_gather %masked_sort3A_802[%rev3A_819] in [0] : vector<16xi32>, vector<16xi32> -> vector<16xi32>
      %lt3A_821 = arith.cmpf olt, %masked_sort3A_797, %rev3A_815 : vector<16xf32>
      %eq3A_822 = arith.cmpf oeq, %masked_sort3A_797, %rev3A_815 : vector<16xf32>
      %lt3A_823 = arith.cmpi slt, %masked_sort3A_798, %rev3A_820 : vector<16xi32>
      %and3A_824 = arith.andi %eq3A_822, %lt3A_823 : vector<16xi1>
      %or3A_825 = arith.ori %lt3A_821, %and3A_824 : vector<16xi1>
      %select_n3A_826 = arith.select %or3A_825, %masked_sort3A_797, %rev3A_815 : vector<16xi1>, vector<16xf32>
      %select_n3A_827 = arith.select %or3A_825, %masked_sort3A_798, %rev3A_820 : vector<16xi1>, vector<16xi32>
      %select_n3A_828 = arith.select %or3A_825, %rev3A_815, %masked_sort3A_797 : vector<16xi1>, vector<16xf32>
      %select_n3A_829 = arith.select %or3A_825, %rev3A_820, %masked_sort3A_798 : vector<16xi1>, vector<16xi32>
      %masked_sort3A_830 = arith.constant dense<true> : vector<16xi1>
      %masked_sort3A_831, %masked_sort3A_832, %masked_sort3A_833 = tpu.sort %select_n3A_826, %select_n3A_827 masked %masked_sort3A_830 : (vector<16xf32>, vector<16xi32>, vector<16xi1>) -> (vector<16xi1>, vector<16xf32>, vector<16xi32>)
      %masked_sort3A_834 = arith.constant dense<true> : vector<16xi1>
      %masked_sort3A_835, %masked_sort3A_836, %masked_sort3A_837 = tpu.sort %select_n3A_828, %select_n3A_829 masked %masked_sort3A_834 : (vector<16xf32>, vector<16xi32>, vector<16xi1>) -> (vector<16xi1>, vector<16xf32>, vector<16xi32>)
      %rev3A_838 = arith.constant 15 : i32
      %rev3A_839 = vector.broadcast %rev3A_838 : i32 to vector<16xi32>
      %rev3A_840 = tpu.iota {dimensions = array<i32: 0>} : vector<16xi32>
      %rev3A_841 = arith.subi %rev3A_839, %rev3A_840 : vector<16xi32>
      %rev3A_842 = tpu.dynamic_gather %masked_sort3A_809[%rev3A_841] in [0] : vector<16xf32>, vector<16xi32> -> vector<16xf32>
      %rev3A_843 = arith.constant 15 : i32
      %rev3A_844 = vector.broadcast %rev3A_843 : i32 to vector<16xi32>
      %rev3A_845 = tpu.iota {dimensions = array<i32: 0>} : vector<16xi32>
      %rev3A_846 = arith.subi %rev3A_844, %rev3A_845 : vector<16xi32>
      %rev3A_847 = tpu.dynamic_gather %masked_sort3A_810[%rev3A_846] in [0] : vector<16xi32>, vector<16xi32> -> vector<16xi32>
      %lt3A_848 = arith.cmpf olt, %masked_sort3A_805, %rev3A_842 : vector<16xf32>
      %eq3A_849 = arith.cmpf oeq, %masked_sort3A_805, %rev3A_842 : vector<16xf32>
      %lt3A_850 = arith.cmpi slt, %masked_sort3A_806, %rev3A_847 : vector<16xi32>
      %and3A_851 = arith.andi %eq3A_849, %lt3A_850 : vector<16xi1>
      %or3A_852 = arith.ori %lt3A_848, %and3A_851 : vector<16xi1>
      %select_n3A_853 = arith.select %or3A_852, %masked_sort3A_805, %rev3A_842 : vector<16xi1>, vector<16xf32>
      %select_n3A_854 = arith.select %or3A_852, %masked_sort3A_806, %rev3A_847 : vector<16xi1>, vector<16xi32>
      %select_n3A_855 = arith.select %or3A_852, %rev3A_842, %masked_sort3A_805 : vector<16xi1>, vector<16xf32>
      %select_n3A_856 = arith.select %or3A_852, %rev3A_847, %masked_sort3A_806 : vector<16xi1>, vector<16xi32>
      %masked_sort3A_857 = arith.constant dense<true> : vector<16xi1>
      %masked_sort3A_858, %masked_sort3A_859, %masked_sort3A_860 = tpu.sort %select_n3A_853, %select_n3A_854 masked %masked_sort3A_857 : (vector<16xf32>, vector<16xi32>, vector<16xi1>) -> (vector<16xi1>, vector<16xf32>, vector<16xi32>)
      %masked_sort3A_861 = arith.constant dense<true> : vector<16xi1>
      %masked_sort3A_862, %masked_sort3A_863, %masked_sort3A_864 = tpu.sort %select_n3A_855, %select_n3A_856 masked %masked_sort3A_861 : (vector<16xf32>, vector<16xi32>, vector<16xi1>) -> (vector<16xi1>, vector<16xf32>, vector<16xi32>)
      %rev3A_865 = arith.constant 15 : i32
      %rev3A_866 = vector.broadcast %rev3A_865 : i32 to vector<16xi32>
      %rev3A_867 = tpu.iota {dimensions = array<i32: 0>} : vector<16xi32>
      %rev3A_868 = arith.subi %rev3A_866, %rev3A_867 : vector<16xi32>
      %rev3A_869 = tpu.dynamic_gather %masked_sort3A_863[%rev3A_868] in [0] : vector<16xf32>, vector<16xi32> -> vector<16xf32>
      %rev3A_870 = arith.constant 15 : i32
      %rev3A_871 = vector.broadcast %rev3A_870 : i32 to vector<16xi32>
      %rev3A_872 = tpu.iota {dimensions = array<i32: 0>} : vector<16xi32>
      %rev3A_873 = arith.subi %rev3A_871, %rev3A_872 : vector<16xi32>
      %rev3A_874 = tpu.dynamic_gather %masked_sort3A_864[%rev3A_873] in [0] : vector<16xi32>, vector<16xi32> -> vector<16xi32>
      %rev3A_875 = arith.constant 15 : i32
      %rev3A_876 = vector.broadcast %rev3A_875 : i32 to vector<16xi32>
      %rev3A_877 = tpu.iota {dimensions = array<i32: 0>} : vector<16xi32>
      %rev3A_878 = arith.subi %rev3A_876, %rev3A_877 : vector<16xi32>
      %rev3A_879 = tpu.dynamic_gather %masked_sort3A_859[%rev3A_878] in [0] : vector<16xf32>, vector<16xi32> -> vector<16xf32>
      %rev3A_880 = arith.constant 15 : i32
      %rev3A_881 = vector.broadcast %rev3A_880 : i32 to vector<16xi32>
      %rev3A_882 = tpu.iota {dimensions = array<i32: 0>} : vector<16xi32>
      %rev3A_883 = arith.subi %rev3A_881, %rev3A_882 : vector<16xi32>
      %rev3A_884 = tpu.dynamic_gather %masked_sort3A_860[%rev3A_883] in [0] : vector<16xi32>, vector<16xi32> -> vector<16xi32>
      %lt3A_885 = arith.cmpf olt, %masked_sort3A_832, %rev3A_869 : vector<16xf32>
      %eq3A_886 = arith.cmpf oeq, %masked_sort3A_832, %rev3A_869 : vector<16xf32>
      %lt3A_887 = arith.cmpi slt, %masked_sort3A_833, %rev3A_874 : vector<16xi32>
      %and3A_888 = arith.andi %eq3A_886, %lt3A_887 : vector<16xi1>
      %or3A_889 = arith.ori %lt3A_885, %and3A_888 : vector<16xi1>
      %select_n3A_890 = arith.select %or3A_889, %masked_sort3A_832, %rev3A_869 : vector<16xi1>, vector<16xf32>
      %select_n3A_891 = arith.select %or3A_889, %masked_sort3A_833, %rev3A_874 : vector<16xi1>, vector<16xi32>
      %select_n3A_892 = arith.select %or3A_889, %rev3A_869, %masked_sort3A_832 : vector<16xi1>, vector<16xf32>
      %select_n3A_893 = arith.select %or3A_889, %rev3A_874, %masked_sort3A_833 : vector<16xi1>, vector<16xi32>
      %lt3A_894 = arith.cmpf olt, %masked_sort3A_836, %rev3A_879 : vector<16xf32>
      %eq3A_895 = arith.cmpf oeq, %masked_sort3A_836, %rev3A_879 : vector<16xf32>
      %lt3A_896 = arith.cmpi slt, %masked_sort3A_837, %rev3A_884 : vector<16xi32>
      %and3A_897 = arith.andi %eq3A_895, %lt3A_896 : vector<16xi1>
      %or3A_898 = arith.ori %lt3A_894, %and3A_897 : vector<16xi1>
      %select_n3A_899 = arith.select %or3A_898, %masked_sort3A_836, %rev3A_879 : vector<16xi1>, vector<16xf32>
      %select_n3A_900 = arith.select %or3A_898, %masked_sort3A_837, %rev3A_884 : vector<16xi1>, vector<16xi32>
      %select_n3A_901 = arith.select %or3A_898, %rev3A_879, %masked_sort3A_836 : vector<16xi1>, vector<16xf32>
      %select_n3A_902 = arith.select %or3A_898, %rev3A_884, %masked_sort3A_837 : vector<16xi1>, vector<16xi32>
      %lt3A_903 = arith.cmpf olt, %select_n3A_890, %select_n3A_899 : vector<16xf32>
      %eq3A_904 = arith.cmpf oeq, %select_n3A_890, %select_n3A_899 : vector<16xf32>
      %lt3A_905 = arith.cmpi slt, %select_n3A_891, %select_n3A_900 : vector<16xi32>
      %and3A_906 = arith.andi %eq3A_904, %lt3A_905 : vector<16xi1>
      %or3A_907 = arith.ori %lt3A_903, %and3A_906 : vector<16xi1>
      %select_n3A_908 = arith.select %or3A_907, %select_n3A_890, %select_n3A_899 : vector<16xi1>, vector<16xf32>
      %select_n3A_909 = arith.select %or3A_907, %select_n3A_891, %select_n3A_900 : vector<16xi1>, vector<16xi32>
      %select_n3A_910 = arith.select %or3A_907, %select_n3A_899, %select_n3A_890 : vector<16xi1>, vector<16xf32>
      %select_n3A_911 = arith.select %or3A_907, %select_n3A_900, %select_n3A_891 : vector<16xi1>, vector<16xi32>
      %masked_sort3A_912 = arith.constant dense<true> : vector<16xi1>
      %masked_sort3A_913, %masked_sort3A_914, %masked_sort3A_915 = tpu.sort %select_n3A_908, %select_n3A_909 masked %masked_sort3A_912 : (vector<16xf32>, vector<16xi32>, vector<16xi1>) -> (vector<16xi1>, vector<16xf32>, vector<16xi32>)
      %masked_sort3A_916 = arith.constant dense<true> : vector<16xi1>
      %masked_sort3A_917, %masked_sort3A_918, %masked_sort3A_919 = tpu.sort %select_n3A_910, %select_n3A_911 masked %masked_sort3A_916 : (vector<16xf32>, vector<16xi32>, vector<16xi1>) -> (vector<16xi1>, vector<16xf32>, vector<16xi32>)
      %max3A_920 = arith.constant 4 : i32
      %max3A_921 = arith.maxsi %select_n3A_762, %max3A_920 : i32
      %while3A_922 = arith.constant 4 : i32
      %while3A_923 = arith.subi %max3A_921, %while3A_922 : i32
      %while3A_924 = arith.addi %while3A_922, %while3A_923 : i32
      %while3A_925 = arith.constant 1 : i32
      %while3A_926 = arith.divsi %while3A_923, %while3A_925 : i32
      %while3A_927 = arith.muli %while3A_926, %while3A_925 : i32
      %while3A_928 = arith.addi %while3A_922, %while3A_927 : i32
      %while3A_929 = arith.constant 1 : i32
      %while3A_930:4 = scf.for %while3A_1201 = %while3A_922 to %while3A_928 step %while3A_929 iter_args(%while3A_1202 = %masked_sort3A_914, %while3A_1203 = %masked_sort3A_915, %while3A_1204 = %masked_sort3A_918, %while3A_1205 = %masked_sort3A_919) -> (vector<16xf32>, vector<16xi32>, vector<16xf32>, vector<16xi32>)  : i32 {
        %mul3A_1206 = arith.constant 16 : i32
        %mul3A_1207 = arith.muli %while3A_1201, %mul3A_1206 : i32
        %get3A_1208 = arith.index_cast %mul3A_1207 : i32 to index
        %get3A_1209 = tpu.vector_load %arg12[%get3A_1208] {strides = array<i32>} : memref<528xf32, #tpu.memory_space<vmem>>, vector<16xf32>,
        %mul3A_1210 = arith.constant 16 : i32
        %mul3A_1211 = arith.muli %while3A_1201, %mul3A_1210 : i32
        %get3A_1212 = arith.index_cast %mul3A_1211 : i32 to index
        %get3A_1213 = tpu.vector_load %arg11[%get3A_1212] {strides = array<i32>} : memref<528xi32, #tpu.memory_space<vmem>>, vector<16xi32>,
        %masked_sort3A_1214 = arith.constant dense<true> : vector<16xi1>
        %masked_sort3A_1215, %masked_sort3A_1216, %masked_sort3A_1217 = tpu.sort %get3A_1209, %get3A_1213 masked %masked_sort3A_1214 : (vector<16xf32>, vector<16xi32>, vector<16xi1>) -> (vector<16xi1>, vector<16xf32>, vector<16xi32>)
        %rev3A_1218 = arith.constant 15 : i32
        %rev3A_1219 = vector.broadcast %rev3A_1218 : i32 to vector<16xi32>
        %rev3A_1220 = tpu.iota {dimensions = array<i32: 0>} : vector<16xi32>
        %rev3A_1221 = arith.subi %rev3A_1219, %rev3A_1220 : vector<16xi32>
        %rev3A_1222 = tpu.dynamic_gather %masked_sort3A_1216[%rev3A_1221] in [0] : vector<16xf32>, vector<16xi32> -> vector<16xf32>
        %rev3A_1223 = arith.constant 15 : i32
        %rev3A_1224 = vector.broadcast %rev3A_1223 : i32 to vector<16xi32>
        %rev3A_1225 = tpu.iota {dimensions = array<i32: 0>} : vector<16xi32>
        %rev3A_1226 = arith.subi %rev3A_1224, %rev3A_1225 : vector<16xi32>
        %rev3A_1227 = tpu.dynamic_gather %masked_sort3A_1217[%rev3A_1226] in [0] : vector<16xi32>, vector<16xi32> -> vector<16xi32>
        %lt3A_1228 = arith.cmpf olt, %while3A_1204, %rev3A_1222 : vector<16xf32>
        %eq3A_1229 = arith.cmpf oeq, %while3A_1204, %rev3A_1222 : vector<16xf32>
        %lt3A_1230 = arith.cmpi slt, %while3A_1205, %rev3A_1227 : vector<16xi32>
        %and3A_1231 = arith.andi %eq3A_1229, %lt3A_1230 : vector<16xi1>
        %or3A_1232 = arith.ori %lt3A_1228, %and3A_1231 : vector<16xi1>
        %select_n3A_1233 = arith.select %or3A_1232, %while3A_1204, %rev3A_1222 : vector<16xi1>, vector<16xf32>
        %select_n3A_1234 = arith.select %or3A_1232, %while3A_1205, %rev3A_1227 : vector<16xi1>, vector<16xi32>
        %select_n3A_1235 = arith.select %or3A_1232, %rev3A_1222, %while3A_1204 : vector<16xi1>, vector<16xf32>
        %select_n3A_1236 = arith.select %or3A_1232, %rev3A_1227, %while3A_1205 : vector<16xi1>, vector<16xi32>
        %lt3A_1237 = arith.cmpf olt, %while3A_1202, %select_n3A_1233 : vector<16xf32>
        %eq3A_1238 = arith.cmpf oeq, %while3A_1202, %select_n3A_1233 : vector<16xf32>
        %lt3A_1239 = arith.cmpi slt, %while3A_1203, %select_n3A_1234 : vector<16xi32>
        %and3A_1240 = arith.andi %eq3A_1238, %lt3A_1239 : vector<16xi1>
        %or3A_1241 = arith.ori %lt3A_1237, %and3A_1240 : vector<16xi1>
        %select_n3A_1242 = arith.select %or3A_1241, %while3A_1202, %select_n3A_1233 : vector<16xi1>, vector<16xf32>
        %select_n3A_1243 = arith.select %or3A_1241, %while3A_1203, %select_n3A_1234 : vector<16xi1>, vector<16xi32>
        %select_n3A_1244 = arith.select %or3A_1241, %select_n3A_1233, %while3A_1202 : vector<16xi1>, vector<16xf32>
        %select_n3A_1245 = arith.select %or3A_1241, %select_n3A_1234, %while3A_1203 : vector<16xi1>, vector<16xi32>
        %masked_sort3A_1246 = arith.constant dense<true> : vector<16xi1>
        %masked_sort3A_1247, %masked_sort3A_1248, %masked_sort3A_1249 = tpu.sort %select_n3A_1242, %select_n3A_1243 masked %masked_sort3A_1246 : (vector<16xf32>, vector<16xi32>, vector<16xi1>) -> (vector<16xi1>, vector<16xf32>, vector<16xi32>)
        %masked_sort3A_1250 = arith.constant dense<true> : vector<16xi1>
        %masked_sort3A_1251, %masked_sort3A_1252, %masked_sort3A_1253 = tpu.sort %select_n3A_1244, %select_n3A_1245 masked %masked_sort3A_1250 : (vector<16xf32>, vector<16xi32>, vector<16xi1>) -> (vector<16xi1>, vector<16xf32>, vector<16xi32>)
        scf.yield %masked_sort3A_1248, %masked_sort3A_1249, %masked_sort3A_1252, %masked_sort3A_1253 : vector<16xf32>, vector<16xi32>, vector<16xf32>, vector<16xi32>
      }
      %while3A_931 = arith.constant 1 : i32
      %while3A_932:4 = scf.for %while3A_1201 = %while3A_928 to %while3A_924 step %while3A_931 iter_args(%while3A_1202 = %while3A_930#0, %while3A_1203 = %while3A_930#1, %while3A_1204 = %while3A_930#2, %while3A_1205 = %while3A_930#3) -> (vector<16xf32>, vector<16xi32>, vector<16xf32>, vector<16xi32>)  : i32 {
        %mul3A_1206 = arith.constant 16 : i32
        %mul3A_1207 = arith.muli %while3A_1201, %mul3A_1206 : i32
        %get3A_1208 = arith.index_cast %mul3A_1207 : i32 to index
        %get3A_1209 = tpu.vector_load %arg12[%get3A_1208] {strides = array<i32>} : memref<528xf32, #tpu.memory_space<vmem>>, vector<16xf32>,
        %mul3A_1210 = arith.constant 16 : i32
        %mul3A_1211 = arith.muli %while3A_1201, %mul3A_1210 : i32
        %get3A_1212 = arith.index_cast %mul3A_1211 : i32 to index
        %get3A_1213 = tpu.vector_load %arg11[%get3A_1212] {strides = array<i32>} : memref<528xi32, #tpu.memory_space<vmem>>, vector<16xi32>,
        %masked_sort3A_1214 = arith.constant dense<true> : vector<16xi1>
        %masked_sort3A_1215, %masked_sort3A_1216, %masked_sort3A_1217 = tpu.sort %get3A_1209, %get3A_1213 masked %masked_sort3A_1214 : (vector<16xf32>, vector<16xi32>, vector<16xi1>) -> (vector<16xi1>, vector<16xf32>, vector<16xi32>)
        %rev3A_1218 = arith.constant 15 : i32
        %rev3A_1219 = vector.broadcast %rev3A_1218 : i32 to vector<16xi32>
        %rev3A_1220 = tpu.iota {dimensions = array<i32: 0>} : vector<16xi32>
        %rev3A_1221 = arith.subi %rev3A_1219, %rev3A_1220 : vector<16xi32>
        %rev3A_1222 = tpu.dynamic_gather %masked_sort3A_1216[%rev3A_1221] in [0] : vector<16xf32>, vector<16xi32> -> vector<16xf32>
        %rev3A_1223 = arith.constant 15 : i32
        %rev3A_1224 = vector.broadcast %rev3A_1223 : i32 to vector<16xi32>
        %rev3A_1225 = tpu.iota {dimensions = array<i32: 0>} : vector<16xi32>
        %rev3A_1226 = arith.subi %rev3A_1224, %rev3A_1225 : vector<16xi32>
        %rev3A_1227 = tpu.dynamic_gather %masked_sort3A_1217[%rev3A_1226] in [0] : vector<16xi32>, vector<16xi32> -> vector<16xi32>
        %lt3A_1228 = arith.cmpf olt, %while3A_1204, %rev3A_1222 : vector<16xf32>
        %eq3A_1229 = arith.cmpf oeq, %while3A_1204, %rev3A_1222 : vector<16xf32>
        %lt3A_1230 = arith.cmpi slt, %while3A_1205, %rev3A_1227 : vector<16xi32>
        %and3A_1231 = arith.andi %eq3A_1229, %lt3A_1230 : vector<16xi1>
        %or3A_1232 = arith.ori %lt3A_1228, %and3A_1231 : vector<16xi1>
        %select_n3A_1233 = arith.select %or3A_1232, %while3A_1204, %rev3A_1222 : vector<16xi1>, vector<16xf32>
        %select_n3A_1234 = arith.select %or3A_1232, %while3A_1205, %rev3A_1227 : vector<16xi1>, vector<16xi32>
        %select_n3A_1235 = arith.select %or3A_1232, %rev3A_1222, %while3A_1204 : vector<16xi1>, vector<16xf32>
        %select_n3A_1236 = arith.select %or3A_1232, %rev3A_1227, %while3A_1205 : vector<16xi1>, vector<16xi32>
        %lt3A_1237 = arith.cmpf olt, %while3A_1202, %select_n3A_1233 : vector<16xf32>
        %eq3A_1238 = arith.cmpf oeq, %while3A_1202, %select_n3A_1233 : vector<16xf32>
        %lt3A_1239 = arith.cmpi slt, %while3A_1203, %select_n3A_1234 : vector<16xi32>
        %and3A_1240 = arith.andi %eq3A_1238, %lt3A_1239 : vector<16xi1>
        %or3A_1241 = arith.ori %lt3A_1237, %and3A_1240 : vector<16xi1>
        %select_n3A_1242 = arith.select %or3A_1241, %while3A_1202, %select_n3A_1233 : vector<16xi1>, vector<16xf32>
        %select_n3A_1243 = arith.select %or3A_1241, %while3A_1203, %select_n3A_1234 : vector<16xi1>, vector<16xi32>
        %select_n3A_1244 = arith.select %or3A_1241, %select_n3A_1233, %while3A_1202 : vector<16xi1>, vector<16xf32>
        %select_n3A_1245 = arith.select %or3A_1241, %select_n3A_1234, %while3A_1203 : vector<16xi1>, vector<16xi32>
        %masked_sort3A_1246 = arith.constant dense<true> : vector<16xi1>
        %masked_sort3A_1247, %masked_sort3A_1248, %masked_sort3A_1249 = tpu.sort %select_n3A_1242, %select_n3A_1243 masked %masked_sort3A_1246 : (vector<16xf32>, vector<16xi32>, vector<16xi1>) -> (vector<16xi1>, vector<16xf32>, vector<16xi32>)
        %masked_sort3A_1250 = arith.constant dense<true> : vector<16xi1>
        %masked_sort3A_1251, %masked_sort3A_1252, %masked_sort3A_1253 = tpu.sort %select_n3A_1244, %select_n3A_1245 masked %masked_sort3A_1250 : (vector<16xf32>, vector<16xi32>, vector<16xi1>) -> (vector<16xi1>, vector<16xf32>, vector<16xi32>)
        scf.yield %masked_sort3A_1248, %masked_sort3A_1249, %masked_sort3A_1252, %masked_sort3A_1253 : vector<16xf32>, vector<16xi32>, vector<16xf32>, vector<16xi32>
      }
      %min3A_933 = arith.constant 8191 : i32
      %min3A_934 = vector.broadcast %min3A_933 : i32 to vector<16xi32>
      %min3A_935 = arith.minsi %while3A_932#1, %min3A_934 : vector<16xi32>
      %min3A_936 = arith.constant 8191 : i32
      %min3A_937 = vector.broadcast %min3A_936 : i32 to vector<16xi32>
      %min3A_938 = arith.minsi %while3A_932#3, %min3A_937 : vector<16xi32>
      %jit3A_939 = arith.constant 16 : i32
      %eq3A_940 = arith.constant 0 : i32
      %eq3A_941 = arith.cmpi eq, %jit3A_939, %eq3A_940 : i32
      %jit3A_942 = arith.constant 1 : i32
      %select_n3A_943 = arith.select %eq3A_941, %jit3A_942, %jit3A_939 : i32
      %rem3A_944 = arith.remsi %add3A_624, %select_n3A_943 : i32
      %ne3A_945 = arith.constant 0 : i32
      %ne3A_946 = arith.cmpi ne, %rem3A_944, %ne3A_945 : i32
      %lt3A_947 = arith.constant 0 : i32
      %lt3A_948 = arith.cmpi slt, %rem3A_944, %lt3A_947 : i32
      %lt3A_949 = arith.constant 0 : i32
      %lt3A_950 = arith.cmpi slt, %select_n3A_943, %lt3A_949 : i32
      %ne3A_951 = arith.xori %lt3A_948, %lt3A_950 : i1
      %and3A_952 = arith.andi %ne3A_951, %ne3A_946 : i1
      %add3A_953 = arith.addi %rem3A_944, %select_n3A_943 : i32
      %select_n3A_954 = arith.select %and3A_952, %add3A_953, %rem3A_944 : i32
      %mul3A_955 = arith.constant 3 : i32
      %mul3A_956 = arith.muli %add3A_624, %mul3A_955 : i32
      %broadcast_in_dim3A_957 = arith.constant 0 : i32
      %broadcast_in_dim3A_958 = vector.broadcast %broadcast_in_dim3A_957 : i32 to vector<16xi32>
      %add3A_959 = vector.broadcast %mul3A_956 : i32 to vector<16xi32>
      %add3A_960 = arith.addi %broadcast_in_dim3A_958, %add3A_959 : vector<16xi32>
      %gather3A_961 = tpu.vector_load_idx %arg9[%add3A_960] : memref<384xf32, #tpu.memory_space<vmem>>[vector<16xi32>], vector<16xf32>,
      %broadcast_in_dim3A_962 = arith.constant 1 : i32
      %broadcast_in_dim3A_963 = vector.broadcast %broadcast_in_dim3A_962 : i32 to vector<16xi32>
      %add3A_964 = vector.broadcast %mul3A_956 : i32 to vector<16xi32>
      %add3A_965 = arith.addi %broadcast_in_dim3A_963, %add3A_964 : vector<16xi32>
      %gather3A_966 = tpu.vector_load_idx %arg9[%add3A_965] : memref<384xf32, #tpu.memory_space<vmem>>[vector<16xi32>], vector<16xf32>,
      %broadcast_in_dim3A_967 = arith.constant 2 : i32
      %broadcast_in_dim3A_968 = vector.broadcast %broadcast_in_dim3A_967 : i32 to vector<16xi32>
      %add3A_969 = vector.broadcast %mul3A_956 : i32 to vector<16xi32>
      %add3A_970 = arith.addi %broadcast_in_dim3A_968, %add3A_969 : vector<16xi32>
      %gather3A_971 = tpu.vector_load_idx %arg9[%add3A_970] : memref<384xf32, #tpu.memory_space<vmem>>[vector<16xi32>], vector<16xf32>,
      %add3A_972 = arith.constant 0 : i32
      %add3A_973 = vector.broadcast %add3A_972 : i32 to vector<16xi32>
      %add3A_974 = arith.addi %iota3A, %add3A_973 : vector<16xi32>
      %mul3A_975 = arith.constant 6 : i32
      %mul3A_976 = vector.broadcast %mul3A_975 : i32 to vector<16xi32>
      %mul3A_977 = arith.muli %min3A_935, %mul3A_976 : vector<16xi32>
      %add3A_978 = arith.constant 0 : i32
      %add3A_979 = vector.broadcast %add3A_978 : i32 to vector<16xi32>
      %add3A_980 = arith.addi %mul3A_977, %add3A_979 : vector<16xi32>
      %gather3A_981 = tpu.vector_load_idx %arg7[%add3A_980] : memref<49152xf32, #tpu.memory_space<vmem>>[vector<16xi32>], vector<16xf32>,
      %sub3A_982 = arith.subf %gather3A_981, %gather3A_961 : vector<16xf32>
      %mul3A_983 = arith.constant 192 : i32
      %mul3A_984 = arith.muli %select_n3A_954, %mul3A_983 : i32
      %mul3A_985 = arith.constant 6 : i32
      %mul3A_986 = vector.broadcast %mul3A_985 : i32 to vector<16xi32>
      %mul3A_987 = arith.muli %add3A_974, %mul3A_986 : vector<16xi32>
      %add3A_988 = vector.broadcast %mul3A_984 : i32 to vector<16xi32>
      %add3A_989 = arith.addi %add3A_988, %mul3A_987 : vector<16xi32>
      %add3A_990 = arith.constant 0 : i32
      %add3A_991 = vector.broadcast %add3A_990 : i32 to vector<16xi32>
      %add3A_992 = arith.addi %add3A_989, %add3A_991 : vector<16xi32>
      tpu.vector_store_idx %arg13[%add3A_992], %sub3A_982 : memref<3072xf32, #tpu.memory_space<vmem>>[vector<16xi32>], vector<16xf32>,
      %mul3A_993 = arith.constant 6 : i32
      %mul3A_994 = vector.broadcast %mul3A_993 : i32 to vector<16xi32>
      %mul3A_995 = arith.muli %min3A_935, %mul3A_994 : vector<16xi32>
      %add3A_996 = arith.constant 1 : i32
      %add3A_997 = vector.broadcast %add3A_996 : i32 to vector<16xi32>
      %add3A_998 = arith.addi %mul3A_995, %add3A_997 : vector<16xi32>
      %gather3A_999 = tpu.vector_load_idx %arg7[%add3A_998] : memref<49152xf32, #tpu.memory_space<vmem>>[vector<16xi32>], vector<16xf32>,
      %sub3A_1000 = arith.subf %gather3A_999, %gather3A_966 : vector<16xf32>
      %mul3A_1001 = arith.constant 192 : i32
      %mul3A_1002 = arith.muli %select_n3A_954, %mul3A_1001 : i32
      %mul3A_1003 = arith.constant 6 : i32
      %mul3A_1004 = vector.broadcast %mul3A_1003 : i32 to vector<16xi32>
      %mul3A_1005 = arith.muli %add3A_974, %mul3A_1004 : vector<16xi32>
      %add3A_1006 = vector.broadcast %mul3A_1002 : i32 to vector<16xi32>
      %add3A_1007 = arith.addi %add3A_1006, %mul3A_1005 : vector<16xi32>
      %add3A_1008 = arith.constant 1 : i32
      %add3A_1009 = vector.broadcast %add3A_1008 : i32 to vector<16xi32>
      %add3A_1010 = arith.addi %add3A_1007, %add3A_1009 : vector<16xi32>
      tpu.vector_store_idx %arg13[%add3A_1010], %sub3A_1000 : memref<3072xf32, #tpu.memory_space<vmem>>[vector<16xi32>], vector<16xf32>,
      %mul3A_1011 = arith.constant 6 : i32
      %mul3A_1012 = vector.broadcast %mul3A_1011 : i32 to vector<16xi32>
      %mul3A_1013 = arith.muli %min3A_935, %mul3A_1012 : vector<16xi32>
      %add3A_1014 = arith.constant 2 : i32
      %add3A_1015 = vector.broadcast %add3A_1014 : i32 to vector<16xi32>
      %add3A_1016 = arith.addi %mul3A_1013, %add3A_1015 : vector<16xi32>
      %gather3A_1017 = tpu.vector_load_idx %arg7[%add3A_1016] : memref<49152xf32, #tpu.memory_space<vmem>>[vector<16xi32>], vector<16xf32>,
      %sub3A_1018 = arith.subf %gather3A_1017, %gather3A_971 : vector<16xf32>
      %mul3A_1019 = arith.constant 192 : i32
      %mul3A_1020 = arith.muli %select_n3A_954, %mul3A_1019 : i32
      %mul3A_1021 = arith.constant 6 : i32
      %mul3A_1022 = vector.broadcast %mul3A_1021 : i32 to vector<16xi32>
      %mul3A_1023 = arith.muli %add3A_974, %mul3A_1022 : vector<16xi32>
      %add3A_1024 = vector.broadcast %mul3A_1020 : i32 to vector<16xi32>
      %add3A_1025 = arith.addi %add3A_1024, %mul3A_1023 : vector<16xi32>
      %add3A_1026 = arith.constant 2 : i32
      %add3A_1027 = vector.broadcast %add3A_1026 : i32 to vector<16xi32>
      %add3A_1028 = arith.addi %add3A_1025, %add3A_1027 : vector<16xi32>
      tpu.vector_store_idx %arg13[%add3A_1028], %sub3A_1018 : memref<3072xf32, #tpu.memory_space<vmem>>[vector<16xi32>], vector<16xf32>,
      %mul3A_1029 = arith.constant 6 : i32
      %mul3A_1030 = vector.broadcast %mul3A_1029 : i32 to vector<16xi32>
      %mul3A_1031 = arith.muli %min3A_935, %mul3A_1030 : vector<16xi32>
      %add3A_1032 = arith.constant 3 : i32
      %add3A_1033 = vector.broadcast %add3A_1032 : i32 to vector<16xi32>
      %add3A_1034 = arith.addi %mul3A_1031, %add3A_1033 : vector<16xi32>
      %gather3A_1035 = tpu.vector_load_idx %arg7[%add3A_1034] : memref<49152xf32, #tpu.memory_space<vmem>>[vector<16xi32>], vector<16xf32>,
      %mul3A_1036 = arith.constant 192 : i32
      %mul3A_1037 = arith.muli %select_n3A_954, %mul3A_1036 : i32
      %mul3A_1038 = arith.constant 6 : i32
      %mul3A_1039 = vector.broadcast %mul3A_1038 : i32 to vector<16xi32>
      %mul3A_1040 = arith.muli %add3A_974, %mul3A_1039 : vector<16xi32>
      %add3A_1041 = vector.broadcast %mul3A_1037 : i32 to vector<16xi32>
      %add3A_1042 = arith.addi %add3A_1041, %mul3A_1040 : vector<16xi32>
      %add3A_1043 = arith.constant 3 : i32
      %add3A_1044 = vector.broadcast %add3A_1043 : i32 to vector<16xi32>
      %add3A_1045 = arith.addi %add3A_1042, %add3A_1044 : vector<16xi32>
      tpu.vector_store_idx %arg13[%add3A_1045], %gather3A_1035 : memref<3072xf32, #tpu.memory_space<vmem>>[vector<16xi32>], vector<16xf32>,
      %mul3A_1046 = arith.constant 6 : i32
      %mul3A_1047 = vector.broadcast %mul3A_1046 : i32 to vector<16xi32>
      %mul3A_1048 = arith.muli %min3A_935, %mul3A_1047 : vector<16xi32>
      %add3A_1049 = arith.constant 4 : i32
      %add3A_1050 = vector.broadcast %add3A_1049 : i32 to vector<16xi32>
      %add3A_1051 = arith.addi %mul3A_1048, %add3A_1050 : vector<16xi32>
      %gather3A_1052 = tpu.vector_load_idx %arg7[%add3A_1051] : memref<49152xf32, #tpu.memory_space<vmem>>[vector<16xi32>], vector<16xf32>,
      %mul3A_1053 = arith.constant 192 : i32
      %mul3A_1054 = arith.muli %select_n3A_954, %mul3A_1053 : i32
      %mul3A_1055 = arith.constant 6 : i32
      %mul3A_1056 = vector.broadcast %mul3A_1055 : i32 to vector<16xi32>
      %mul3A_1057 = arith.muli %add3A_974, %mul3A_1056 : vector<16xi32>
      %add3A_1058 = vector.broadcast %mul3A_1054 : i32 to vector<16xi32>
      %add3A_1059 = arith.addi %add3A_1058, %mul3A_1057 : vector<16xi32>
      %add3A_1060 = arith.constant 4 : i32
      %add3A_1061 = vector.broadcast %add3A_1060 : i32 to vector<16xi32>
      %add3A_1062 = arith.addi %add3A_1059, %add3A_1061 : vector<16xi32>
      tpu.vector_store_idx %arg13[%add3A_1062], %gather3A_1052 : memref<3072xf32, #tpu.memory_space<vmem>>[vector<16xi32>], vector<16xf32>,
      %mul3A_1063 = arith.constant 6 : i32
      %mul3A_1064 = vector.broadcast %mul3A_1063 : i32 to vector<16xi32>
      %mul3A_1065 = arith.muli %min3A_935, %mul3A_1064 : vector<16xi32>
      %add3A_1066 = arith.constant 5 : i32
      %add3A_1067 = vector.broadcast %add3A_1066 : i32 to vector<16xi32>
      %add3A_1068 = arith.addi %mul3A_1065, %add3A_1067 : vector<16xi32>
      %gather3A_1069 = tpu.vector_load_idx %arg7[%add3A_1068] : memref<49152xf32, #tpu.memory_space<vmem>>[vector<16xi32>], vector<16xf32>,
      %mul3A_1070 = arith.constant 192 : i32
      %mul3A_1071 = arith.muli %select_n3A_954, %mul3A_1070 : i32
      %mul3A_1072 = arith.constant 6 : i32
      %mul3A_1073 = vector.broadcast %mul3A_1072 : i32 to vector<16xi32>
      %mul3A_1074 = arith.muli %add3A_974, %mul3A_1073 : vector<16xi32>
      %add3A_1075 = vector.broadcast %mul3A_1071 : i32 to vector<16xi32>
      %add3A_1076 = arith.addi %add3A_1075, %mul3A_1074 : vector<16xi32>
      %add3A_1077 = arith.constant 5 : i32
      %add3A_1078 = vector.broadcast %add3A_1077 : i32 to vector<16xi32>
      %add3A_1079 = arith.addi %add3A_1076, %add3A_1078 : vector<16xi32>
      tpu.vector_store_idx %arg13[%add3A_1079], %gather3A_1069 : memref<3072xf32, #tpu.memory_space<vmem>>[vector<16xi32>], vector<16xf32>,
      %add3A_1080 = arith.constant 16 : i32
      %add3A_1081 = vector.broadcast %add3A_1080 : i32 to vector<16xi32>
      %add3A_1082 = arith.addi %iota3A, %add3A_1081 : vector<16xi32>
      %mul3A_1083 = arith.constant 6 : i32
      %mul3A_1084 = vector.broadcast %mul3A_1083 : i32 to vector<16xi32>
      %mul3A_1085 = arith.muli %min3A_938, %mul3A_1084 : vector<16xi32>
      %add3A_1086 = arith.constant 0 : i32
      %add3A_1087 = vector.broadcast %add3A_1086 : i32 to vector<16xi32>
      %add3A_1088 = arith.addi %mul3A_1085, %add3A_1087 : vector<16xi32>
      %gather3A_1089 = tpu.vector_load_idx %arg7[%add3A_1088] : memref<49152xf32, #tpu.memory_space<vmem>>[vector<16xi32>], vector<16xf32>,
      %sub3A_1090 = arith.subf %gather3A_1089, %gather3A_961 : vector<16xf32>
      %mul3A_1091 = arith.constant 192 : i32
      %mul3A_1092 = arith.muli %select_n3A_954, %mul3A_1091 : i32
      %mul3A_1093 = arith.constant 6 : i32
      %mul3A_1094 = vector.broadcast %mul3A_1093 : i32 to vector<16xi32>
      %mul3A_1095 = arith.muli %add3A_1082, %mul3A_1094 : vector<16xi32>
      %add3A_1096 = vector.broadcast %mul3A_1092 : i32 to vector<16xi32>
      %add3A_1097 = arith.addi %add3A_1096, %mul3A_1095 : vector<16xi32>
      %add3A_1098 = arith.constant 0 : i32
      %add3A_1099 = vector.broadcast %add3A_1098 : i32 to vector<16xi32>
      %add3A_1100 = arith.addi %add3A_1097, %add3A_1099 : vector<16xi32>
      tpu.vector_store_idx %arg13[%add3A_1100], %sub3A_1090 : memref<3072xf32, #tpu.memory_space<vmem>>[vector<16xi32>], vector<16xf32>,
      %mul3A_1101 = arith.constant 6 : i32
      %mul3A_1102 = vector.broadcast %mul3A_1101 : i32 to vector<16xi32>
      %mul3A_1103 = arith.muli %min3A_938, %mul3A_1102 : vector<16xi32>
      %add3A_1104 = arith.constant 1 : i32
      %add3A_1105 = vector.broadcast %add3A_1104 : i32 to vector<16xi32>
      %add3A_1106 = arith.addi %mul3A_1103, %add3A_1105 : vector<16xi32>
      %gather3A_1107 = tpu.vector_load_idx %arg7[%add3A_1106] : memref<49152xf32, #tpu.memory_space<vmem>>[vector<16xi32>], vector<16xf32>,
      %sub3A_1108 = arith.subf %gather3A_1107, %gather3A_966 : vector<16xf32>
      %mul3A_1109 = arith.constant 192 : i32
      %mul3A_1110 = arith.muli %select_n3A_954, %mul3A_1109 : i32
      %mul3A_1111 = arith.constant 6 : i32
      %mul3A_1112 = vector.broadcast %mul3A_1111 : i32 to vector<16xi32>
      %mul3A_1113 = arith.muli %add3A_1082, %mul3A_1112 : vector<16xi32>
      %add3A_1114 = vector.broadcast %mul3A_1110 : i32 to vector<16xi32>
      %add3A_1115 = arith.addi %add3A_1114, %mul3A_1113 : vector<16xi32>
      %add3A_1116 = arith.constant 1 : i32
      %add3A_1117 = vector.broadcast %add3A_1116 : i32 to vector<16xi32>
      %add3A_1118 = arith.addi %add3A_1115, %add3A_1117 : vector<16xi32>
      tpu.vector_store_idx %arg13[%add3A_1118], %sub3A_1108 : memref<3072xf32, #tpu.memory_space<vmem>>[vector<16xi32>], vector<16xf32>,
      %mul3A_1119 = arith.constant 6 : i32
      %mul3A_1120 = vector.broadcast %mul3A_1119 : i32 to vector<16xi32>
      %mul3A_1121 = arith.muli %min3A_938, %mul3A_1120 : vector<16xi32>
      %add3A_1122 = arith.constant 2 : i32
      %add3A_1123 = vector.broadcast %add3A_1122 : i32 to vector<16xi32>
      %add3A_1124 = arith.addi %mul3A_1121, %add3A_1123 : vector<16xi32>
      %gather3A_1125 = tpu.vector_load_idx %arg7[%add3A_1124] : memref<49152xf32, #tpu.memory_space<vmem>>[vector<16xi32>], vector<16xf32>,
      %sub3A_1126 = arith.subf %gather3A_1125, %gather3A_971 : vector<16xf32>
      %mul3A_1127 = arith.constant 192 : i32
      %mul3A_1128 = arith.muli %select_n3A_954, %mul3A_1127 : i32
      %mul3A_1129 = arith.constant 6 : i32
      %mul3A_1130 = vector.broadcast %mul3A_1129 : i32 to vector<16xi32>
      %mul3A_1131 = arith.muli %add3A_1082, %mul3A_1130 : vector<16xi32>
      %add3A_1132 = vector.broadcast %mul3A_1128 : i32 to vector<16xi32>
      %add3A_1133 = arith.addi %add3A_1132, %mul3A_1131 : vector<16xi32>
      %add3A_1134 = arith.constant 2 : i32
      %add3A_1135 = vector.broadcast %add3A_1134 : i32 to vector<16xi32>
      %add3A_1136 = arith.addi %add3A_1133, %add3A_1135 : vector<16xi32>
      tpu.vector_store_idx %arg13[%add3A_1136], %sub3A_1126 : memref<3072xf32, #tpu.memory_space<vmem>>[vector<16xi32>], vector<16xf32>,
      %mul3A_1137 = arith.constant 6 : i32
      %mul3A_1138 = vector.broadcast %mul3A_1137 : i32 to vector<16xi32>
      %mul3A_1139 = arith.muli %min3A_938, %mul3A_1138 : vector<16xi32>
      %add3A_1140 = arith.constant 3 : i32
      %add3A_1141 = vector.broadcast %add3A_1140 : i32 to vector<16xi32>
      %add3A_1142 = arith.addi %mul3A_1139, %add3A_1141 : vector<16xi32>
      %gather3A_1143 = tpu.vector_load_idx %arg7[%add3A_1142] : memref<49152xf32, #tpu.memory_space<vmem>>[vector<16xi32>], vector<16xf32>,
      %mul3A_1144 = arith.constant 192 : i32
      %mul3A_1145 = arith.muli %select_n3A_954, %mul3A_1144 : i32
      %mul3A_1146 = arith.constant 6 : i32
      %mul3A_1147 = vector.broadcast %mul3A_1146 : i32 to vector<16xi32>
      %mul3A_1148 = arith.muli %add3A_1082, %mul3A_1147 : vector<16xi32>
      %add3A_1149 = vector.broadcast %mul3A_1145 : i32 to vector<16xi32>
      %add3A_1150 = arith.addi %add3A_1149, %mul3A_1148 : vector<16xi32>
      %add3A_1151 = arith.constant 3 : i32
      %add3A_1152 = vector.broadcast %add3A_1151 : i32 to vector<16xi32>
      %add3A_1153 = arith.addi %add3A_1150, %add3A_1152 : vector<16xi32>
      tpu.vector_store_idx %arg13[%add3A_1153], %gather3A_1143 : memref<3072xf32, #tpu.memory_space<vmem>>[vector<16xi32>], vector<16xf32>,
      %mul3A_1154 = arith.constant 6 : i32
      %mul3A_1155 = vector.broadcast %mul3A_1154 : i32 to vector<16xi32>
      %mul3A_1156 = arith.muli %min3A_938, %mul3A_1155 : vector<16xi32>
      %add3A_1157 = arith.constant 4 : i32
      %add3A_1158 = vector.broadcast %add3A_1157 : i32 to vector<16xi32>
      %add3A_1159 = arith.addi %mul3A_1156, %add3A_1158 : vector<16xi32>
      %gather3A_1160 = tpu.vector_load_idx %arg7[%add3A_1159] : memref<49152xf32, #tpu.memory_space<vmem>>[vector<16xi32>], vector<16xf32>,
      %mul3A_1161 = arith.constant 192 : i32
      %mul3A_1162 = arith.muli %select_n3A_954, %mul3A_1161 : i32
      %mul3A_1163 = arith.constant 6 : i32
      %mul3A_1164 = vector.broadcast %mul3A_1163 : i32 to vector<16xi32>
      %mul3A_1165 = arith.muli %add3A_1082, %mul3A_1164 : vector<16xi32>
      %add3A_1166 = vector.broadcast %mul3A_1162 : i32 to vector<16xi32>
      %add3A_1167 = arith.addi %add3A_1166, %mul3A_1165 : vector<16xi32>
      %add3A_1168 = arith.constant 4 : i32
      %add3A_1169 = vector.broadcast %add3A_1168 : i32 to vector<16xi32>
      %add3A_1170 = arith.addi %add3A_1167, %add3A_1169 : vector<16xi32>
      tpu.vector_store_idx %arg13[%add3A_1170], %gather3A_1160 : memref<3072xf32, #tpu.memory_space<vmem>>[vector<16xi32>], vector<16xf32>,
      %mul3A_1171 = arith.constant 6 : i32
      %mul3A_1172 = vector.broadcast %mul3A_1171 : i32 to vector<16xi32>
      %mul3A_1173 = arith.muli %min3A_938, %mul3A_1172 : vector<16xi32>
      %add3A_1174 = arith.constant 5 : i32
      %add3A_1175 = vector.broadcast %add3A_1174 : i32 to vector<16xi32>
      %add3A_1176 = arith.addi %mul3A_1173, %add3A_1175 : vector<16xi32>
      %gather3A_1177 = tpu.vector_load_idx %arg7[%add3A_1176] : memref<49152xf32, #tpu.memory_space<vmem>>[vector<16xi32>], vector<16xf32>,
      %mul3A_1178 = arith.constant 192 : i32
      %mul3A_1179 = arith.muli %select_n3A_954, %mul3A_1178 : i32
      %mul3A_1180 = arith.constant 6 : i32
      %mul3A_1181 = vector.broadcast %mul3A_1180 : i32 to vector<16xi32>
      %mul3A_1182 = arith.muli %add3A_1082, %mul3A_1181 : vector<16xi32>
      %add3A_1183 = vector.broadcast %mul3A_1179 : i32 to vector<16xi32>
      %add3A_1184 = arith.addi %add3A_1183, %mul3A_1182 : vector<16xi32>
      %add3A_1185 = arith.constant 5 : i32
      %add3A_1186 = vector.broadcast %add3A_1185 : i32 to vector<16xi32>
      %add3A_1187 = arith.addi %add3A_1184, %add3A_1186 : vector<16xi32>
      tpu.vector_store_idx %arg13[%add3A_1187], %gather3A_1177 : memref<3072xf32, #tpu.memory_space<vmem>>[vector<16xi32>], vector<16xf32>,
      %eq3A_1188 = arith.constant 15 : i32
      %eq3A_1189 = arith.cmpi eq, %select_n3A_954, %eq3A_1188 : i32
      %convert_element_type3A_1190 = arith.extui %eq3A_1189 : i1 to i32
      %cond3A_1191 = arith.constant 0 : i32
      %cond3A_1192 = arith.cmpi ne, %convert_element_type3A_1190, %cond3A_1191 : i32
      scf.if %cond3A_1192 {
        %add3A_1201 = arith.addi %mul3A_18, %add3A_624 : i32
        %sub3A_1202 = arith.constant 15 : i32
        %sub3A_1203 = arith.subi %add3A_1201, %sub3A_1202 : i32
        %mul3A_1204 = arith.constant 192 : i32
        %mul3A_1205 = arith.muli %sub3A_1203, %mul3A_1204 : i32
        "tpu.region"() ({
          %run_scoped3A = tpu.sem_alloc : memref<!tpu.dma_semaphore, #tpu.memory_space<semaphore_mem>>
          %dma_start3A_1206 = tpu.memref_slice %arg6[%mul3A_1205] : memref<786432xf32, #tpu.memory_space<hbm>> -> memref<3072xf32, #tpu.memory_space<hbm>>
          %dma_start3A_1207 = tpu.memref_slice %arg6[%mul3A_1205] : memref<786432xf32, #tpu.memory_space<hbm>> -> memref<3072xf32, #tpu.memory_space<hbm>>
          tpu.enqueue_dma source(%arg13 : memref<3072xf32, #tpu.memory_space<vmem>>) target(%dma_start3A_1207 : memref<3072xf32, #tpu.memory_space<hbm>>) target_semaphore(%run_scoped3A : memref<!tpu.dma_semaphore, #tpu.memory_space<semaphore_mem>>)
          %dma_wait3A_1208 = tpu.memref_slice %arg6[%mul3A_1205] : memref<786432xf32, #tpu.memory_space<hbm>> -> memref<3072xf32, #tpu.memory_space<hbm>>
          %dma_wait3A_1209 = tpu.memref_slice %arg6[%mul3A_1205] : memref<786432xf32, #tpu.memory_space<hbm>> -> memref<3072xf32, #tpu.memory_space<hbm>>
          tpu.wait_dma2 semaphore(%run_scoped3A : memref<!tpu.dma_semaphore, #tpu.memory_space<semaphore_mem>>) src(%arg13 : memref<3072xf32, #tpu.memory_space<vmem>>) dst(%dma_wait3A_1209 : memref<3072xf32, #tpu.memory_space<hbm>>)
          tpu.yield
        }) : () -> ()
      } else {
      }
      %add3A_1193 = arith.constant 2 : i32
      %add3A_1194 = arith.addi %add3A_624, %add3A_1193 : i32
      %lt3A_1195 = arith.constant 128 : i32
      %lt3A_1196 = arith.cmpi slt, %add3A_1194, %lt3A_1195 : i32
      %convert_element_type3A_1197 = arith.extui %lt3A_1196 : i1 to i32
      %cond3A_1198 = arith.constant 0 : i32
      %cond3A_1199 = arith.cmpi ne, %convert_element_type3A_1197, %cond3A_1198 : i32
      scf.if %cond3A_1199 {
        %add3A_1201 = arith.addi %mul3A_18, %add3A_624 : i32
        %add3A_1202 = arith.constant 2 : i32
        %add3A_1203 = arith.addi %add3A_1201, %add3A_1202 : i32
        %mul3A_1204 = arith.constant 8192 : i32
        %mul3A_1205 = arith.muli %add3A_1203, %mul3A_1204 : i32
        %dma_start3A_1206 = arith.constant 8192 : i32
        %dma_start3A_1207 = tpu.memref_slice %arg10[%dma_start3A_1206] : memref<16384xf32, #tpu.memory_space<vmem>> -> memref<8192xf32, #tpu.memory_space<vmem>>
        %dma_start3A_1208 = tpu.memref_slice %arg2[%mul3A_1205] : memref<33554432xf32, #tpu.memory_space<hbm>> -> memref<8192xf32, #tpu.memory_space<hbm>>
        %dma_start3A_1209 = arith.constant 8192 : i32
        %dma_start3A_1210 = tpu.memref_slice %arg10[%dma_start3A_1209] : memref<16384xf32, #tpu.memory_space<vmem>> -> memref<8192xf32, #tpu.memory_space<vmem>>
        %dma_start3A_1211 = tpu.memref_slice %arg2[%mul3A_1205] : memref<33554432xf32, #tpu.memory_space<hbm>> -> memref<8192xf32, #tpu.memory_space<hbm>>
        tpu.enqueue_dma source(%dma_start3A_1211 : memref<8192xf32, #tpu.memory_space<hbm>>) target(%dma_start3A_1210 : memref<8192xf32, #tpu.memory_space<vmem>>) target_semaphore(%arg14 : memref<!tpu.dma_semaphore, #tpu.memory_space<semaphore_mem>>)
      } else {
      }
      %scan3A_1200 = arith.constant 0 : i32
      scf.yield %scan3A_1200 : i32
    }
    %scan3A_57 = arith.constant 64 : i32
    return
  }
}

module attributes {stable_mosaic.version = 14 : i64} {
  func.func @_fps_body(%arg0: memref<3x8x8192xf32, #tpu.memory_space<vmem>>, %arg1: memref<8x1xi32, #tpu.memory_space<vmem>>, %arg2: memref<8x512xi32, #tpu.memory_space<vmem>>, %arg3: memref<8x512xf32, #tpu.memory_space<vmem>>, %arg4: memref<8x512xf32, #tpu.memory_space<vmem>>, %arg5: memref<8x512xf32, #tpu.memory_space<vmem>>) attributes {dimension_semantics = [], scalar_prefetch = 0 : i64, scratch_operands = 0 : i64, tpu.core_type = #tpu.core_type<tc>} {
    %get3A = arith.constant 0 : index
    %get3A_0 = arith.constant 0 : index
    %get3A_1 = arith.constant 0 : index
    %get3A_2 = vector.load %arg0[%get3A, %get3A_0, %get3A_1] : memref<3x8x8192xf32, #tpu.memory_space<vmem>>, vector<1x8x8192xf32>
    %get3A_3 = vector.shape_cast %get3A_2 : vector<1x8x8192xf32> to vector<8x8192xf32>
    %get3A_4 = arith.constant 1 : index
    %get3A_5 = arith.constant 0 : index
    %get3A_6 = arith.constant 0 : index
    %get3A_7 = vector.load %arg0[%get3A_4, %get3A_5, %get3A_6] : memref<3x8x8192xf32, #tpu.memory_space<vmem>>, vector<1x8x8192xf32>
    %get3A_8 = vector.shape_cast %get3A_7 : vector<1x8x8192xf32> to vector<8x8192xf32>
    %get3A_9 = arith.constant 2 : index
    %get3A_10 = arith.constant 0 : index
    %get3A_11 = arith.constant 0 : index
    %get3A_12 = vector.load %arg0[%get3A_9, %get3A_10, %get3A_11] : memref<3x8x8192xf32, #tpu.memory_space<vmem>>, vector<1x8x8192xf32>
    %get3A_13 = vector.shape_cast %get3A_12 : vector<1x8x8192xf32> to vector<8x8192xf32>
    %get3A_14 = arith.constant 0 : index
    %get3A_15 = arith.constant 0 : index
    %get3A_16 = vector.load %arg1[%get3A_14, %get3A_15] : memref<8x1xi32, #tpu.memory_space<vmem>>, vector<8x1xi32>
    %iota3A = tpu.iota {dimensions = array<i32: 1>} : vector<8x8192xi32>
    %iota3A_17 = tpu.iota {dimensions = array<i32: 1>} : vector<8x512xi32>
    %eq3A = vector.broadcast %get3A_16 : vector<8x1xi32> to vector<8x8192xi32>
    %eq3A_18 = arith.cmpi eq, %iota3A, %eq3A : vector<8x8192xi32>
    %jit3A = arith.constant 0.000000e+00 : f32
    %broadcast_in_dim3A = vector.broadcast %jit3A : f32 to vector<8x8192xf32>
    %select_n3A = arith.select %eq3A_18, %get3A_3, %broadcast_in_dim3A : vector<8x8192xi1>, vector<8x8192xf32>
    %reduce_sum3A = arith.constant dense<0.000000e+00> : vector<8xf32>
    %reduce_sum3A_19 = vector.multi_reduction <add>, %select_n3A, %reduce_sum3A [1] : vector<8x8192xf32> to vector<8xf32>
    %broadcast_in_dim3A_20 = vector.shape_cast %reduce_sum3A_19 : vector<8xf32> to vector<8x1xf32>
    %jit3A_21 = arith.constant 0.000000e+00 : f32
    %broadcast_in_dim3A_22 = vector.broadcast %jit3A_21 : f32 to vector<8x8192xf32>
    %select_n3A_23 = arith.select %eq3A_18, %get3A_8, %broadcast_in_dim3A_22 : vector<8x8192xi1>, vector<8x8192xf32>
    %reduce_sum3A_24 = arith.constant dense<0.000000e+00> : vector<8xf32>
    %reduce_sum3A_25 = vector.multi_reduction <add>, %select_n3A_23, %reduce_sum3A_24 [1] : vector<8x8192xf32> to vector<8xf32>
    %broadcast_in_dim3A_26 = vector.shape_cast %reduce_sum3A_25 : vector<8xf32> to vector<8x1xf32>
    %jit3A_27 = arith.constant 0.000000e+00 : f32
    %broadcast_in_dim3A_28 = vector.broadcast %jit3A_27 : f32 to vector<8x8192xf32>
    %select_n3A_29 = arith.select %eq3A_18, %get3A_13, %broadcast_in_dim3A_28 : vector<8x8192xi1>, vector<8x8192xf32>
    %reduce_sum3A_30 = arith.constant dense<0.000000e+00> : vector<8xf32>
    %reduce_sum3A_31 = vector.multi_reduction <add>, %select_n3A_29, %reduce_sum3A_30 [1] : vector<8x8192xf32> to vector<8xf32>
    %broadcast_in_dim3A_32 = vector.shape_cast %reduce_sum3A_31 : vector<8xf32> to vector<8x1xf32>
    %eq3A_33 = arith.constant 0 : i32
    %eq3A_34 = vector.broadcast %eq3A_33 : i32 to vector<8x512xi32>
    %eq3A_35 = arith.cmpi eq, %iota3A_17, %eq3A_34 : vector<8x512xi32>
    %jit3A_36 = arith.constant 0 : i32
    %broadcast_in_dim3A_37 = vector.shape_cast %get3A_16 : vector<8x1xi32> to vector<8x1xi32>
    %broadcast_in_dim3A_38 = vector.broadcast %broadcast_in_dim3A_37 : vector<8x1xi32> to vector<8x512xi32>
    %broadcast_in_dim3A_39 = vector.broadcast %jit3A_36 : i32 to vector<8x512xi32>
    %select_n3A_40 = arith.select %eq3A_35, %broadcast_in_dim3A_38, %broadcast_in_dim3A_39 : vector<8x512xi1>, vector<8x512xi32>
    %eq3A_41 = arith.constant 0 : i32
    %eq3A_42 = vector.broadcast %eq3A_41 : i32 to vector<8x512xi32>
    %eq3A_43 = arith.cmpi eq, %iota3A_17, %eq3A_42 : vector<8x512xi32>
    %jit3A_44 = arith.constant 0.000000e+00 : f32
    %broadcast_in_dim3A_45 = vector.shape_cast %broadcast_in_dim3A_20 : vector<8x1xf32> to vector<8x1xf32>
    %broadcast_in_dim3A_46 = vector.broadcast %broadcast_in_dim3A_45 : vector<8x1xf32> to vector<8x512xf32>
    %broadcast_in_dim3A_47 = vector.broadcast %jit3A_44 : f32 to vector<8x512xf32>
    %select_n3A_48 = arith.select %eq3A_43, %broadcast_in_dim3A_46, %broadcast_in_dim3A_47 : vector<8x512xi1>, vector<8x512xf32>
    %eq3A_49 = arith.constant 0 : i32
    %eq3A_50 = vector.broadcast %eq3A_49 : i32 to vector<8x512xi32>
    %eq3A_51 = arith.cmpi eq, %iota3A_17, %eq3A_50 : vector<8x512xi32>
    %jit3A_52 = arith.constant 0.000000e+00 : f32
    %broadcast_in_dim3A_53 = vector.shape_cast %broadcast_in_dim3A_26 : vector<8x1xf32> to vector<8x1xf32>
    %broadcast_in_dim3A_54 = vector.broadcast %broadcast_in_dim3A_53 : vector<8x1xf32> to vector<8x512xf32>
    %broadcast_in_dim3A_55 = vector.broadcast %jit3A_52 : f32 to vector<8x512xf32>
    %select_n3A_56 = arith.select %eq3A_51, %broadcast_in_dim3A_54, %broadcast_in_dim3A_55 : vector<8x512xi1>, vector<8x512xf32>
    %eq3A_57 = arith.constant 0 : i32
    %eq3A_58 = vector.broadcast %eq3A_57 : i32 to vector<8x512xi32>
    %eq3A_59 = arith.cmpi eq, %iota3A_17, %eq3A_58 : vector<8x512xi32>
    %jit3A_60 = arith.constant 0.000000e+00 : f32
    %broadcast_in_dim3A_61 = vector.shape_cast %broadcast_in_dim3A_32 : vector<8x1xf32> to vector<8x1xf32>
    %broadcast_in_dim3A_62 = vector.broadcast %broadcast_in_dim3A_61 : vector<8x1xf32> to vector<8x512xf32>
    %broadcast_in_dim3A_63 = vector.broadcast %jit3A_60 : f32 to vector<8x512xf32>
    %select_n3A_64 = arith.select %eq3A_59, %broadcast_in_dim3A_62, %broadcast_in_dim3A_63 : vector<8x512xi1>, vector<8x512xf32>
    %broadcast_in_dim3A_65 = arith.constant 0x7F800000 : f32
    %broadcast_in_dim3A_66 = vector.broadcast %broadcast_in_dim3A_65 : f32 to vector<8x8192xf32>
    %scan3A = arith.constant 1 : i32
    %scan3A_67 = arith.constant 511 : i32
    %scan3A_68 = arith.addi %scan3A, %scan3A_67 : i32
    %scan3A_69 = arith.constant 1 : i32
    %scan3A_70:8 = scf.for %scan3A_83 = %scan3A to %scan3A_68 step %scan3A_69 iter_args(%scan3A_84 = %broadcast_in_dim3A_20, %scan3A_85 = %broadcast_in_dim3A_26, %scan3A_86 = %broadcast_in_dim3A_32, %scan3A_87 = %broadcast_in_dim3A_66, %scan3A_88 = %select_n3A_40, %scan3A_89 = %select_n3A_48, %scan3A_90 = %select_n3A_56, %scan3A_91 = %select_n3A_64) -> (vector<8x1xf32>, vector<8x1xf32>, vector<8x1xf32>, vector<8x8192xf32>, vector<8x512xi32>, vector<8x512xf32>, vector<8x512xf32>, vector<8x512xf32>)  : i32 {
      %sub3A = vector.broadcast %scan3A_84 : vector<8x1xf32> to vector<8x8192xf32>
      %sub3A_92 = arith.subf %get3A_3, %sub3A : vector<8x8192xf32>
      %sub3A_93 = vector.broadcast %scan3A_85 : vector<8x1xf32> to vector<8x8192xf32>
      %sub3A_94 = arith.subf %get3A_8, %sub3A_93 : vector<8x8192xf32>
      %sub3A_95 = vector.broadcast %scan3A_86 : vector<8x1xf32> to vector<8x8192xf32>
      %sub3A_96 = arith.subf %get3A_13, %sub3A_95 : vector<8x8192xf32>
      %mul3A = arith.mulf %sub3A_92, %sub3A_92 : vector<8x8192xf32>
      %mul3A_97 = arith.mulf %sub3A_96, %sub3A_96 : vector<8x8192xf32>
      %add3A = arith.addf %mul3A, %mul3A_97 : vector<8x8192xf32>
      %mul3A_98 = arith.mulf %sub3A_94, %sub3A_94 : vector<8x8192xf32>
      %add3A_99 = arith.addf %add3A, %mul3A_98 : vector<8x8192xf32>
      %min3A = arith.minimumf %scan3A_87, %add3A_99 : vector<8x8192xf32>
      %reduce_max3A = arith.constant dense<0xFF800000> : vector<8xf32>
      %reduce_max3A_100 = vector.multi_reduction <maximumf>, %min3A, %reduce_max3A [1] : vector<8x8192xf32> to vector<8xf32>
      %broadcast_in_dim3A_101 = vector.shape_cast %reduce_max3A_100 : vector<8xf32> to vector<8x1xf32>
      %eq3A_102 = vector.broadcast %broadcast_in_dim3A_101 : vector<8x1xf32> to vector<8x8192xf32>
      %eq3A_103 = arith.cmpf oeq, %min3A, %eq3A_102 : vector<8x8192xf32>
      %jit3A_104 = arith.constant 8192 : i32
      %broadcast_in_dim3A_105 = vector.broadcast %jit3A_104 : i32 to vector<8x8192xi32>
      %select_n3A_106 = arith.select %eq3A_103, %iota3A, %broadcast_in_dim3A_105 : vector<8x8192xi1>, vector<8x8192xi32>
      %reduce_min3A = arith.constant dense<2147483647> : vector<8xi32>
      %reduce_min3A_107 = vector.multi_reduction <minsi>, %select_n3A_106, %reduce_min3A [1] : vector<8x8192xi32> to vector<8xi32>
      %broadcast_in_dim3A_108 = vector.shape_cast %reduce_min3A_107 : vector<8xi32> to vector<8x1xi32>
      %eq3A_109 = vector.broadcast %broadcast_in_dim3A_108 : vector<8x1xi32> to vector<8x8192xi32>
      %eq3A_110 = arith.cmpi eq, %iota3A, %eq3A_109 : vector<8x8192xi32>
      %jit3A_111 = arith.constant 0.000000e+00 : f32
      %broadcast_in_dim3A_112 = vector.broadcast %jit3A_111 : f32 to vector<8x8192xf32>
      %select_n3A_113 = arith.select %eq3A_110, %get3A_3, %broadcast_in_dim3A_112 : vector<8x8192xi1>, vector<8x8192xf32>
      %reduce_sum3A_114 = arith.constant dense<0.000000e+00> : vector<8xf32>
      %reduce_sum3A_115 = vector.multi_reduction <add>, %select_n3A_113, %reduce_sum3A_114 [1] : vector<8x8192xf32> to vector<8xf32>
      %broadcast_in_dim3A_116 = vector.shape_cast %reduce_sum3A_115 : vector<8xf32> to vector<8x1xf32>
      %jit3A_117 = arith.constant 0.000000e+00 : f32
      %broadcast_in_dim3A_118 = vector.broadcast %jit3A_117 : f32 to vector<8x8192xf32>
      %select_n3A_119 = arith.select %eq3A_110, %get3A_8, %broadcast_in_dim3A_118 : vector<8x8192xi1>, vector<8x8192xf32>
      %reduce_sum3A_120 = arith.constant dense<0.000000e+00> : vector<8xf32>
      %reduce_sum3A_121 = vector.multi_reduction <add>, %select_n3A_119, %reduce_sum3A_120 [1] : vector<8x8192xf32> to vector<8xf32>
      %broadcast_in_dim3A_122 = vector.shape_cast %reduce_sum3A_121 : vector<8xf32> to vector<8x1xf32>
      %jit3A_123 = arith.constant 0.000000e+00 : f32
      %broadcast_in_dim3A_124 = vector.broadcast %jit3A_123 : f32 to vector<8x8192xf32>
      %select_n3A_125 = arith.select %eq3A_110, %get3A_13, %broadcast_in_dim3A_124 : vector<8x8192xi1>, vector<8x8192xf32>
      %reduce_sum3A_126 = arith.constant dense<0.000000e+00> : vector<8xf32>
      %reduce_sum3A_127 = vector.multi_reduction <add>, %select_n3A_125, %reduce_sum3A_126 [1] : vector<8x8192xf32> to vector<8xf32>
      %broadcast_in_dim3A_128 = vector.shape_cast %reduce_sum3A_127 : vector<8xf32> to vector<8x1xf32>
      %eq3A_129 = vector.broadcast %scan3A_83 : i32 to vector<8x512xi32>
      %eq3A_130 = arith.cmpi eq, %iota3A_17, %eq3A_129 : vector<8x512xi32>
      %broadcast_in_dim3A_131 = vector.shape_cast %broadcast_in_dim3A_108 : vector<8x1xi32> to vector<8x1xi32>
      %broadcast_in_dim3A_132 = vector.broadcast %broadcast_in_dim3A_131 : vector<8x1xi32> to vector<8x512xi32>
      %select_n3A_133 = arith.select %eq3A_130, %broadcast_in_dim3A_132, %scan3A_88 : vector<8x512xi1>, vector<8x512xi32>
      %broadcast_in_dim3A_134 = vector.shape_cast %broadcast_in_dim3A_116 : vector<8x1xf32> to vector<8x1xf32>
      %broadcast_in_dim3A_135 = vector.broadcast %broadcast_in_dim3A_134 : vector<8x1xf32> to vector<8x512xf32>
      %select_n3A_136 = arith.select %eq3A_130, %broadcast_in_dim3A_135, %scan3A_89 : vector<8x512xi1>, vector<8x512xf32>
      %broadcast_in_dim3A_137 = vector.shape_cast %broadcast_in_dim3A_122 : vector<8x1xf32> to vector<8x1xf32>
      %broadcast_in_dim3A_138 = vector.broadcast %broadcast_in_dim3A_137 : vector<8x1xf32> to vector<8x512xf32>
      %select_n3A_139 = arith.select %eq3A_130, %broadcast_in_dim3A_138, %scan3A_90 : vector<8x512xi1>, vector<8x512xf32>
      %broadcast_in_dim3A_140 = vector.shape_cast %broadcast_in_dim3A_128 : vector<8x1xf32> to vector<8x1xf32>
      %broadcast_in_dim3A_141 = vector.broadcast %broadcast_in_dim3A_140 : vector<8x1xf32> to vector<8x512xf32>
      %select_n3A_142 = arith.select %eq3A_130, %broadcast_in_dim3A_141, %scan3A_91 : vector<8x512xi1>, vector<8x512xf32>
      scf.yield %broadcast_in_dim3A_116, %broadcast_in_dim3A_122, %broadcast_in_dim3A_128, %min3A, %select_n3A_133, %select_n3A_136, %select_n3A_139, %select_n3A_142 : vector<8x1xf32>, vector<8x1xf32>, vector<8x1xf32>, vector<8x8192xf32>, vector<8x512xi32>, vector<8x512xf32>, vector<8x512xf32>, vector<8x512xf32>
    }
    %scan3A_71 = arith.constant 511 : i32
    %swap3A = arith.constant 0 : index
    %swap3A_72 = arith.constant 0 : index
    %swap3A_73 = vector.load %arg2[%swap3A, %swap3A_72] : memref<8x512xi32, #tpu.memory_space<vmem>>, vector<8x512xi32>
    tpu.vector_store %arg2[%swap3A, %swap3A_72], %scan3A_70#4 {strides = array<i32>} : memref<8x512xi32, #tpu.memory_space<vmem>>, vector<8x512xi32>,
    %swap3A_74 = arith.constant 0 : index
    %swap3A_75 = arith.constant 0 : index
    %swap3A_76 = vector.load %arg3[%swap3A_74, %swap3A_75] : memref<8x512xf32, #tpu.memory_space<vmem>>, vector<8x512xf32>
    tpu.vector_store %arg3[%swap3A_74, %swap3A_75], %scan3A_70#5 {strides = array<i32>} : memref<8x512xf32, #tpu.memory_space<vmem>>, vector<8x512xf32>,
    %swap3A_77 = arith.constant 0 : index
    %swap3A_78 = arith.constant 0 : index
    %swap3A_79 = vector.load %arg4[%swap3A_77, %swap3A_78] : memref<8x512xf32, #tpu.memory_space<vmem>>, vector<8x512xf32>
    tpu.vector_store %arg4[%swap3A_77, %swap3A_78], %scan3A_70#6 {strides = array<i32>} : memref<8x512xf32, #tpu.memory_space<vmem>>, vector<8x512xf32>,
    %swap3A_80 = arith.constant 0 : index
    %swap3A_81 = arith.constant 0 : index
    %swap3A_82 = vector.load %arg5[%swap3A_80, %swap3A_81] : memref<8x512xf32, #tpu.memory_space<vmem>>, vector<8x512xf32>
    tpu.vector_store %arg5[%swap3A_80, %swap3A_81], %scan3A_70#7 {strides = array<i32>} : memref<8x512xf32, #tpu.memory_space<vmem>>, vector<8x512xf32>,
    return
  }
}

module attributes {stable_mosaic.version = 14 : i64} {
  func.func @_d2_body(%arg0: i32, %arg1: i32, %arg2: memref<1x256x3xf32, #tpu.memory_space<vmem>>, %arg3: memref<1x3x8192xf32, #tpu.memory_space<vmem>>, %arg4: memref<1x256x8192xf32, #tpu.memory_space<vmem>>, %arg5: memref<1x256x64xf32, #tpu.memory_space<vmem>>) attributes {dimension_semantics = [#tpu.dimension_semantics<arbitrary>, #tpu.dimension_semantics<arbitrary>], iteration_bounds = array<i64: 8, 2>, scalar_prefetch = 0 : i64, scratch_operands = 0 : i64, tpu.core_type = #tpu.core_type<tc>, window_params = [{transform_indices = @transform_0, window_bounds = array<i64: 1, 256, 3>}, {transform_indices = @transform_1, window_bounds = array<i64: 1, 3, 8192>}, {transform_indices = @transform_2, window_bounds = array<i64: 1, 256, 8192>}, {transform_indices = @transform_3, window_bounds = array<i64: 1, 256, 64>}]} {
    %get3A = arith.constant 0 : index
    %get3A_0 = arith.constant 0 : index
    %get3A_1 = arith.constant 0 : index
    %get3A_2 = vector.load %arg2[%get3A, %get3A_0, %get3A_1] : memref<1x256x3xf32, #tpu.memory_space<vmem>>, vector<1x256x3xf32>
    %get3A_3 = vector.shape_cast %get3A_2 : vector<1x256x3xf32> to vector<256x3xf32>
    %get3A_4 = arith.constant 0 : index
    %get3A_5 = arith.constant 0 : index
    %get3A_6 = arith.constant 0 : index
    %get3A_7 = vector.load %arg3[%get3A_4, %get3A_5, %get3A_6] : memref<1x3x8192xf32, #tpu.memory_space<vmem>>, vector<1x3x8192xf32>
    %get3A_8 = vector.shape_cast %get3A_7 : vector<1x3x8192xf32> to vector<3x8192xf32>
    %dot_general3A = arith.constant dense<0.000000e+00> : vector<256x8192xf32>
    %dot_general3A_9 = tpu.matmul %get3A_3, %get3A_8, %dot_general3A {dimension_numbers = #tpu.dot_dimension_numbers<[1], [0], [0], [1], [0, 0, 1, 1], [], []>, transpose_lhs_hint = false} : vector<256x3xf32>, vector<3x8192xf32>, vector<256x8192xf32> -> vector<256x8192xf32>
    %slice3A = vector.extract_strided_slice %get3A_3 {offsets = [0, 0], sizes = [256, 1], strides = [1, 1]} : vector<256x3xf32> to vector<256x1xf32>
    %slice3A_10 = vector.extract_strided_slice %get3A_3 {offsets = [0, 1], sizes = [256, 1], strides = [1, 1]} : vector<256x3xf32> to vector<256x1xf32>
    %slice3A_11 = vector.extract_strided_slice %get3A_3 {offsets = [0, 2], sizes = [256, 1], strides = [1, 1]} : vector<256x3xf32> to vector<256x1xf32>
    %mul3A = arith.mulf %slice3A, %slice3A : vector<256x1xf32>
    %mul3A_12 = arith.mulf %slice3A_10, %slice3A_10 : vector<256x1xf32>
    %add3A = arith.addf %mul3A, %mul3A_12 : vector<256x1xf32>
    %mul3A_13 = arith.mulf %slice3A_11, %slice3A_11 : vector<256x1xf32>
    %add3A_14 = arith.addf %add3A, %mul3A_13 : vector<256x1xf32>
    %slice3A_15 = vector.extract_strided_slice %get3A_8 {offsets = [0, 0], sizes = [1, 8192], strides = [1, 1]} : vector<3x8192xf32> to vector<1x8192xf32>
    %slice3A_16 = vector.extract_strided_slice %get3A_8 {offsets = [1, 0], sizes = [1, 8192], strides = [1, 1]} : vector<3x8192xf32> to vector<1x8192xf32>
    %slice3A_17 = vector.extract_strided_slice %get3A_8 {offsets = [2, 0], sizes = [1, 8192], strides = [1, 1]} : vector<3x8192xf32> to vector<1x8192xf32>
    %mul3A_18 = arith.mulf %slice3A_15, %slice3A_15 : vector<1x8192xf32>
    %mul3A_19 = arith.mulf %slice3A_16, %slice3A_16 : vector<1x8192xf32>
    %add3A_20 = arith.addf %mul3A_18, %mul3A_19 : vector<1x8192xf32>
    %mul3A_21 = arith.mulf %slice3A_17, %slice3A_17 : vector<1x8192xf32>
    %add3A_22 = arith.addf %add3A_20, %mul3A_21 : vector<1x8192xf32>
    %mul3A_23 = arith.constant 2.000000e+00 : f32
    %mul3A_24 = vector.broadcast %mul3A_23 : f32 to vector<256x8192xf32>
    %mul3A_25 = arith.mulf %mul3A_24, %dot_general3A_9 : vector<256x8192xf32>
    %sub3A = vector.broadcast %add3A_14 : vector<256x1xf32> to vector<256x8192xf32>
    %sub3A_26 = arith.subf %sub3A, %mul3A_25 : vector<256x8192xf32>
    %add3A_27 = vector.broadcast %add3A_22 : vector<1x8192xf32> to vector<256x8192xf32>
    %add3A_28 = arith.addf %sub3A_26, %add3A_27 : vector<256x8192xf32>
    %swap3A = arith.constant 0 : index
    %swap3A_29 = arith.constant 0 : index
    %swap3A_30 = arith.constant 0 : index
    %swap3A_31 = vector.load %arg4[%swap3A, %swap3A_29, %swap3A_30] : memref<1x256x8192xf32, #tpu.memory_space<vmem>>, vector<1x256x8192xf32>
    %swap3A_32 = vector.shape_cast %swap3A_31 : vector<1x256x8192xf32> to vector<256x8192xf32>
    %swap3A_33 = vector.shape_cast %add3A_28 : vector<256x8192xf32> to vector<1x256x8192xf32>
    tpu.vector_store %arg4[%swap3A, %swap3A_29, %swap3A_30], %swap3A_33 {strides = array<i32>} : memref<1x256x8192xf32, #tpu.memory_space<vmem>>, vector<1x256x8192xf32>,
    %reshape3A = vector.shape_cast %add3A_28 : vector<256x8192xf32> to vector<256x64x128xf32>
    %reduce_min3A = arith.constant dense<0x7F800000> : vector<256x128xf32>
    %reduce_min3A_34 = vector.multi_reduction <minimumf>, %reshape3A, %reduce_min3A [1] : vector<256x64x128xf32> to vector<256x128xf32>
    %slice3A_35 = vector.extract_strided_slice %reduce_min3A_34 {offsets = [0, 0], sizes = [256, 64], strides = [1, 1]} : vector<256x128xf32> to vector<256x64xf32>
    %slice3A_36 = vector.extract_strided_slice %reduce_min3A_34 {offsets = [0, 64], sizes = [256, 64], strides = [1, 1]} : vector<256x128xf32> to vector<256x64xf32>
    %min3A = arith.minimumf %slice3A_35, %slice3A_36 : vector<256x64xf32>
    %swap3A_37 = arith.constant 0 : index
    %swap3A_38 = arith.constant 0 : index
    %swap3A_39 = arith.constant 0 : index
    %swap3A_40 = vector.load %arg5[%swap3A_37, %swap3A_38, %swap3A_39] : memref<1x256x64xf32, #tpu.memory_space<vmem>>, vector<1x256x64xf32>
    %swap3A_41 = vector.shape_cast %swap3A_40 : vector<1x256x64xf32> to vector<256x64xf32>
    %swap3A_42 = vector.shape_cast %min3A : vector<256x64xf32> to vector<1x256x64xf32>
    tpu.vector_store %arg5[%swap3A_37, %swap3A_38, %swap3A_39], %swap3A_42 {strides = array<i32>} : memref<1x256x64xf32, #tpu.memory_space<vmem>>, vector<1x256x64xf32>,
    return
  }
  func.func @transform_0(%arg0: i32, %arg1: i32) -> (i32, i32, i32) {
    %c0_i32 = arith.constant 0 : i32
    %c0_i32_0 = arith.constant 0 : i32
    return %arg0, %arg1, %c0_i32 : i32, i32, i32
  }
  func.func @transform_1(%arg0: i32, %arg1: i32) -> (i32, i32, i32) {
    %c0_i32 = arith.constant 0 : i32
    %c0_i32_0 = arith.constant 0 : i32
    %c0_i32_1 = arith.constant 0 : i32
    return %arg0, %c0_i32, %c0_i32_0 : i32, i32, i32
  }
  func.func @transform_2(%arg0: i32, %arg1: i32) -> (i32, i32, i32) {
    %c0_i32 = arith.constant 0 : i32
    %c0_i32_0 = arith.constant 0 : i32
    return %arg0, %arg1, %c0_i32 : i32, i32, i32
  }
  func.func @transform_3(%arg0: i32, %arg1: i32) -> (i32, i32, i32) {
    %c0_i32 = arith.constant 0 : i32
    %c0_i32_0 = arith.constant 0 : i32
    return %arg0, %arg1, %c0_i32 : i32, i32, i32
  }
}

</mosaic_0001>

<sc_bundles>
// kernel: kernel.5.cloned.1.call-start
scs
__scs_entry_jumppad:
0x0: {  	(pc) =	sbr.rel $0x88, $3  }
0x1: {  	(tag) =	ssettag $0x0;
	lr =	simm.s32 $0x1  }
0x2: {  	[smem:$0x3FA0] =	sst lr;
	_ =	strace $0xD0000000  }
0x3: {  	_ = 	snop  }
0x4: {  	_ = 	snop  }
0x5: {  	_ = 	snop  }
0x6: {  	_ = 	snop  }
0x7: {  	_ = 	snop  }
__scs_overlays_trampoline_lowered:
0x8: {  	[smem:$0x3FAF] =	sst s0  }
0x9: {  	[smem:$0x3FB0] =	sst s1  }
0xa: {  	[smem:$0x3FB1] =	sst s2  }
0xb: {  	[smem:$0x3FB2] =	sst s3  }
0xc: {  	[smem:$0x3FB3] =	sst s4  }
0xd: {  	[smem:$0x3FB4] =	sst s5  }
0xe: {  	[smem:$0x3FB5] =	sst s6  }
0xf: {  	[smem:$0x3FB6] =	sst s7  }
0x10: {  	[smem:$0x3FB7] =	sst s8  }
0x11: {  	[smem:$0x3FB8] =	sst s9;
	s0 =	simm.s32 @!p0 $0x0  }
0x12: {  	s1 =	sld [smem:$0x3F9E];
	s0 =	simm.s32 @p0 $0x1  }
0x13: {  	[smem:$0x3FB9] =	sst s0;
	s0 =	simm.s32 @!p1 $0x0  }
0x14: {  	s2 =	sld [smem:$0x3F9D];
	s0 =	simm.s32 @p1 $0x1  }
0x15: {  	[smem:$0x3FBA] =	sst s0;
	s0 =	simm.s32 @!p2 $0x0  }
0x16: {  	s3 =	sld [smem:$0x3FDB];
	s0 =	simm.s32 @p2 $0x1  }
0x17: {  	s4 =	simm.s32 $0x1BF5;
	[smem:$0x3FBC] =	sst s0  }
0x18: {  	s0 =	sld [smem:$0x3F9F];
	_ =	swait.ge [sflag:s4], $0x0  }
0x19: {  	s7 =	sld [smem:$0x3FA0]  }
0x1a: {  	s8 =	sadd.s32 $0xFFFFE003, lr  }
0x1b: {  	s9 =	sadd.s32 $0xFFFFFEF7, lr;
	s5 =	simm.s32 $0xFFFFFFFF;
	p2 =	slt.u32 s8, $0xFFFFF086  }
0x1c: {  	p1 =	slt.u32 s9, $0xF7A;
	s5 =	simm.s32 @!p2 $0x0  }
0x1d: {  	s5 =	simm.s32 @p1 $0x1;
	p0 =	seq.s32 s7, s2  }
0x1e: {  	s7 =	smul.u32 @!p0 $0xF7A, s2;
	p2 =	seq.s32 @!p0 s5, $0x0  }
0x1f: {  	s9 =	smul.u32 $0xF7A, s1;
	s8 =	simm.s32 @!p0 $0x1BF5;
	p2 =	por !p2, p0  }
0x20: {  	[sflag:s8] =	ssyncset.s32 @!p0 $0xFFFFF086;
	s6 =	sadd.s32 @!p0 s3, s7;
	s7 =	simm.s32 @!p0 $0x108  }
0x21: {  	s3 =	sadd.s32 s3, s9;
	s6 =	sadd.s32 @!p0 $0x88, s6;
	s7 =	simm.s32 @p2 $0x1082  }
0x22: {  	[simem:s7], [sflag:s8] =	dma.local @!p0 [hbm:s6], $0xF7A  }
0x23: {  	s9 =	sor.u32 $0xD0000000, s2;
	s6 =	simm.s32 $0x108;
	_ =	swait.ge @!p0 [sflag:s8], $0x0  }
0x24: {  	s3 =	sadd.s32 $0x88, s3;
	s6 =	simm.s32 @!p1 $0x1082;
	[sflag:s4] =	ssyncset.s32 $0xFFFFF086  }
0x25: {  	[simem:s6], [sflag:s4] =	dma.local [hbm:s3], $0xF7A  }
0x26: {  	[smem:$0x3FA0] =	sst s1;
	(tag) =	ssettag s2;
	_ =	strace s9  }
0x27: {  	s1 =	sld [smem:$0x3FB0]  }
0x28: {  	s2 =	sld [smem:$0x3FB1]  }
0x29: {  	s4 =	sld [smem:$0x3FB3]  }
0x2a: {  	p0 =	seq.s32 s5, $0x0;
	s5 =	sld [smem:$0x3FB4]  }
0x2b: {  	s6 =	sld [smem:$0x3FB5]  }
0x2c: {  	s7 =	sld [smem:$0x3FB6]  }
0x2d: {  	s3 =	simm.s32 $0x108;
	s8 =	sld [smem:$0x3FB7]  }
0x2e: {  	s3 =	simm.s32 @!p0 $0x1082;
	s9 =	sld [smem:$0x3FB8]  }
0x2f: {  	lr =	sadd.s32 s0, s3;
	s0 =	sld [smem:$0x3FAF]  }
0x30: {  	s3 =	sld [smem:$0x3FB2]  }
0x31: {  	[smem:$0x3FBB] =	sst s10  }
0x32: {  	s10 =	sld [smem:$0x3FB9];
	_ =	sdelay $0x3  }
0x33: {  	p0 =	seq.s32 s10, $0x1;
	s10 =	sld [smem:$0x3FBB];
	_ =	sdelay $0x3  }
0x34: {  	[smem:$0x3FBB] =	sst s10  }
0x35: {  	s10 =	sld [smem:$0x3FBA];
	_ =	sdelay $0x3  }
0x36: {  	p1 =	seq.s32 s10, $0x1;
	s10 =	sld [smem:$0x3FBB];
	_ =	sdelay $0x3  }
0x37: {  	[smem:$0x3FBB] =	sst s10  }
0x38: {  	s10 =	sld [smem:$0x3FBC]  }
0x39: {  	_ = 	snop;
	(pc) =	sbr.ind lr, $3  }
0x3a: {  	_ = 	snop  }
0x3b: {  	_ = 	snop  }
0x3c: {  	p2 =	seq.s32 s10, $0x1;
	s10 =	sld [smem:$0x3FBB]  }
0x3d: {  	_ =	shalt  }
0x3e: {  	_ =	shalt  }
0x3f: {  	_ =	shalt  }
0x40: {  	_ =	shalt  }
0x41: {  	_ =	shalt  }
0x42: {  	_ =	shalt  }
0x43: {  	_ =	shalt  }
0x44: {  	_ =	shalt  }
0x45: {  	_ =	shalt  }
0x46: {  	_ =	shalt  }
0x47: {  	_ =	shalt  }
0x48: {  	_ =	shalt  }
0x49: {  	_ =	shalt  }
0x4a: {  	_ =	shalt  }
0x4b: {  	_ =	shalt  }
0x4c: {  	_ =	shalt  }
0x4d: {  	_ =	shalt  }
0x4e: {  	_ =	shalt  }
0x4f: {  	_ =	shalt  }
0x50: {  	_ =	shalt  }
0x51: {  	_ =	shalt  }
0x52: {  	_ =	shalt  }
0x53: {  	_ =	shalt  }
0x54: {  	_ =	shalt  }
0x55: {  	_ =	shalt  }
0x56: {  	_ =	shalt  }
0x57: {  	_ =	shalt  }
0x58: {  	_ =	shalt  }
0x59: {  	_ =	shalt  }
0x5a: {  	_ =	shalt  }
0x5b: {  	_ =	shalt  }
0x5c: {  	_ =	shalt  }
0x5d: {  	_ =	shalt  }
0x5e: {  	_ =	shalt  }
0x5f: {  	_ =	shalt  }
0x60: {  	_ =	shalt  }
0x61: {  	_ =	shalt  }
0x62: {  	_ =	shalt  }
0x63: {  	_ =	shalt  }
0x64: {  	_ =	shalt  }
0x65: {  	_ =	shalt  }
0x66: {  	_ =	shalt  }
0x67: {  	_ =	shalt  }
0x68: {  	_ =	shalt  }
0x69: {  	_ =	shalt  }
0x6a: {  	_ =	shalt  }
0x6b: {  	_ =	shalt  }
0x6c: {  	_ =	shalt  }
0x6d: {  	_ =	shalt  }
0x6e: {  	_ =	shalt  }
0x6f: {  	_ =	shalt  }
0x70: {  	_ =	shalt  }
0x71: {  	_ =	shalt  }
0x72: {  	_ =	shalt  }
0x73: {  	_ =	shalt  }
0x74: {  	_ =	shalt  }
0x75: {  	_ =	shalt  }
0x76: {  	_ =	shalt  }
0x77: {  	_ =	shalt  }
0x78: {  	_ =	shalt  }
0x79: {  	_ =	shalt  }
0x7a: {  	_ =	shalt  }
0x7b: {  	_ =	shalt  }
0x7c: {  	_ =	shalt  }
0x7d: {  	_ =	shalt  }
0x7e: {  	_ =	shalt  }
0x7f: {  	_ =	shalt  }
0x80: {  	_ =	shalt  }
0x81: {  	_ =	shalt  }
0x82: {  	_ =	shalt  }
0x83: {  	_ =	shalt  }
0x84: {  	_ =	shalt  }
0x85: {  	_ =	shalt  }
0x86: {  	_ =	shalt  }
0x87: {  	_ =	shalt  }
.Lfunc_end0:
.L_simem_size_0:
called_computation.1_lowered:
.L_overlay_start_0:
0x88: {  	s2 =	sld [smem:$0x3FD9]  }
0x89: {  	s3 =	sld [smem:$0x3FFE];
	_ =	sdelay $0x1  }
0x8a: {  	s1 =	srdreg.scid  }
0x8b: {  	s0 =	sand.u32 $0x1, s1  }
0x8c: {  	s14 =	sshll.u32 s0, $0xA;
	s2 =	sadd.s32 s3, s2  }
0x8d: {  	s2 =	sadd.s32 s2, s14  }
0x8e: {  	[smem:$0x3FC7] =	sst s2  }
0x8f: {  	_ = 	snop  }
0x90: {  	s2 =	sld [smem:$0x3FD0];
	_ =	sdelay $0x2  }
0x91: {  	s15 =	simm.s32 $0xA;
	s4 =	simm.s32 $0x10  }
0x92: {  	[smem:s4], [sflag:s15] =	dma.local [hbm:s2], $0x1  }
0x93: {  	_ =	swait.eq [sflag:s15], $0x1  }
0x94: {  	[sflag:s15] =	ssyncset.done $0x0  }
0x95: {  	[sflag:s15] =	ssyncadd.s32 $0xFFFFFFFF  }
0x96: {  	s16 =	sld [smem:$0x10];
	(tm) =	ssettm $0x1  }
0x97: {  	s17 =	sld [smem:$0x3FFB];
	_ =	sdelay $0x3  }
0x98: {  	_ =	strace s17  }
0x99: {  	s3 =	sld [smem:$0x3FFC];
	_ =	sdelay $0x3  }
0x9a: {  	_ =	strace s3  }
0x9b: {  	s3 =	sld [smem:$0x3FFD];
	_ =	sdelay $0x3  }
0x9c: {  	_ =	strace s3  }
0x9d: {  	_ =	strace $0x8FFFFFFF  }
0x9e: {  	s18 =	sld [smem:$0x3FDB];
	_ =	sdelay $0x1  }
0x9f: {  	s19 =	simm.s32 $_scs_section_size  }
0xa0: {  	s5 =	simm.s32 $_size__tile_overlayer_lowered;
	s6 =	simm.s32 $_tile_overlayer_lowered  }
0xa1: {  	s22 =	simm.s32 $0x1BFF;
	s21 =	sshll.u32 s6, $0x1;
	s3 =	sadd.s32 s19, s18  }
0xa2: {  	s7 =	simm.s32 $0x0;
	s20 =	sshll.u32 s5, $0x1;
	s5 =	sadd.s32 s21, s3  }
0xa3: {  	[timem:s7], [sflag:s22] =	dma.local [hbm:s5], s20  }
0xa4: {  	_ =	swait.ge [sflag:s22], s20  }
0xa5: {  	s4 =	ssub.s32 $0x0, s20;
	[sflag:s22] =	ssyncset.done $0x0  }
0xa6: {  	[sflag:s22] =	ssyncadd.s32 s4;
	_ =	sdelay $0x1  }
0xa7: {  	s23 =	simm.s32 $0x1B8B  }
0xa8: {  	_ =	swait.ge [sflag:s23], $0x1  }
0xa9: {  	[sflag:s23] =	ssyncset.done $0x0  }
0xaa: {  	s25 =	simm.s32 $0x1B8E;
	s24 =	sld [smem:$0x3FFE];
	[sflag:s23] =	ssyncadd.s32 $0xFFFFFFFF  }
0xab: {  	s26 =	simm.s32 $execute0_lowered;
	[smem:$0x3FD2] =	sst s25  }
0xac: {  	s5 =	sshll.u32 s26, $0x1;
	_ =	strace $0x80000049;
	[dreg:$0x1] =	wrdreg $0xFFFFFFFF  }
0xad: {  	s28 =	simm.s32 $_size_execute0_lowered;
	s3 =	sadd.s32 s3, s5;
	[dreg:$0x0] =	wrdreg $0x0  }
0xae: {  	s5 =	sshll.u32 s28, $0x1;
	[dreg:$0x2] =	wrdreg s3  }
0xaf: {  	[dreg:$0x3] =	wrdreg s5  }
0xb0: {  	[dreg:$0x4] =	wrdreg $0xC0  }
0xb1: {  	_ =	task [dreg:s7], $0x5FFFF  }
0xb2: {  	[dreg:$0x1] =	wrdreg $0xFFFFFFFF  }
0xb3: {  	[dreg:$0x0] =	wrdreg $0x60  }
0xb4: {  	[dreg:$0x2] =	wrdreg s24  }
0xb5: {  	[dreg:$0x3] =	wrdreg s16  }
0xb6: {  	[dreg:$0x4] =	wrdreg $0x9  }
0xb7: {  	_ =	task.clear_ibuf [dreg:s7], $0x5FFFF;
	_ =	strace $0x90000049  }
0xb8: {  	s29 =	simm.s32 $0x9;
	_ =	strace $0x8000004B  }
0xb9: {  	_ =	swait.ge [sflag:s29], $0x1  }
0xba: {  	[sflag:s29] =	ssyncadd.s32 $0xFFFFFFFF  }
0xbb: {  	_ =	strace $0x9000004B  }
0xbc: {  	_ =	sfence  }
0xbd: {  	s30 =	sld [smem:$0x0];
	_ =	sdelay $0x2  }
0xbe: {  	s31 =	sshll.u32 s1, $0xD;
	s1 =	sshrl.u32 s1, $0x2  }
0xbf: {  	s3 =	sand.u32 $0x4000, s31;
	s1 =	sadd.s32 s1, s30  }
0xc0: {  	s0 =	sor.u32 s3, s0;
	s1 =	sshll.u32 s1, $0x11  }
0xc1: {  	s0 =	sor.u32 s1, s0  }
0xc2: {  	s0 =	sadd.s32 $0x8F2B, s0  }
0xc3: {  	[sflag:s0] =	ssyncadd.remote.s32 $0x1  }
0xc4: {  	_ =	sfence.sel $0xFFFF  }
0xc5: {  	[dreg:$0x0] =	wrdreg $0xFFFFFFFF;
	(pc) =	sbr.abs _section_cstart, $3  }
0xc6: {  	[dreg:$0x1] =	wrdreg $0xFFFFFFFF  }
0xc7: {  	_ =	task.clear_ibuf [dreg:s7], $0x2FFFF;
	_ =	strace $0x9FFFFFFF  }
0xc8: {  	(tm) =	ssettm $0x7FFFFFFF  }
0xc9: {  	_ =	shalt  }
tec
execute0_lowered:
.L_overlay_start_1:
0x0: {  	(tag) =	ssettag $0x1  }
0x1: {  	v0 =	vimm.s32 $0x221C1610;
	v1 =	vimm.s32 $0x3A342E28  }
0x2: {  	v2 =	vimm.s32 $0x726C6660;
	v3 =	vimm.s32 $0xA047E78;
	vm0 =	vcmask $0x1F10  }
0x3: {  	v4 =	vimm.s32 $0x736D6761;
	v6 =	vimm.s32 $0x241E1812;
	v7 =	vimm.s32 $0x3C36302A  }
0x4: {  	v9 =	vimm.s32 $0x756F6963;
	v10 =	vimm.s32 $0xD07017B;
	v11 =	vimm.s32 $0x77716B65  }
0x5: {  	v12 =	vimm.s32 $0xF09037D;
	v0 =	vunpack.c.0.s8.s32 v0;
	v1 =	vunpack.c.0.s8.s32 v1  }
0x6: {  	v2 =	vunpack.c.0.s8.s32 v2;
	v3 =	vunpack.c.0.s8.s32 v3;
	v4 =	vunpack.c.0.s8.s32 v4  }
0x7: {  	v6 =	vunpack.c.0.s8.s32 v6;
	v7 =	vunpack.c.0.s8.s32 v7;
	v1 =	vsel vm0, v1, v0  }
0x8: {  	v2 =	vsel vm0, v3, v2;
	v0 =	vimm.s32 $0x231D1711;
	v3 =	vimm.s32 $0x3B352F29  }
0x9: {  	s10 =	rddreg [dreg:$0x0];
	v5 =	vunpack.c.0.s8.s32 v0;
	v3 =	vunpack.c.0.s8.s32 v3;
	v0 =	vimm.s32 $0xB057F79  }
0xa: {  	s1 =	rddreg [dreg:$0x1];
	v11 =	vunpack.c.0.s8.s32 v11;
	v12 =	vunpack.c.0.s8.s32 v12;
	v8 =	vunpack.c.0.s8.s32 v0  }
0xb: {  	s0 =	rddreg [dreg:$0x2];
	v1 =	vcombine.low v2, v1;
	v2 =	vsel vm0, v3, v5;
	v5 =	vimm.s32 $0x746E6862  }
0xc: {  	s4 =	srdreg.scid;
	s2 =	stileid.u32;
	v3 =	vsel vm0, v8, v4;
	v4 =	vsel vm0, v7, v6;
	v6 =	vimm.s32 $0xC06007A  }
0xd: {  	s3 =	simm.s32 $0x0;
	s13 =	simm.s32 $0xC000;
	s14 =	simm.s32 $0xE000;
	v5 =	vunpack.c.0.s8.s32 v5;
	v7 =	vimm.s32 $0x251F1913;
	v6 =	vunpack.c.0.s8.s32 v6  }
0xe: {  	s15 =	simm.s32 $0xE180;
	s16 =	simm.s32 $0x10180;
	s17 =	simm.s32 $0x1;
	v0 =	vlaneseq.u32;
	v8 =	vimm.s32 $0x3D37312B;
	v7 =	vunpack.c.0.s8.s32 v7  }
0xf: {  	s18 =	simm.s32 $0x12180;
	s19 =	simm.s32 $0x12680;
	s20 =	simm.s32 $0x0;
	v8 =	vunpack.c.0.s8.s32 v8;
	v2 =	vcombine.low v3, v2;
	v5 =	vsel vm0, v6, v5  }
0x10: {  	s4 =	sand.u32 $0x1, s4;
	s5 =	sshll.u32 s2, $0x1;
	[smem:$0x7FF] =	sst s3;
	v6 =	vunpack.c.0.s8.s32 v9;
	v9 =	vunpack.c.0.s8.s32 v10;
	v10 =	vimm.s32 $0x3F39332D  }
0x11: {  	s29 =	sshrl.u32 s2, $0x1;
	s8 =	sor.u32 s4, s5;
	_ =	strace $0x8000004A;
	v3 =	vcombine.low v5, v4;
	v4 =	vsel vm0, v8, v7;
	v7 =	vimm.s32 $0x3E38322C  }
0x12: {  	s5 =	smul.u32 $0x1800, s29;
	s12 =	ssub.s32 $0x2, s4;
	s6 =	sshll.u32 s8, $0xA;
	v8 =	vimm.s32 $0xE08027C;
	v10 =	vunpack.c.0.s8.s32 v10;
	v5 =	vsel vm0, v9, v6  }
0x13: {  	s7 =	sshll.u32 s8, $0x11;
	s9 =	smul.u32 $0x30, s8;
	s31 =	sshrl.u32 s12, $0x1;
	v6 =	vimm.s32 $0x26201A14;
	v9 =	vimm.s32 $0x27211B15;
	v4 =	vcombine.low v5, v4  }
.Ltmp0:
0x14: {  	s8 =	sshll.u32 s8, $0x7;
	s6 =	sadd.s32 s6, s10;
	v5 =	vunpack.c.0.s8.s32 v6;
	v6 =	vunpack.c.0.s8.s32 v7;
	v7 =	vimm.s32 $0x76706A64;
	(pc) =	sbr.rel .LBB2_1-.Ltmp0, $4  }
0x15: {  	s11 =	sadd.s32 s7, s10;
	s5 =	sadd.s32 s5, s10;
	s12 =	ssub.s32 s12, s31;
	v8 =	vunpack.c.0.s8.s32 v8;
	v9 =	vunpack.c.0.s8.s32 v9;
	v7 =	vunpack.c.0.s8.s32 v7  }
0x16: {  	s4 =	sadd.s32 $0x811E00, s6;
	s30 =	sadd.s32 s9, s10;
	s7 =	sadd.s32 $0x411800, s11;
	v13 =	vsel vm0, v6, v5;
	v6 =	vmul.u32 $0xFFFFFFFF, v0;
	v5 =	vimm.s32 $0x0  }
0x17: {  	s5 =	sadd.s32 $0x1800, s5;
	s9 =	sadd.s32 $0x411C00, s11;
	s10 =	sadd.s32 $0x412000, s10;
	v7 =	vsel vm0, v8, v7;
	v8 =	vsel vm0, v10, v9;
	v9 =	vsel vm0, v12, v11  }
0x18: {  	s11 =	smax.u32 s12, $0x1;
	s12 =	simm.s32 $0x2;
	s6 =	sadd.s32 $0x811800, s30;
	v6 =	vadd.s32 $0xF, v6;
	v7 =	vcombine.low v7, v13;
	v8 =	vcombine.low v9, v8  }
.LBB2_26:
0x19: {  	s20 =	sadd.s32 $0x1, s20  }
0x1a: {  	p0 =	sne.s32 s20, s11  }
.Ltmp1:
0x1b: {  	_ = 	snop;
	(pc) =	sbr.rel @!p0 .LBB2_27-.Ltmp1, $1  }
0x1c: {  	_ =	sdelay $0x3  }
.LBB2_1:
0x1d: {  	[tilespmem:s3], [sflag:$0x2] =	stream.linear.gather [hbm4b:s5+s3], $0xC000, $0x38;
	[tilespmem:$0x13280] =	vst v63  }
0x1e: {  	_ =	swait.ge [sflag:s12], $0xC000  }
0x1f: {  	[sflag:s12] =	ssyncset.done $0x0  }
0x20: {  	[sflag:s12] =	ssyncadd.s32 $0xFFFF4000  }
0x21: {  	[tilespmem:s13], [sflag:$0x2] =	stream.linear.gather [hbm4b:s4+s3], $0x2000, $0x38;
	[tilespmem:$0x13280] =	vst v63  }
0x22: {  	_ =	swait.ge [sflag:s12], $0x2000  }
0x23: {  	[sflag:s12] =	ssyncset.done $0x0  }
0x24: {  	[sflag:s12] =	ssyncadd.s32 $0xFFFFE000  }
0x25: {  	[tilespmem:s14], [sflag:$0x2] =	stream.linear.gather [hbm4b:s6+s3], $0x180, $0x38;
	[tilespmem:$0x13280] =	vst v63  }
0x26: {  	_ =	swait.ge [sflag:s12], $0x180  }
0x27: {  	[sflag:s12] =	ssyncset.done $0x0  }
0x28: {  	[sflag:s12] =	ssyncadd.s32 $0xFFFFFE80  }
0x29: {  	[tilespmem:$0x12180] =	vst v5  }
0x2a: {  	[tilespmem:$0x12190] =	vst v5  }
0x2b: {  	[tilespmem:$0x121A0] =	vst v5  }
0x2c: {  	[tilespmem:$0x121B0] =	vst v5  }
0x2d: {  	[tilespmem:$0x121C0] =	vst v5  }
0x2e: {  	[tilespmem:$0x121D0] =	vst v5  }
0x2f: {  	[tilespmem:$0x121E0] =	vst v5  }
0x30: {  	[tilespmem:$0x121F0] =	vst v5  }
0x31: {  	[tilespmem:$0x12200] =	vst v5  }
0x32: {  	[tilespmem:$0x12210] =	vst v5  }
0x33: {  	[tilespmem:$0x12220] =	vst v5  }
0x34: {  	[tilespmem:$0x12230] =	vst v5  }
0x35: {  	[tilespmem:$0x12240] =	vst v5  }
0x36: {  	[tilespmem:$0x12250] =	vst v5  }
0x37: {  	[tilespmem:$0x12260] =	vst v5  }
0x38: {  	[tilespmem:$0x12270] =	vst v5  }
0x39: {  	[tilespmem:$0x12280] =	vst v5  }
0x3a: {  	[tilespmem:$0x12290] =	vst v5  }
0x3b: {  	[tilespmem:$0x122A0] =	vst v5  }
0x3c: {  	[tilespmem:$0x122B0] =	vst v5  }
0x3d: {  	[tilespmem:$0x122C0] =	vst v5  }
0x3e: {  	[tilespmem:$0x122D0] =	vst v5  }
0x3f: {  	[tilespmem:$0x122E0] =	vst v5  }
0x40: {  	[tilespmem:$0x122F0] =	vst v5  }
0x41: {  	[tilespmem:$0x12300] =	vst v5  }
0x42: {  	[tilespmem:$0x12310] =	vst v5  }
0x43: {  	[tilespmem:$0x12320] =	vst v5  }
0x44: {  	[tilespmem:$0x12330] =	vst v5  }
0x45: {  	[tilespmem:$0x12340] =	vst v5  }
0x46: {  	[tilespmem:$0x12350] =	vst v5  }
0x47: {  	[tilespmem:$0x12360] =	vst v5  }
0x48: {  	[tilespmem:$0x12370] =	vst v5  }
0x49: {  	[tilespmem:$0x12380] =	vst v5  }
0x4a: {  	[tilespmem:s15], [sflag:$0x1] =	stream.linear.gather [hbm4b:s7+s3], $0x2000, $0x38;
	[tilespmem:$0x13280] =	vst v63  }
0x4b: {  	s21 =	simm.s32 $0x0  }
0x4c: {  	[tilespmem:s16], [sflag:$0x1] =	stream.linear.gather [hbm4b:s9+s3], $0x2000, $0x38;
	[tilespmem:$0x13280] =	vst v63  }
.LBB2_2:
0x4d: {  	_ =	swait.ge [sflag:s17], $0x2000  }
0x4e: {  	s22 =	sshll.u32 s21, $0x7;
	[sflag:s17] =	ssyncset.done $0x0  }
0x4f: {  	s22 =	sand.u32 $0x3FFFFF80, s22;
	[sflag:s17] =	ssyncadd.s32 $0xFFFFE000  }
0x50: {  	v9 =	vld [tilespmem:s22+$0xC000]  }
0x51: {  	v10 =	vld [tilespmem:s22+$0xC010]  }
0x52: {  	v11 =	vld [tilespmem:s22+$0xC020]  }
0x53: {  	v12 =	vld [tilespmem:s22+$0xC030];
	_ =	sdelay $0x1  }
0x54: {  	(xrf1) =	vsort.ascd.msk.f32 $0xffff, v9, v9  }
0x55: {  	(xrf1) =	vsort.ascd.msk.f32 $0xffff, v10, v10  }
0x56: {  	(xrf1) =	vsort.ascd.msk.f32 $0xffff, v11, v11  }
0x57: {  	(xrf1) =	vsort.ascd.msk.f32 $0xffff, v12, v12;
	_ =	sdelay $0xa  }
0x58: {  	v9, _, _ =	vpop (xrf1)  }
0x59: {  	v10, _, _ =	vpop (xrf1)  }
0x5a: {  	v11, _, _ =	vpop (xrf1);
	v10 =	vperm.xlane v10, v6  }
0x5b: {  	v12, _, _ =	vpop (xrf1)  }
0x5c: {  	v13 =	vmin.f32 v9, v10;
	v12 =	vperm.xlane v12, v6  }
0x5d: {  	v9 =	vmax.f32 v9, v10;
	(xrf1) =	vsort.ascd.msk.f32 $0xffff, v13, v13  }
0x5e: {  	(xrf1) =	vsort.ascd.msk.f32 $0xffff, v9, v9;
	v9 =	vmin.f32 v11, v12  }
0x5f: {  	(xrf1) =	vsort.ascd.msk.f32 $0xffff, v9, v9;
	v9 =	vmax.f32 v11, v12  }
0x60: {  	(xrf1) =	vsort.ascd.msk.f32 $0xffff, v9, v9;
	_ =	sdelay $0xa  }
0x61: {  	v9, _, _ =	vpop (xrf1)  }
0x62: {  	v10, _, _ =	vpop (xrf1)  }
0x63: {  	v11, _, _ =	vpop (xrf1)  }
0x64: {  	v12, _, _ =	vpop (xrf1)  }
0x65: {  	v11 =	vperm.xlane v11, v6;
	v12 =	vperm.xlane v12, v6;
	_ =	sdelay $0x1  }
0x66: {  	v10 =	vmin.f32 v10, v11;
	v9 =	vmin.f32 v9, v12  }
0x67: {  	v9 =	vmax.f32 v9, v10  }
0x68: {  	(xrf0) =	vmax.scan.msk.f32 $0xffff, v9;
	_ =	sdelay $0x1  }
0x69: {  	s28 =	simm.s32 $0xE1C0  }
0x6a: {  	v11 =	vld [tilespmem:s28+$0xFFFFFFD0]  }
0x6b: {  	v10 =	vld [tilespmem:s28+$0xFFFFFFC0]  }
0x6c: {  	v12 =	vld [tilespmem:s28+$0xFFFFFFE0]  }
0x6d: {  	v13 =	vld [tilespmem:s28+$0xFFFFFFF0];
	v9, _, _ =	vpop (xrf0)  }
0x6e: {  	v9 =	vbroadcast v9, $0xF  }
0x6f: {  	v14 =	vld [tilespmem:s28+$0x0]  }
0x70: {  	v15 =	vimm.s32 $0x0;
	vm7 =	vle.f32 v10, v9  }
0x71: {  	vm6 =	vle.f32 v11, v9;
	v11 =	vld [tilespmem:s28+$0x20];
	vm1 =	vle.f32 v12, v9;
	v17 =	vmpcnt.ones.xlane vm7  }
0x72: {  	v10 =	vld [tilespmem:s28+$0x10];
	vm2 =	vle.f32 v13, v9;
	v16 =	vsel vm7, $0x1, v5;
	v19 =	vmpcnt.ones.xlane vm6  }
0x73: {  	v18 =	vsel vm6, $0x1, v5;
	(xrf0) =	vadd.scan.msk.s32 $0xffff, v16;
	v16 =	vadd.s32 v15, v17;
	v17 =	vmpcnt.ones.xlane vm1  }
0x74: {  	v12 =	vld [tilespmem:s28+$0x30];
	vm4 =	vle.f32 v14, v9;
	(xrf0) =	vadd.scan.msk.s32 $0xffff, v18;
	v18 =	vmpcnt.ones.xlane vm2;
	v13 =	vadd.s32 v16, v19  }
0x75: {  	v14 =	vadd.s32 v13, v17;
	v17 =	vmpcnt.ones.xlane vm4  }
0x76: {  	vm0 =	vle.f32 v11, v9;
	v18 =	vadd.s32 v14, v18  }
0x77: {  	vm3 =	vle.f32 v10, v9;
	v11 =	vadd.s32 v18, v17;
	v17 =	vmpcnt.ones.xlane vm0  }
0x78: {  	v10 =	vmpcnt.ones.xlane vm3  }
0x79: {  	vm5 =	vle.f32 v12, v9;
	v12 =	vsel vm1, $0x1, v5  }
0x7a: {  	v21 =	vsel vm2, $0x1, v5;
	(xrf0) =	vadd.scan.msk.s32 $0xffff, v12;
	v19 =	vadd.s32 v11, v10;
	v20, _, _ =	vpop (xrf0)  }
0x7b: {  	s25 =	simm.s32 $0x30;
	s31 =	simm.s32 $0x50;
	v22 =	vsel vm4, $0x1, v5;
	v12 =	vadd.s32 v19, v17;
	v15 =	vadd.s32 v20, v15;
	v17, _, _ =	vpop (xrf0);
	(xrf0) =	vadd.scan.msk.s32 $0xffff, v21  }
0x7c: {  	v57 =	vor.u32 s25, v0;
	v26 =	vor.u32 s31, v0;
	v15 =	vadd.s32 $0xFFFFFFFF, v15;
	(xrf0) =	vadd.scan.msk.s32 $0xffff, v22  }
0x7d: {  	s23 =	simm.s32 $0x0;
	v23 =	vsel vm3, $0x1, v5;
	v24 =	vsel vm0, $0x1, v5;
	vm8 =	vlt.s32 v15, $0x210  }
0x7e: {  	s22 =	simm.s32 $0x70;
	v10 =	vmpcnt.ones.xlane vm5;
	v21 =	vor.u32 s23, v0;
	s23 =	simm.s32 $0xE240;
	vm7 =	vmand vm7, vm8  }
0x7f: {  	vm0 =	vmmov vm0;
	v20 =	vor.u32 s22, v0;
	v16 =	vadd.s32 v17, v16;
	v27 =	vld [tilespmem:s23+$0xFFFFFFC0];
	(xrf0) =	vadd.scan.msk.s32 $0xffff, v23  }
0x80: {  	s24 =	simm.s32 $0x20;
	v10 =	vadd.s32 v12, v10;
	v17 =	vsel vm5, $0x1, v5;
	v16 =	vadd.s32 $0xFFFFFFFF, v16;
	v23, _, _ =	vpop (xrf0);
	(xrf0) =	vadd.scan.msk.s32 $0xffff, v24  }
0x81: {  	s30 =	simm.s32 $0x40;
	v22 =	vor.u32 s24, v0;
	vm9 =	vlt.s32 v16, $0x210;
	v13 =	vadd.s32 v23, v13;
	v25, _, _ =	vpop (xrf0)  }
0x82: {  	s29 =	simm.s32 $0x10;
	v23 =	vor.u32 s30, v0;
	(xrf0) =	vadd.scan.msk.s32 $0xffff, v17;
	vm8 =	vmand vm6, vm9;
	v13 =	vadd.s32 $0xFFFFFFFF, v13;
	v58, _, _ =	vpop (xrf0)  }
0x83: {  	v60 =	vld [tilespmem:s23+$0xFFFFFFD0];
	v17 =	vor.u32 s29, v0;
	vm6 =	vlt.s32 v13, $0x210;
	v18 =	vadd.s32 v58, v18  }
0x84: {  	vm12 =	vmand vm1, vm6;
	v14 =	vadd.s32 v25, v14;
	[tilespmem:v15+s18+$0x0] =	vst.idx.msk vm7, v21;
	vm7 =	vle.f32 v27, v9  }
0x85: {  	v31 =	vld [tilespmem:s23+$0x0];
	v14 =	vadd.s32 $0xFFFFFFFF, v14;
	v59, _, _ =	vpop (xrf0);
	v15 =	vsel vm7, $0x1, v5;
	v28 =	vadd.s32 $0xFFFFFFFF, v18  }
0x86: {  	v30 =	vld [tilespmem:s23+$0xFFFFFFF0];
	vm9 =	vlt.s32 v14, $0x210;
	v11 =	vadd.s32 v59, v11;
	vm10 =	vlt.s32 v28, $0x210;
	v18, _, _ =	vpop (xrf0)  }
0x87: {  	v29 =	vadd.s32 $0xFFFFFFFF, v11;
	vm9 =	vmand vm2, vm9;
	v11 =	vadd.s32 v18, v19;
	v19 =	vld [tilespmem:s23+$0xFFFFFFE0]  }
0x88: {  	v21 =	vld [tilespmem:s23+$0x10];
	[tilespmem:v16+s18+$0x0] =	vst.idx.msk vm8, v17;
	v16 =	vmpcnt.ones.xlane vm7;
	vm8 =	vle.f32 v60, v9;
	vm11 =	vlt.s32 v29, $0x210;
	v18, _, _ =	vpop (xrf0)  }
0x89: {  	vm10 =	vmand vm4, vm10;
	v25 =	vsel vm8, $0x1, v5;
	v12 =	vadd.s32 v18, v12  }
0x8a: {  	v61 =	vmpcnt.ones.xlane vm8;
	vm4 =	vle.f32 v31, v9;
	v12 =	vadd.s32 $0xFFFFFFFF, v12  }
0x8b: {  	(xrf0) =	vadd.scan.msk.s32 $0xffff, v15;
	v17 =	vld [tilespmem:s23+$0x20];
	vm11 =	vmand vm3, vm11;
	vm3 =	vle.f32 v30, v9;
	vm1 =	vlt.s32 v12, $0x210  }
0x8c: {  	[tilespmem:v13+s18+$0x0] =	vst.idx.msk vm12, v22;
	v13 =	vmpcnt.ones.xlane vm4;
	vm5 =	vmand vm5, vm1;
	vm1 =	vle.f32 v19, v9  }
0x8d: {  	(xrf0) =	vadd.scan.msk.s32 $0xffff, v25;
	vm2 =	vle.f32 v21, v9;
	v18 =	vadd.s32 v10, v16;
	v19 =	vld [tilespmem:s23+$0x30];
	v15 =	vmpcnt.ones.xlane vm1  }
0x8e: {  	v22 =	vsel vm4, $0x1, v5;
	v62 =	vmpcnt.ones.xlane vm3;
	v16 =	vadd.s32 v18, v61  }
0x8f: {  	v11 =	vadd.s32 $0xFFFFFFFF, v11;
	v21 =	vmpcnt.ones.xlane vm2;
	v15 =	vadd.s32 v16, v15  }
0x90: {  	vm6 =	vlt.s32 v11, $0x210;
	[tilespmem:v14+s18+$0x0] =	vst.idx.msk vm9, v57;
	vm9 =	vle.f32 v17, v9;
	v14 =	vadd.s32 v15, v62  }
0x91: {  	v17 =	vmpcnt.ones.xlane vm9;
	[tilespmem:v28+s18+$0x0] =	vst.idx.msk vm10, v23;
	v23 =	vsel vm3, $0x1, v5;
	v13 =	vadd.s32 v14, v13  }
0x92: {  	v63 =	vsel vm1, $0x1, v5;
	[tilespmem:v12+s18+$0x0] =	vst.idx.msk vm5, v20;
	vm5 =	vle.f32 v19, v9;
	v19, _, _ =	vpop (xrf0);
	v12 =	vadd.s32 v13, v21  }
0x93: {  	s25 =	simm.s32 $0x8;
	s24 =	simm.s32 $0x70;
	[tilespmem:v29+s18+$0x0] =	vst.idx.msk vm11, v26;
	(xrf0) =	vadd.scan.msk.s32 $0xffff, v63;
	v21 =	vmpcnt.ones.xlane vm5;
	v20, _, _ =	vpop (xrf0);
	v17 =	vadd.s32 v12, v17  }
.LBB2_3:
0x94: {  	v24 =	vsel vm2, $0x1, v5;
	v25 =	vsel vm9, $0x1, v5  }
0x95: {  	s25 =	sadd.s32 $0x8, s25;
	v21 =	vadd.s32 v17, v21;
	(xrf0) =	vadd.scan.msk.s32 $0xffff, v23;
	vm10 =	vmmov vm0;
	vm0 =	vmmov vm9  }
0x96: {  	v19 =	vadd.s32 v19, v10;
	v18 =	vadd.s32 v20, v18;
	v20 =	vsel vm5, $0x1, v5;
	p0 =	slt.u32 s25, $0x1F8;
	(xrf0) =	vadd.scan.msk.s32 $0xffff, v22;
	v10 =	vmovc v21  }
0x97: {  	s22 =	sadd.s32 $0x80, s22;
	v19 =	vadd.s32 $0xFFFFFFFF, v19;
	v18 =	vadd.s32 $0xFFFFFFFF, v18;
	vm9 =	vmand vm10, vm6;
	(xrf0) =	vadd.scan.msk.s32 $0xffff, v24  }
0x98: {  	s26 =	sadd.s32 $0xFFFFFF90, s22;
	v22 =	vor.u32 s22, v0;
	vm6 =	vlt.s32 v19, $0x210;
	vm10 =	vlt.s32 v18, $0x210;
	(xrf0) =	vadd.scan.msk.s32 $0xffff, v25  }
0x99: {  	s28 =	sadd.s32 $0xFFFFFFB0, s22;
	s29 =	sadd.s32 $0xFFFFFFC0, s22;
	v23 =	vor.u32 s26, v0;
	s26 =	sadd.s32 $0xFFFFFFA0, s22;
	vm7 =	vmand vm7, vm6;
	vm6 =	vmand vm8, vm10;
	(xrf0) =	vadd.scan.msk.s32 $0xffff, v20  }
0x9a: {  	v24 =	vor.u32 s28, v0;
	s28 =	sadd.s32 $0xFFFFFFE0, s22;
	v25 =	vor.u32 s29, v0;
	v20 =	vor.u32 s26, v0;
	s26 =	sadd.s32 $0xFFFFFFD0, s22;
	v26, _, _ =	vpop (xrf0)  }
0x9b: {  	v27 =	vor.u32 s28, v0;
	v30 =	vadd.s32 v26, v16;
	v26 =	vor.u32 s26, v0;
	v28, _, _ =	vpop (xrf0);
	s26 =	sadd.s32 $0xFFFFFFF0, s24;
	s24 =	smov.u32 s22  }
0x9c: {  	v29 =	vadd.s32 $0xFFFFFFFF, v30;
	v31 =	vadd.s32 v28, v15;
	v16, _, _ =	vpop (xrf0);
	v28 =	vor.u32 s26, v0  }
0x9d: {  	s23 =	sadd.s32 $0x80, s23;
	vm8 =	vlt.s32 v29, $0x210;
	v30 =	vadd.s32 $0xFFFFFFFF, v31;
	v14 =	vadd.s32 v16, v14;
	v15, _, _ =	vpop (xrf0);
	[tilespmem:v11+s18+$0x0] =	vst.idx.msk vm9, v28  }
0x9e: {  	v16 =	vld [tilespmem:s23+$0xFFFFFFC0];
	vm10 =	vlt.s32 v30, $0x210;
	v28 =	vadd.s32 $0xFFFFFFFF, v14;
	v11 =	vadd.s32 v15, v13;
	v13, _, _ =	vpop (xrf0)  }
0x9f: {  	v14 =	vld [tilespmem:s23+$0xFFFFFFD0];
	[tilespmem:v19+s18+$0x0] =	vst.idx.msk vm7, v23;
	vm7 =	vlt.s32 v28, $0x210;
	v23 =	vadd.s32 $0xFFFFFFFF, v11;
	v11 =	vadd.s32 v13, v12;
	v12, _, _ =	vpop (xrf0)  }
0xa0: {  	v13 =	vld [tilespmem:s23+$0xFFFFFFE0];
	[tilespmem:v18+s18+$0x0] =	vst.idx.msk vm6, v20;
	vm13 =	vlt.s32 v23, $0x210;
	v11 =	vadd.s32 $0xFFFFFFFF, v11;
	v12 =	vadd.s32 v12, v17  }
0xa1: {  	vm9 =	vmand vm1, vm8;
	v15 =	vld [tilespmem:s23+$0xFFFFFFF0];
	vm6 =	vlt.s32 v11, $0x210;
	v12 =	vadd.s32 $0xFFFFFFFF, v12  }
0xa2: {  	vm12 =	vmand vm3, vm10;
	vm11 =	vmand vm4, vm7;
	v17 =	vld [tilespmem:s23+$0x0];
	vm1 =	vlt.s32 v12, $0x210  }
0xa3: {  	vm10 =	vmand vm2, vm13;
	vm7 =	vle.f32 v16, v9;
	v19 =	vld [tilespmem:s23+$0x10];
	vm5 =	vmand vm5, vm1  }
0xa4: {  	v16 =	vsel vm7, $0x1, v5;
	v18 =	vmpcnt.ones.xlane vm7;
	vm8 =	vle.f32 v14, v9;
	v20 =	vld [tilespmem:s23+$0x20]  }
0xa5: {  	v14 =	vsel vm8, $0x1, v5;
	v31 =	vmpcnt.ones.xlane vm8;
	vm1 =	vle.f32 v13, v9;
	v32 =	vld [tilespmem:s23+$0x30];
	(xrf0) =	vadd.scan.msk.s32 $0xffff, v16  }
0xa6: {  	v18 =	vadd.s32 v21, v18;
	v13 =	vmpcnt.ones.xlane vm1;
	vm3 =	vle.f32 v15, v9;
	(xrf0) =	vadd.scan.msk.s32 $0xffff, v14  }
0xa7: {  	v16 =	vadd.s32 v18, v31;
	v14 =	vmpcnt.ones.xlane vm3;
	vm4 =	vle.f32 v17, v9;
	[tilespmem:v29+s18+$0x0] =	vst.idx.msk vm9, v24  }
.Ltmp2:
0xa8: {  	v15 =	vadd.s32 v16, v13;
	v13 =	vmpcnt.ones.xlane vm4;
	vm2 =	vle.f32 v19, v9;
	[tilespmem:v30+s18+$0x0] =	vst.idx.msk vm12, v25;
	(pc) =	sbr.rel @p0 .LBB2_3-.Ltmp2, $4  }
0xa9: {  	v14 =	vadd.s32 v15, v14;
	v17 =	vmpcnt.ones.xlane vm2;
	vm9 =	vle.f32 v20, v9;
	[tilespmem:v12+s18+$0x0] =	vst.idx.msk vm5, v22  }
0xaa: {  	v13 =	vadd.s32 v14, v13;
	v25 =	vmpcnt.ones.xlane vm9;
	vm5 =	vle.f32 v32, v9;
	[tilespmem:v28+s18+$0x0] =	vst.idx.msk vm11, v26  }
0xab: {  	v24 =	vsel vm1, $0x1, v5;
	v12 =	vadd.s32 v13, v17;
	v21 =	vmpcnt.ones.xlane vm5;
	v19, _, _ =	vpop (xrf0);
	[tilespmem:v23+s18+$0x0] =	vst.idx.msk vm10, v27  }
0xac: {  	v22 =	vsel vm4, $0x1, v5;
	v23 =	vsel vm3, $0x1, v5;
	v17 =	vadd.s32 v12, v25;
	v20, _, _ =	vpop (xrf0);
	(xrf0) =	vadd.scan.msk.s32 $0xffff, v24  }
0xad: {  	(xrf0) =	vadd.scan.msk.s32 $0xffff, v23  }
0xae: {  	v9 =	vsel vm2, $0x1, v5;
	(xrf0) =	vadd.scan.msk.s32 $0xffff, v22  }
0xaf: {  	v53 =	vsel vm9, $0x1, v5;
	(xrf0) =	vadd.scan.msk.s32 $0xffff, v9;
	v9 =	vadd.s32 v17, v21  }
0xb0: {  	v54 =	vsel vm5, $0x1, v5;
	(xrf0) =	vadd.scan.msk.s32 $0xffff, v53;
	v9 =	vxor.u32 $0x80000000, v9  }
0xb1: {  	(xrf0) =	vadd.scan.msk.s32 $0xffff, v54  }
0xb2: {  	v55, _, _ =	vpop (xrf0);
	(xrf0) =	vmax.scan.msk.u32 $0xffff, v9  }
0xb3: {  	v9, _, _ =	vpop (xrf0)  }
0xb4: {  	v56, _, _ =	vpop (xrf0)  }
0xb5: {  	v57, _, _ =	vpop (xrf0)  }
0xb6: {  	v24, _, _ =	vpop (xrf0)  }
0xb7: {  	v58, _, _ =	vpop (xrf0)  }
0xb8: {  	v59, _, _ =	vpop (xrf0)  }
0xb9: {  	vm10 =	vmmov vm0;
	v10 =	vadd.s32 v19, v10;
	(v2sf) =	vpush v59, $0xF  }
0xba: {  	v18 =	vadd.s32 v20, v18;
	vm0 =	vmmov vm9;
	s25 =	sadd.s32 $0xFFFFFFF0, s24;
	v10 =	vadd.s32 $0xFFFFFFFF, v10  }
0xbb: {  	s22 =	sadd.s32 $0x80, s22;
	v18 =	vadd.s32 $0xFFFFFFFF, v18;
	vm9 =	vmand vm10, vm6;
	v61 =	vor.u32 s25, v0  }
0xbc: {  	s23 =	sadd.s32 $0xFFFFFF90, s22;
	vm0 =	vmmov vm0;
	vm13 =	vlt.s32 v10, $0x210;
	vm14 =	vlt.s32 v18, $0x210  }
0xbd: {  	v60 =	vor.u32 s23, v0;
	vm7 =	vmand vm7, vm13;
	v16 =	vadd.s32 v55, v16  }
0xbe: {  	vm6 =	vmand vm8, vm14;
	v16 =	vadd.s32 $0xFFFFFFFF, v16;
	v9 =	vadd.s32 v9, v15  }
0xbf: {  	vm15 =	vlt.s32 v16, $0x210;
	v9 =	vadd.s32 $0xFFFFFFFF, v9;
	v14 =	vadd.s32 v56, v14  }
0xc0: {  	vm12 =	vlt.s32 v9, $0x210;
	v14 =	vadd.s32 $0xFFFFFFFF, v14;
	v13 =	vadd.s32 v57, v13  }
0xc1: {  	vm1 =	vmand vm1, vm15;
	vm13 =	vlt.s32 v14, $0x210;
	v12 =	vadd.s32 v24, v12  }
0xc2: {  	[tilespmem:v11+s18+$0x0] =	vst.idx.msk vm9, v61;
	vm3 =	vmand vm3, vm12;
	v62 =	vadd.s32 v58, v17;
	v11 =	vadd.s32 $0xFFFFFFFF, v12  }
0xc3: {  	vm4 =	vmand vm4, vm13;
	v17 =	vadd.s32 $0xFFFFFFFF, v62;
	vm13 =	vlt.s32 v11, $0x210  }
0xc4: {  	s31 =	sadd.s32 $0xFFFFFFA0, s22;
	v13 =	vadd.s32 $0xFFFFFFFF, v13;
	vm14 =	vlt.s32 v17, $0x210;
	vm0 =	vmand vm0, vm13  }
0xc5: {  	s26 =	sadd.s32 $0xFFFFFFB0, s22;
	v25 =	vor.u32 s31, v0;
	[tilespmem:v10+s18+$0x0] =	vst.idx.msk vm7, v60;
	vm12 =	vlt.s32 v13, $0x210;
	vm15 =	vmand vm5, vm14  }
0xc6: {  	s29 =	sadd.s32 $0xFFFFFFC0, s22;
	v10 =	vor.u32 s26, v0;
	[tilespmem:v18+s18+$0x0] =	vst.idx.msk vm6, v25;
	vm14 =	vmand vm2, vm12  }
0xc7: {  	s30 =	sadd.s32 $0xFFFFFFD0, s22;
	v63 =	vor.u32 s29, v0;
	[tilespmem:v16+s18+$0x0] =	vst.idx.msk vm1, v10  }
0xc8: {  	s31 =	sadd.s32 $0xFFFFFFE0, s22;
	v10 =	vor.u32 s22, v0;
	s22 =	sadd.s32 $0xFFFFFFF0, s22;
	[tilespmem:v9+s18+$0x0] =	vst.idx.msk vm3, v63;
	v9 =	vor.u32 s30, v0;
	s24 =	spop (v2sf)  }
0xc9: {  	[tilespmem:v14+s18+$0x0] =	vst.idx.msk vm4, v9;
	v9 =	vor.u32 s22, v0;
	s22 =	sxor.u32 $0x80000000, s24  }
0xca: {  	[tilespmem:v11+s18+$0x0] =	vst.idx.msk vm0, v9;
	p0 =	slt.s32 s22, $0x210  }
0xcb: {  	[tilespmem:v17+s18+$0x0] =	vst.idx.msk vm15, v10;
	v10 =	vor.u32 s31, v0;
	p1 =	slt.s32 s22, $0xFFFFFFF2;
	s22 =	simm.s32 @!p0 $0x210  }
0xcc: {  	s25 =	simm.s32 $0x12180;
	[tilespmem:v13+s18+$0x0] =	vst.idx.msk vm14, v10;
	v9 =	vmov s22;
	s22 =	sadd.s32 $0xF, s22  }
0xcd: {  	s26 =	simm.s32 $0x0;
	v10 =	vld [tilespmem:s25+$0x0];
	s29 =	sand.u32 $0xF, s22  }
0xce: {  	v11 =	vor.u32 s26, v0;
	s30 =	sshra.s32 s22, $0x1F;
	p6 =	sne.s32 s29, $0x0  }
0xcf: {  	vm15 =	vlt.s32 v11, v9;
	s31 =	sshrl.u32 s30, $0x1C;
	p0 =	por !p1, !p6  }
0xd0: {  	s23 =	simm.s32 $0x1;
	s22 =	sadd.s32 s31, s22;
	p0 =	por !p0, !p0  }
0xd1: {  	s22 =	sshra.s32 s22, $0x4;
	s23 =	simm.s32 @!p0 $0x0  }
0xd2: {  	s23 =	ssub.s32 s22, s23  }
0xd3: {  	p0 =	sgt.s32 s23, $0x4;
	s22 =	smov.u32 s23  }
0xd4: {  	s22 =	simm.s32 @!p0 $0x4  }
0xd5: {  	v10 =	vld.idx.msk [tilespmem:v10+s15+$0x0], vm15;
	s24 =	sshll.u32 s22, $0x4  }
0xd6: {  	p0 =	sne.s32 s24, $0x10  }
.Ltmp3:
0xd7: {  	_ = 	snop;
	(pc) =	sbr.rel @!p0 .LBB2_6-.Ltmp3, $3  }
0xd8: {  	_ =	sdelay $0x1  }
0xd9: {  	s25 =	simm.s32 $0x12400;
	v10 =	vnsel vm15, $0x7F800000, v10  }
0xda: {  	s28 =	simm.s32 $0x12190;
	s26 =	simm.s32 $0x10;
	[tilespmem:s25+$0x0] =	vst v10  }
.LBB2_5:
0xdb: {  	v10 =	vld [tilespmem:s28+$0x0];
	s29 =	smov.u32 s26;
	s26 =	sadd.s32 $0x10, s26  }
0xdc: {  	v11 =	vor.u32 s29, v0;
	p0 =	sne.s32 s24, s26  }
0xdd: {  	vm0 =	vlt.s32 v11, v9;
	_ =	sdelay $0x5  }
0xde: {  	v10 =	vld.idx.msk [tilespmem:v10+s15+$0x0], vm0;
	_ =	sdelay $0x2  }
.Ltmp4:
0xdf: {  	(pc) =	sbr.rel @p0 .LBB2_5-.Ltmp4, $3  }
0xe0: {  	_ =	sdelay $0x1  }
0xe1: {  	s25 =	sadd.s32 $0x10, s25;
	v10 =	vnsel vm0, $0x7F800000, v10  }
0xe2: {  	s28 =	sadd.s32 $0x10, s28;
	[tilespmem:s25+$0x0] =	vst v10  }
.LBB2_6:
0xe3: {  	v9 =	vld [tilespmem:$0x12400]  }
0xe4: {  	v10 =	vld [tilespmem:$0x12180]  }
0xe5: {  	v11 =	vld [tilespmem:$0x12410]  }
0xe6: {  	v12 =	vld [tilespmem:$0x12190]  }
0xe7: {  	v13 =	vld [tilespmem:$0x12420]  }
0xe8: {  	v14 =	vld [tilespmem:$0x121A0]  }
0xe9: {  	v15 =	vld [tilespmem:$0x12430]  }
0xea: {  	v16 =	vld [tilespmem:$0x121B0]  }
0xeb: {  	(xrf1) =	vsort.ascd.msk.f32 $0xffff, v9, v10  }
0xec: {  	(xrf1) =	vsort.ascd.msk.f32 $0xffff, v11, v12;
	_ =	sdelay $0x1  }
0xed: {  	(xrf1) =	vsort.ascd.msk.f32 $0xffff, v13, v14  }
0xee: {  	(xrf1) =	vsort.ascd.msk.f32 $0xffff, v15, v16;
	_ =	sdelay $0x9  }
0xef: {  	v9, v10, _ =	vpop (xrf1)  }
0xf0: {  	v11, v12, _ =	vpop (xrf1)  }
0xf1: {  	v11 =	vperm.xlane v11, v6;
	v12 =	vperm.xlane v12, v6  }
0xf2: {  	v13, v14, _ =	vpop (xrf1)  }
0xf3: {  	v15, v16, _ =	vpop (xrf1);
	vm0 =	vlt.f32 v9, v11;
	vm1 =	veq.f32 v9, v11;
	vm2 =	vlt.s32 v10, v12  }
0xf4: {  	v15 =	vperm.xlane v15, v6;
	v16 =	vperm.xlane v16, v6;
	vm1 =	vmand vm1, vm2  }
0xf5: {  	vm0 =	vmor vm0, vm1  }
0xf6: {  	vm4 =	veq.f32 v13, v15;
	vm5 =	vlt.s32 v14, v16;
	vm6 =	vlt.f32 v13, v15  }
0xf7: {  	v17 =	vsel vm0, v9, v11;
	v18 =	vsel vm0, v10, v12;
	vm1 =	vmand vm4, vm5  }
0xf8: {  	v9 =	vsel vm0, v11, v9;
	v10 =	vsel vm0, v12, v10;
	(xrf1) =	vsort.ascd.msk.f32 $0xffff, v17, v18;
	vm7 =	vmor vm6, vm1  }
0xf9: {  	(xrf1) =	vsort.ascd.msk.f32 $0xffff, v9, v10;
	v9 =	vsel vm7, v13, v15;
	v10 =	vsel vm7, v14, v16  }
0xfa: {  	v11 =	vsel vm7, v15, v13;
	v12 =	vsel vm7, v16, v14;
	(xrf1) =	vsort.ascd.msk.f32 $0xffff, v9, v10  }
0xfb: {  	(xrf1) =	vsort.ascd.msk.f32 $0xffff, v11, v12;
	_ =	sdelay $0xa  }
0xfc: {  	v9, v10, _ =	vpop (xrf1)  }
0xfd: {  	v11, v12, _ =	vpop (xrf1)  }
0xfe: {  	v13, v14, _ =	vpop (xrf1)  }
0xff: {  	v15, v63, _ =	vpop (xrf1);
	v13 =	vperm.xlane v13, v6  }
0x100: {  	v15 =	vperm.xlane v15, v6;
	v16 =	vperm.xlane v63, v6  }
0x101: {  	v14 =	vperm.xlane v14, v6  }
0x102: {  	vm11 =	veq.f32 v11, v13;
	vm9 =	veq.f32 v9, v15;
	vm10 =	vlt.s32 v10, v16  }
0x103: {  	vm3 =	vlt.s32 v12, v14;
	vm8 =	vlt.f32 v9, v15;
	vm1 =	vmand vm9, vm10  }
0x104: {  	vm13 =	vlt.f32 v11, v13;
	vm12 =	vmand vm11, vm3;
	vm0 =	vmor vm8, vm1  }
0x105: {  	vm1 =	vmor vm13, vm12;
	v9 =	vsel vm0, v9, v15  }
0x106: {  	v10 =	vsel vm0, v10, v16;
	v11 =	vsel vm1, v11, v13;
	v12 =	vsel vm1, v12, v14  }
0x107: {  	vm14 =	veq.f32 v9, v11;
	vm1 =	vlt.s32 v10, v12  }
0x108: {  	vm15 =	vlt.f32 v9, v11;
	vm0 =	vmand vm14, vm1  }
0x109: {  	vm0 =	vmor vm15, vm0  }
0x10a: {  	v13 =	vsel vm0, v9, v11;
	v14 =	vsel vm0, v10, v12  }
0x10b: {  	v9 =	vsel vm0, v11, v9;
	v10 =	vsel vm0, v12, v10;
	(xrf1) =	vsort.ascd.msk.f32 $0xffff, v13, v14  }
0x10c: {  	(xrf1) =	vsort.ascd.msk.f32 $0xffff, v9, v10;
	_ =	sdelay $0x8  }
0x10d: {  	p0 =	slt.s32 s23, $0x5  }
.Ltmp5:
0x10e: {  	_ = 	snop;
	(pc) =	sbr.rel @p0 .LBB2_13-.Ltmp5, $3  }
0x10f: {  	_ =	sdelay $0x1  }
0x110: {  	v10, v9, _ =	vpop (xrf1)  }
0x111: {  	v11, v14, _ =	vpop (xrf1)  }
0x112: {  	s22 =	sadd.s32 $0xFFFFFFFC, s22  }
0x113: {  	p1 =	sne.s32 s22, $0x1  }
.Ltmp6:
0x114: {  	_ = 	snop;
	(pc) =	sbr.rel @!p1 .LBB2_8-.Ltmp6, $4  }
0x115: {  	_ = 	snop  }
0x116: {  	s23 =	simm.s32 $0x12440  }
0x117: {  	s24 =	simm.s32 $0x121C0;
	v12 =	vld [tilespmem:s23+$0x0]  }
0x118: {  	p0 =	por $0x0, $0x0;
	v13 =	vld [tilespmem:s24+$0x0];
	s24 =	sadd.s32 $0xFFFFFFFF, s22  }
0x119: {  	_ =	sdelay $0x3  }
0x11a: {  	(xrf1) =	vsort.ascd.msk.f32 $0xffff, v12, v13;
	_ =	sdelay $0xc  }
0x11b: {  	p1 =	sne.s32 s24, $0x1  }
.Ltmp7:
0x11c: {  	v12, v13, _ =	vpop (xrf1);
	(pc) =	sbr.rel @!p1 .LBB2_10-.Ltmp7, $4  }
0x11d: {  	v15 =	vperm.xlane v12, v6;
	v16 =	vperm.xlane v13, v6  }
0x11e: {  	s22 =	simm.s32 $0x12450  }
0x11f: {  	s23 =	simm.s32 $0x121D0;
	v19 =	vmov v11;
	v12 =	vld [tilespmem:s22+$0x0];
	vm1 =	veq.f32 v11, v15;
	vm2 =	vlt.s32 v14, v16  }
0x120: {  	s24 =	sadd.s32 $0xFFFFFFFF, s24;
	p0 =	por $0x1, $0x1;
	v20 =	vmovc v14;
	v18 =	vmovc v10;
	v17 =	vmov v9;
	v13 =	vld [tilespmem:s23+$0x0];
	vm0 =	vlt.f32 v11, v15;
	vm1 =	vmand vm1, vm2  }
.LBB2_11:
0x121: {  	p1 =	sne.s32 s24, $0x1;
	vm0 =	vmor vm0, vm1  }
0x122: {  	v15 =	vsel vm0, v19, v15;
	v16 =	vsel vm0, v20, v16  }
0x123: {  	vm0 =	veq.f32 v18, v15;
	vm1 =	vlt.s32 v17, v16  }
0x124: {  	vm2 =	vlt.f32 v18, v15;
	vm0 =	vmand vm0, vm1  }
0x125: {  	(xrf1) =	vsort.ascd.msk.f32 $0xffff, v12, v13;
	vm0 =	vmor vm2, vm0  }
0x126: {  	v12 =	vsel vm0, v18, v15;
	v13 =	vsel vm0, v15, v18;
	v15 =	vsel vm0, v16, v17  }
0x127: {  	v16 =	vsel vm0, v17, v16;
	(xrf1) =	vsort.ascd.msk.f32 $0xffff, v13, v15  }
0x128: {  	(xrf1) =	vsort.ascd.msk.f32 $0xffff, v12, v16;
	_ =	sdelay $0xa  }
.Ltmp8:
0x129: {  	v12, v13, _ =	vpop (xrf1);
	(pc) =	sbr.rel @p1 .LBB2_11-.Ltmp8, $4  }
0x12a: {  	v15 =	vperm.xlane v12, v6;
	v16 =	vperm.xlane v13, v6  }
0x12b: {  	s22 =	sadd.s32 $0x10, s22;
	v19, v20, _ =	vpop (xrf1)  }
0x12c: {  	s23 =	sadd.s32 $0x10, s23;
	v12 =	vld [tilespmem:s22+$0x0];
	vm1 =	veq.f32 v19, v15;
	vm2 =	vlt.s32 v20, v16;
	v18, v17, _ =	vpop (xrf1)  }
0x12d: {  	s24 =	sadd.s32 $0xFFFFFFFF, s24;
	vm0 =	vlt.f32 v19, v15;
	v13 =	vld [tilespmem:s23+$0x0];
	vm1 =	vmand vm1, vm2  }
.LBB2_12:
0x12e: {  	vm0 =	vmor @p0 vm0, vm1  }
0x12f: {  	v15 =	vsel @p0 vm0, v19, v15;
	v16 =	vsel @p0 vm0, v20, v16  }
0x130: {  	vm0 =	veq.f32 @p0 v18, v15;
	vm1 =	vlt.s32 @p0 v17, v16  }
0x131: {  	vm2 =	vlt.f32 @p0 v18, v15;
	vm0 =	vmand @p0 vm0, vm1  }
0x132: {  	vm0 =	vmor @p0 vm2, vm0  }
0x133: {  	(xrf1) =	vsort.ascd.msk.f32 $0xffff, v12, v13;
	v12 =	vsel @p0 vm0, v15, v18;
	v13 =	vsel @p0 vm0, v16, v17  }
0x134: {  	(xrf1) =	vsort.ascd.msk.f32 @p0 $0xffff, v12, v13;
	_ =	sdelay $0x1  }
0x135: {  	v12 =	vsel @p0 vm0, v18, v15;
	v13 =	vsel @p0 vm0, v17, v16  }
0x136: {  	(xrf1) =	vsort.ascd.msk.f32 @p0 $0xffff, v12, v13;
	_ =	sdelay $0x9  }
0x137: {  	v12, v13, _ =	vpop (xrf1)  }
0x138: {  	v12 =	vperm.xlane v12, v6;
	v13 =	vperm.xlane v13, v6;
	v15, v16, _ =	vpop @p0 (xrf1)  }
0x139: {  	v11 =	vpsel p0, v15, v11;
	v14 =	vpsel p0, v16, v14  }
0x13a: {  	vm10 =	veq.f32 v11, v12;
	vm11 =	vlt.s32 v14, v13  }
0x13b: {  	v15, v16, _ =	vpop @p0 (xrf1);
	vm12 =	vlt.f32 v11, v12;
	vm0 =	vmand vm10, vm11  }
0x13c: {  	v10 =	vpsel p0, v15, v10;
	vm0 =	vmor vm12, vm0  }
0x13d: {  	v9 =	vpsel p0, v16, v9;
	v11 =	vsel vm0, v11, v12;
	v12 =	vsel vm0, v14, v13  }
0x13e: {  	vm13 =	veq.f32 v10, v11;
	vm14 =	vlt.s32 v9, v12  }
0x13f: {  	vm15 =	vlt.f32 v10, v11;
	vm0 =	vmand vm13, vm14  }
0x140: {  	vm0 =	vmor vm15, vm0  }
0x141: {  	v13 =	vsel vm0, v11, v10;
	v14 =	vsel vm0, v12, v9  }
0x142: {  	(xrf1) =	vsort.ascd.msk.f32 $0xffff, v13, v14  }
0x143: {  	v10 =	vsel vm0, v10, v11;
	v9 =	vsel vm0, v9, v12  }
0x144: {  	(xrf1) =	vsort.ascd.msk.f32 $0xffff, v10, v9;
	_ =	sdelay $0xb  }
0x145: {  	v9, v14, _ =	vpop (xrf1);
	_ =	sdelay $0x1  }
0x146: {  	v10, v9, _ =	vpop (xrf1)  }
.LBB2_13:
0x147: {  	vm0 =	vlt.s32 v9, $0x1FFF;
	s22 =	smul.u32 $0x6, s21  }
0x148: {  	v9 =	vnsel vm0, $0x1FFF, v9  }
0x149: {  	v10 =	vmov s22;
	v15 =	vmul.u32 $0x6, v9;
	_ =	sdelay $0x3  }
0x14a: {  	s28 =	sshll.u32 s21, $0x1  }
0x14b: {  	s23 =	sand.u32 $0xE, s28;
	v16 =	vld.idx.msk [tilespmem:v10+s14+$0x0], $0xffff  }
0x14c: {  	s23 =	smul.u32 $0xC0, s23;
	v9 =	vmul.u32 $0x6, v0;
	v11 =	vor.u32 $0x1, v10;
	v12 =	vld.idx.msk [tilespmem:v15+s3+$0x0], $0xffff;
	_ =	sdelay $0x1  }
0x14d: {  	v13 =	vor.u32 s23, v9;
	v10 =	vadd.s32 $0x2, v10  }
0x14e: {  	v17 =	vor.u32 $0x1, v15;
	_ =	sdelay $0x1  }
0x14f: {  	v18 =	vld.idx.msk [tilespmem:v11+s14+$0x0], $0xffff;
	v11 =	vsub.f32 v12, v16;
	_ =	sdelay $0x1  }
0x150: {  	v19 =	vld.idx.msk [tilespmem:v10+s14+$0x0], $0xffff;
	[tilespmem:v13+s19+$0x0] =	vst.idx.msk $0xffff, v11  }
0x151: {  	v11 =	vld.idx.msk [tilespmem:v17+s3+$0x0], $0xffff  }
0x152: {  	v10 =	vor.u32 $0x1, v9  }
0x153: {  	v12 =	vor.u32 s23, v10  }
0x154: {  	v13 =	vadd.s32 $0x2, v15;
	_ =	sdelay $0x1  }
0x155: {  	v11 =	vsub.f32 v11, v18;
	_ =	sdelay $0x1  }
0x156: {  	[tilespmem:v12+s19+$0x0] =	vst.idx.msk $0xffff, v11  }
0x157: {  	v12 =	vld.idx.msk [tilespmem:v13+s3+$0x0], $0xffff  }
0x158: {  	v11 =	vadd.s32 $0x2, v9  }
0x159: {  	v13 =	vor.u32 s23, v11  }
0x15a: {  	v17 =	vadd.s32 $0x3, v15;
	_ =	sdelay $0x1  }
0x15b: {  	v12 =	vsub.f32 v12, v19;
	_ =	sdelay $0x1  }
0x15c: {  	[tilespmem:v13+s19+$0x0] =	vst.idx.msk $0xffff, v12;
	v12 =	vadd.s32 $0x3, v9  }
0x15d: {  	v13 =	vld.idx.msk [tilespmem:v17+s3+$0x0], $0xffff;
	v17 =	vor.u32 s23, v12  }
0x15e: {  	v20 =	vadd.s32 $0x4, v15;
	_ =	sdelay $0x3  }
0x15f: {  	[tilespmem:v17+s19+$0x0] =	vst.idx.msk $0xffff, v13;
	v13 =	vadd.s32 $0x4, v9  }
0x160: {  	v17 =	vld.idx.msk [tilespmem:v20+s3+$0x0], $0xffff;
	v20 =	vor.u32 s23, v13  }
0x161: {  	v15 =	vadd.s32 $0x5, v15;
	_ =	sdelay $0x2  }
0x162: {  	vm0 =	vlt.s32 v14, $0x1FFF  }
0x163: {  	v21 =	vnsel vm0, $0x1FFF, v14;
	v14 =	vadd.s32 $0x5, v9;
	[tilespmem:v20+s19+$0x0] =	vst.idx.msk $0xffff, v17  }
0x164: {  	v17 =	vor.u32 s23, v14;
	v20 =	vmul.u32 $0x6, v21;
	v15 =	vld.idx.msk [tilespmem:v15+s3+$0x0], $0xffff;
	_ =	sdelay $0x4  }
0x165: {  	[tilespmem:v17+s19+$0x0] =	vst.idx.msk $0xffff, v15;
	v15 =	vadd.s32 $0x60, v9  }
0x166: {  	v17 =	vld.idx.msk [tilespmem:v20+s3+$0x0], $0xffff;
	v21 =	vadd.s32 s23, v15  }
0x167: {  	v21 =	vand.u32 $0x1F80, v21  }
0x168: {  	v21 =	vor.u32 v1, v21  }
0x169: {  	v22 =	vor.u32 $0x1, v20;
	_ =	sdelay $0x1  }
0x16a: {  	v16 =	vsub.f32 v17, v16;
	_ =	sdelay $0x1  }
0x16b: {  	[tilespmem:v21+s19+$0x0] =	vst.idx.msk $0xffff, v16;
	v16 =	vadd.s32 $0x61, v9  }
0x16c: {  	v17 =	vld.idx.msk [tilespmem:v22+s3+$0x0], $0xffff;
	v21 =	vadd.s32 s23, v16  }
0x16d: {  	v21 =	vand.u32 $0x1F80, v21  }
0x16e: {  	v21 =	vor.u32 v2, v21  }
0x16f: {  	v22 =	vadd.s32 $0x2, v20;
	_ =	sdelay $0x1  }
0x170: {  	v17 =	vsub.f32 v17, v18;
	_ =	sdelay $0x1  }
0x171: {  	[tilespmem:v21+s19+$0x0] =	vst.idx.msk $0xffff, v17;
	v17 =	vadd.s32 $0x62, v9  }
0x172: {  	v18 =	vld.idx.msk [tilespmem:v22+s3+$0x0], $0xffff;
	v21 =	vadd.s32 s23, v17  }
0x173: {  	v21 =	vand.u32 $0x1F80, v21  }
0x174: {  	v21 =	vor.u32 v3, v21  }
0x175: {  	v22 =	vadd.s32 $0x3, v20;
	_ =	sdelay $0x1  }
0x176: {  	v19 =	vsub.f32 v18, v19;
	v18 =	vadd.s32 $0x63, v9  }
0x177: {  	v23 =	vadd.s32 s23, v18  }
0x178: {  	[tilespmem:v21+s19+$0x0] =	vst.idx.msk $0xffff, v19;
	v19 =	vand.u32 $0x1F80, v23  }
0x179: {  	v21 =	vld.idx.msk [tilespmem:v22+s3+$0x0], $0xffff;
	v22 =	vor.u32 v4, v19  }
0x17a: {  	v23 =	vadd.s32 $0x4, v20;
	_ =	sdelay $0x1  }
0x17b: {  	v19 =	vadd.s32 $0x64, v9  }
0x17c: {  	v24 =	vadd.s32 s23, v19  }
0x17d: {  	[tilespmem:v22+s19+$0x0] =	vst.idx.msk $0xffff, v21;
	v21 =	vand.u32 $0x1F80, v24  }
0x17e: {  	v22 =	vld.idx.msk [tilespmem:v23+s3+$0x0], $0xffff;
	v21 =	vor.u32 v7, v21  }
0x17f: {  	v23 =	vadd.s32 $0x5, v20;
	_ =	sdelay $0x1  }
0x180: {  	v20 =	vadd.s32 $0x65, v9  }
0x181: {  	v24 =	vadd.s32 s23, v20  }
0x182: {  	[tilespmem:v21+s19+$0x0] =	vst.idx.msk $0xffff, v22;
	v21 =	vand.u32 $0x1F80, v24  }
0x183: {  	v22 =	vld.idx.msk [tilespmem:v23+s3+$0x0], $0xffff;
	v21 =	vor.u32 v8, v21;
	_ =	sdelay $0x2  }
0x184: {  	p0 =	seq.s32 s21, $0x3F;
	s23 =	sadd.s32 s8, s28  }
0x185: {  	s23 =	sshll.u32 @!p0 s23, $0xA  }
0x186: {  	s24 =	simm.s32 @!p0 $0x0;
	s25 =	simm.s32 @!p0 $0xE180;
	s23 =	sadd.s32 @!p0 s23, s10;
	[tilespmem:v21+s19+$0x0] =	vst.idx.msk $0xffff, v22  }
0x187: {  	[tilespmem:s25], [sflag:$0x1] =	stream.linear.gather @!p0 [hbm4b:s23+s24], $0x2000, $0x38;
	[tilespmem:$0x13280] =	vst v63  }
0x188: {  	_ =	swait.ge [sflag:s17], $0x2000  }
0x189: {  	s22 =	sor.u32 $0x1, s28;
	[sflag:s17] =	ssyncset.done $0x0  }
0x18a: {  	s29 =	sshll.u32 s22, $0x6;
	[sflag:s17] =	ssyncadd.s32 $0xFFFFE000  }
0x18b: {  	s30 =	sor.u32 $0x50, s29;
	v21 =	vld [tilespmem:s29+$0xC000]  }
0x18c: {  	s31 =	sor.u32 $0x60, s29;
	v22 =	vld [tilespmem:s30+$0xC000]  }
0x18d: {  	s23 =	sor.u32 $0x70, s29;
	v23 =	vld [tilespmem:s31+$0xC000]  }
0x18e: {  	v24 =	vld [tilespmem:s23+$0xC000];
	_ =	sdelay $0x1  }
0x18f: {  	(xrf1) =	vsort.ascd.msk.f32 $0xffff, v21, v21  }
0x190: {  	(xrf1) =	vsort.ascd.msk.f32 $0xffff, v22, v22  }
0x191: {  	(xrf1) =	vsort.ascd.msk.f32 $0xffff, v23, v23  }
0x192: {  	(xrf1) =	vsort.ascd.msk.f32 $0xffff, v24, v24;
	_ =	sdelay $0xa  }
0x193: {  	v21, _, _ =	vpop (xrf1)  }
0x194: {  	v22, _, _ =	vpop (xrf1)  }
0x195: {  	v23, _, _ =	vpop (xrf1);
	v22 =	vperm.xlane v22, v6  }
0x196: {  	v24, _, _ =	vpop (xrf1)  }
0x197: {  	v25 =	vmin.f32 v21, v22;
	v24 =	vperm.xlane v24, v6  }
0x198: {  	v21 =	vmax.f32 v21, v22;
	(xrf1) =	vsort.ascd.msk.f32 $0xffff, v25, v25  }
0x199: {  	(xrf1) =	vsort.ascd.msk.f32 $0xffff, v21, v21;
	v21 =	vmin.f32 v23, v24  }
0x19a: {  	(xrf1) =	vsort.ascd.msk.f32 $0xffff, v21, v21;
	v21 =	vmax.f32 v23, v24  }
0x19b: {  	(xrf1) =	vsort.ascd.msk.f32 $0xffff, v21, v21;
	_ =	sdelay $0xa  }
0x19c: {  	v21, _, _ =	vpop (xrf1)  }
0x19d: {  	v22, _, _ =	vpop (xrf1)  }
0x19e: {  	v23, _, _ =	vpop (xrf1)  }
0x19f: {  	v24, _, _ =	vpop (xrf1)  }
0x1a0: {  	v23 =	vperm.xlane v23, v6;
	v24 =	vperm.xlane v24, v6;
	_ =	sdelay $0x1  }
0x1a1: {  	v22 =	vmin.f32 v22, v23;
	v21 =	vmin.f32 v21, v24  }
0x1a2: {  	v21 =	vmax.f32 v21, v22  }
0x1a3: {  	(xrf0) =	vmax.scan.msk.f32 $0xffff, v21;
	_ =	sdelay $0x1  }
0x1a4: {  	s25 =	simm.s32 $0x101F0  }
0x1a5: {  	v23 =	vld [tilespmem:s25+$0xFFFFFFA0]  }
0x1a6: {  	v22 =	vld [tilespmem:s25+$0xFFFFFF90]  }
0x1a7: {  	v24 =	vld [tilespmem:s25+$0xFFFFFFB0]  }
0x1a8: {  	v25 =	vld [tilespmem:s25+$0xFFFFFFC0];
	v21, _, _ =	vpop (xrf0)  }
0x1a9: {  	v21 =	vbroadcast v21, $0xF  }
0x1aa: {  	v26 =	vld [tilespmem:s25+$0xFFFFFFD0]  }
0x1ab: {  	v27 =	vimm.s32 $0x0;
	vm7 =	vle.f32 v22, v21  }
0x1ac: {  	vm6 =	vle.f32 v23, v21;
	v23 =	vld [tilespmem:s25+$0xFFFFFFF0];
	vm1 =	vle.f32 v24, v21;
	v29 =	vmpcnt.ones.xlane vm7  }
0x1ad: {  	v22 =	vld [tilespmem:s25+$0xFFFFFFE0];
	vm2 =	vle.f32 v25, v21;
	v28 =	vsel vm7, $0x1, v5;
	v31 =	vmpcnt.ones.xlane vm6  }
0x1ae: {  	v30 =	vsel vm6, $0x1, v5;
	(xrf0) =	vadd.scan.msk.s32 $0xffff, v28;
	v28 =	vadd.s32 v27, v29;
	v29 =	vmpcnt.ones.xlane vm1  }
0x1af: {  	v24 =	vld [tilespmem:s25+$0x0];
	vm4 =	vle.f32 v26, v21;
	(xrf0) =	vadd.scan.msk.s32 $0xffff, v30;
	v30 =	vmpcnt.ones.xlane vm2;
	v25 =	vadd.s32 v28, v31  }
0x1b0: {  	v26 =	vadd.s32 v25, v29;
	v29 =	vmpcnt.ones.xlane vm4  }
0x1b1: {  	vm0 =	vle.f32 v23, v21;
	v30 =	vadd.s32 v26, v30  }
0x1b2: {  	vm3 =	vle.f32 v22, v21;
	v23 =	vadd.s32 v30, v29;
	v29 =	vmpcnt.ones.xlane vm0  }
0x1b3: {  	v22 =	vmpcnt.ones.xlane vm3  }
0x1b4: {  	s26 =	simm.s32 $0x0;
	vm5 =	vle.f32 v24, v21;
	v24 =	vsel vm1, $0x1, v5  }
0x1b5: {  	v52 =	vor.u32 s26, v0;
	v33 =	vsel vm2, $0x1, v5;
	(xrf0) =	vadd.scan.msk.s32 $0xffff, v24;
	v31 =	vadd.s32 v23, v22;
	v32, _, _ =	vpop (xrf0)  }
0x1b6: {  	s26 =	simm.s32 $0x30;
	v34 =	vsel vm4, $0x1, v5;
	v24 =	vadd.s32 v31, v29;
	v27 =	vadd.s32 v32, v27;
	v29, _, _ =	vpop (xrf0);
	(xrf0) =	vadd.scan.msk.s32 $0xffff, v33  }
0x1b7: {  	v55 =	vor.u32 s26, v0;
	s23 =	simm.s32 $0x70;
	s29 =	simm.s32 $0x20;
	v27 =	vadd.s32 $0xFFFFFFFF, v27;
	(xrf0) =	vadd.scan.msk.s32 $0xffff, v34  }
0x1b8: {  	s30 =	simm.s32 $0x40;
	v51 =	vor.u32 s23, v0;
	v53 =	vor.u32 s29, v0;
	vm8 =	vlt.s32 v27, $0x210  }
0x1b9: {  	s24 =	simm.s32 $0x10270;
	s31 =	simm.s32 $0x50;
	v56 =	vor.u32 s30, v0;
	v35 =	vsel vm3, $0x1, v5;
	vm7 =	vmand vm7, vm8  }
0x1ba: {  	v39 =	vld [tilespmem:s24+$0xFFFFFF90];
	v38 =	vor.u32 s31, v0;
	v36 =	vsel vm0, $0x1, v5;
	v28 =	vadd.s32 v29, v28;
	(xrf0) =	vadd.scan.msk.s32 $0xffff, v35  }
0x1bb: {  	vm0 =	vmmov vm0;
	v22 =	vmpcnt.ones.xlane vm5;
	v54, _, _ =	vpop (xrf0);
	v28 =	vadd.s32 $0xFFFFFFFF, v28;
	(xrf0) =	vadd.scan.msk.s32 $0xffff, v36  }
0x1bc: {  	v29 =	vsel vm5, $0x1, v5;
	v25 =	vadd.s32 v54, v25;
	vm9 =	vlt.s32 v28, $0x210;
	v37, _, _ =	vpop (xrf0)  }
0x1bd: {  	s28 =	simm.s32 $0x10;
	v59 =	vld [tilespmem:s24+$0xFFFFFFA0];
	v22 =	vadd.s32 v24, v22;
	v25 =	vadd.s32 $0xFFFFFFFF, v25;
	(xrf0) =	vadd.scan.msk.s32 $0xffff, v29;
	vm8 =	vmand vm6, vm9;
	v57, _, _ =	vpop (xrf0)  }
0x1be: {  	v60 =	vld [tilespmem:s24+$0xFFFFFFE0];
	v29 =	vor.u32 s28, v0;
	vm6 =	vlt.s32 v25, $0x210;
	v30 =	vadd.s32 v57, v30  }
0x1bf: {  	vm12 =	vmand vm1, vm6;
	v26 =	vadd.s32 v37, v26;
	[tilespmem:v27+s18+$0x0] =	vst.idx.msk vm7, v52;
	vm7 =	vle.f32 v39, v21  }
0x1c0: {  	v26 =	vadd.s32 $0xFFFFFFFF, v26;
	v58, _, _ =	vpop (xrf0);
	v27 =	vsel vm7, $0x1, v5;
	v40 =	vadd.s32 $0xFFFFFFFF, v30  }
0x1c1: {  	v43 =	vld [tilespmem:s24+$0xFFFFFFD0];
	vm9 =	vlt.s32 v26, $0x210;
	v23 =	vadd.s32 v58, v23;
	vm10 =	vlt.s32 v40, $0x210;
	v30, _, _ =	vpop (xrf0)  }
0x1c2: {  	v41 =	vadd.s32 $0xFFFFFFFF, v23;
	vm9 =	vmand vm2, vm9;
	v23 =	vadd.s32 v30, v31;
	v31 =	vld [tilespmem:s24+$0xFFFFFFB0]  }
0x1c3: {  	v42 =	vld [tilespmem:s24+$0xFFFFFFC0];
	[tilespmem:v28+s18+$0x0] =	vst.idx.msk vm8, v29;
	v28 =	vmpcnt.ones.xlane vm7;
	vm8 =	vle.f32 v59, v21;
	vm2 =	vle.f32 v60, v21;
	v30, _, _ =	vpop (xrf0)  }
0x1c4: {  	vm11 =	vlt.s32 v41, $0x210;
	vm10 =	vmand vm4, vm10;
	v24 =	vadd.s32 v30, v24  }
0x1c5: {  	v37 =	vsel vm8, $0x1, v5;
	v61 =	vmpcnt.ones.xlane vm8;
	v24 =	vadd.s32 $0xFFFFFFFF, v24  }
0x1c6: {  	v29 =	vld [tilespmem:s24+$0xFFFFFFF0];
	vm4 =	vle.f32 v43, v21;
	v33 =	vmpcnt.ones.xlane vm2;
	vm1 =	vlt.s32 v24, $0x210  }
0x1c7: {  	(xrf0) =	vadd.scan.msk.s32 $0xffff, v27;
	vm11 =	vmand vm3, vm11;
	vm5 =	vmand vm5, vm1;
	vm1 =	vle.f32 v31, v21  }
0x1c8: {  	vm3 =	vle.f32 v42, v21;
	(xrf0) =	vadd.scan.msk.s32 $0xffff, v37;
	v30 =	vadd.s32 v22, v28;
	v31 =	vld [tilespmem:s24+$0x0];
	v27 =	vmpcnt.ones.xlane vm1  }
0x1c9: {  	[tilespmem:v25+s18+$0x0] =	vst.idx.msk vm12, v53;
	v25 =	vmpcnt.ones.xlane vm4;
	v62 =	vmpcnt.ones.xlane vm3;
	v28 =	vadd.s32 v30, v61  }
0x1ca: {  	v34 =	vsel vm4, $0x1, v5;
	v23 =	vadd.s32 $0xFFFFFFFF, v23;
	v27 =	vadd.s32 v28, v27  }
0x1cb: {  	v35 =	vsel vm3, $0x1, v5;
	[tilespmem:v26+s18+$0x0] =	vst.idx.msk vm9, v55;
	vm9 =	vle.f32 v29, v21;
	v26 =	vadd.s32 v27, v62  }
0x1cc: {  	vm6 =	vlt.s32 v23, $0x210;
	v29 =	vmpcnt.ones.xlane vm9;
	[tilespmem:v40+s18+$0x0] =	vst.idx.msk vm10, v56;
	v25 =	vadd.s32 v26, v25  }
0x1cd: {  	v63 =	vsel vm1, $0x1, v5;
	[tilespmem:v24+s18+$0x0] =	vst.idx.msk vm5, v51;
	vm5 =	vle.f32 v31, v21;
	v31, _, _ =	vpop (xrf0);
	v24 =	vadd.s32 v25, v33  }
0x1ce: {  	s26 =	simm.s32 $0x8;
	s25 =	simm.s32 $0x70;
	[tilespmem:v41+s18+$0x0] =	vst.idx.msk vm11, v38;
	(xrf0) =	vadd.scan.msk.s32 $0xffff, v63;
	v33 =	vmpcnt.ones.xlane vm5;
	v32, _, _ =	vpop (xrf0);
	v29 =	vadd.s32 v24, v29  }
.LBB2_14:
0x1cf: {  	v36 =	vsel vm2, $0x1, v5;
	v37 =	vsel vm9, $0x1, v5  }
0x1d0: {  	s26 =	sadd.s32 $0x8, s26;
	v33 =	vadd.s32 v29, v33;
	(xrf0) =	vadd.scan.msk.s32 $0xffff, v35;
	vm10 =	vmmov vm0;
	vm0 =	vmmov vm9  }
0x1d1: {  	v31 =	vadd.s32 v31, v22;
	v30 =	vadd.s32 v32, v30;
	v32 =	vsel vm5, $0x1, v5;
	p1 =	slt.u32 s26, $0x1F8;
	(xrf0) =	vadd.scan.msk.s32 $0xffff, v34;
	v22 =	vmovc v33  }
0x1d2: {  	s23 =	sadd.s32 $0x80, s23;
	v31 =	vadd.s32 $0xFFFFFFFF, v31;
	v30 =	vadd.s32 $0xFFFFFFFF, v30;
	vm9 =	vmand vm10, vm6;
	(xrf0) =	vadd.scan.msk.s32 $0xffff, v36  }
0x1d3: {  	s28 =	sadd.s32 $0xFFFFFF90, s23;
	v34 =	vor.u32 s23, v0;
	vm6 =	vlt.s32 v31, $0x210;
	vm10 =	vlt.s32 v30, $0x210;
	(xrf0) =	vadd.scan.msk.s32 $0xffff, v37  }
0x1d4: {  	s29 =	sadd.s32 $0xFFFFFFB0, s23;
	s30 =	sadd.s32 $0xFFFFFFC0, s23;
	v35 =	vor.u32 s28, v0;
	s28 =	sadd.s32 $0xFFFFFFA0, s23;
	vm7 =	vmand vm7, vm6;
	vm6 =	vmand vm8, vm10;
	(xrf0) =	vadd.scan.msk.s32 $0xffff, v32  }
0x1d5: {  	v36 =	vor.u32 s29, v0;
	s29 =	sadd.s32 $0xFFFFFFE0, s23;
	v37 =	vor.u32 s30, v0;
	v32 =	vor.u32 s28, v0;
	s28 =	sadd.s32 $0xFFFFFFD0, s23;
	v38, _, _ =	vpop (xrf0)  }
0x1d6: {  	v39 =	vor.u32 s29, v0;
	v42 =	vadd.s32 v38, v28;
	v38 =	vor.u32 s28, v0;
	v40, _, _ =	vpop (xrf0);
	s28 =	sadd.s32 $0xFFFFFFF0, s25;
	s25 =	smov.u32 s23  }
0x1d7: {  	v41 =	vadd.s32 $0xFFFFFFFF, v42;
	v43 =	vadd.s32 v40, v27;
	v28, _, _ =	vpop (xrf0);
	v40 =	vor.u32 s28, v0  }
0x1d8: {  	s24 =	sadd.s32 $0x80, s24;
	vm8 =	vlt.s32 v41, $0x210;
	v42 =	vadd.s32 $0xFFFFFFFF, v43;
	v26 =	vadd.s32 v28, v26;
	v27, _, _ =	vpop (xrf0);
	[tilespmem:v23+s18+$0x0] =	vst.idx.msk vm9, v40  }
0x1d9: {  	v28 =	vld [tilespmem:s24+$0xFFFFFF90];
	vm10 =	vlt.s32 v42, $0x210;
	v40 =	vadd.s32 $0xFFFFFFFF, v26;
	v23 =	vadd.s32 v27, v25;
	v25, _, _ =	vpop (xrf0)  }
0x1da: {  	v26 =	vld [tilespmem:s24+$0xFFFFFFA0];
	[tilespmem:v31+s18+$0x0] =	vst.idx.msk vm7, v35;
	vm7 =	vlt.s32 v40, $0x210;
	v35 =	vadd.s32 $0xFFFFFFFF, v23;
	v23 =	vadd.s32 v25, v24;
	v24, _, _ =	vpop (xrf0)  }
0x1db: {  	v25 =	vld [tilespmem:s24+$0xFFFFFFB0];
	[tilespmem:v30+s18+$0x0] =	vst.idx.msk vm6, v32;
	vm13 =	vlt.s32 v35, $0x210;
	v23 =	vadd.s32 $0xFFFFFFFF, v23;
	v24 =	vadd.s32 v24, v29  }
0x1dc: {  	vm9 =	vmand vm1, vm8;
	v27 =	vld [tilespmem:s24+$0xFFFFFFC0];
	vm6 =	vlt.s32 v23, $0x210;
	v24 =	vadd.s32 $0xFFFFFFFF, v24  }
0x1dd: {  	vm12 =	vmand vm3, vm10;
	vm11 =	vmand vm4, vm7;
	v29 =	vld [tilespmem:s24+$0xFFFFFFD0];
	vm1 =	vlt.s32 v24, $0x210  }
0x1de: {  	vm10 =	vmand vm2, vm13;
	vm7 =	vle.f32 v28, v21;
	v31 =	vld [tilespmem:s24+$0xFFFFFFE0];
	vm5 =	vmand vm5, vm1  }
0x1df: {  	v28 =	vsel vm7, $0x1, v5;
	v30 =	vmpcnt.ones.xlane vm7;
	vm8 =	vle.f32 v26, v21;
	v32 =	vld [tilespmem:s24+$0xFFFFFFF0]  }
0x1e0: {  	v26 =	vsel vm8, $0x1, v5;
	v43 =	vmpcnt.ones.xlane vm8;
	vm1 =	vle.f32 v25, v21;
	v44 =	vld [tilespmem:s24+$0x0];
	(xrf0) =	vadd.scan.msk.s32 $0xffff, v28  }
0x1e1: {  	v30 =	vadd.s32 v33, v30;
	v25 =	vmpcnt.ones.xlane vm1;
	vm3 =	vle.f32 v27, v21;
	(xrf0) =	vadd.scan.msk.s32 $0xffff, v26  }
0x1e2: {  	v28 =	vadd.s32 v30, v43;
	v26 =	vmpcnt.ones.xlane vm3;
	vm4 =	vle.f32 v29, v21;
	[tilespmem:v41+s18+$0x0] =	vst.idx.msk vm9, v36  }
.Ltmp9:
0x1e3: {  	v27 =	vadd.s32 v28, v25;
	v25 =	vmpcnt.ones.xlane vm4;
	vm2 =	vle.f32 v31, v21;
	[tilespmem:v42+s18+$0x0] =	vst.idx.msk vm12, v37;
	(pc) =	sbr.rel @p1 .LBB2_14-.Ltmp9, $4  }
0x1e4: {  	v26 =	vadd.s32 v27, v26;
	v29 =	vmpcnt.ones.xlane vm2;
	vm9 =	vle.f32 v32, v21;
	[tilespmem:v24+s18+$0x0] =	vst.idx.msk vm5, v34  }
0x1e5: {  	v25 =	vadd.s32 v26, v25;
	v37 =	vmpcnt.ones.xlane vm9;
	vm5 =	vle.f32 v44, v21;
	[tilespmem:v40+s18+$0x0] =	vst.idx.msk vm11, v38  }
0x1e6: {  	v36 =	vsel vm1, $0x1, v5;
	v24 =	vadd.s32 v25, v29;
	v33 =	vmpcnt.ones.xlane vm5;
	v31, _, _ =	vpop (xrf0);
	[tilespmem:v35+s18+$0x0] =	vst.idx.msk vm10, v39  }
0x1e7: {  	v34 =	vsel vm4, $0x1, v5;
	v35 =	vsel vm3, $0x1, v5;
	v29 =	vadd.s32 v24, v37;
	v32, _, _ =	vpop (xrf0);
	(xrf0) =	vadd.scan.msk.s32 $0xffff, v36  }
0x1e8: {  	(xrf0) =	vadd.scan.msk.s32 $0xffff, v35  }
0x1e9: {  	v21 =	vsel vm2, $0x1, v5;
	(xrf0) =	vadd.scan.msk.s32 $0xffff, v34  }
0x1ea: {  	v54 =	vsel vm9, $0x1, v5;
	(xrf0) =	vadd.scan.msk.s32 $0xffff, v21;
	v21 =	vadd.s32 v29, v33  }
0x1eb: {  	v55 =	vsel vm5, $0x1, v5;
	(xrf0) =	vadd.scan.msk.s32 $0xffff, v54;
	v21 =	vxor.u32 $0x80000000, v21  }
0x1ec: {  	(xrf0) =	vadd.scan.msk.s32 $0xffff, v55  }
0x1ed: {  	v56, _, _ =	vpop (xrf0);
	(xrf0) =	vmax.scan.msk.u32 $0xffff, v21  }
0x1ee: {  	v21, _, _ =	vpop (xrf0)  }
0x1ef: {  	v57, _, _ =	vpop (xrf0)  }
0x1f0: {  	v58, _, _ =	vpop (xrf0)  }
0x1f1: {  	v59, _, _ =	vpop (xrf0)  }
0x1f2: {  	vm10 =	vmmov vm0;
	v22 =	vadd.s32 v31, v22;
	v30 =	vadd.s32 v32, v30;
	v60, _, _ =	vpop (xrf0)  }
0x1f3: {  	vm0 =	vmmov vm9;
	s26 =	sadd.s32 $0xFFFFFFF0, s25;
	v22 =	vadd.s32 $0xFFFFFFFF, v22;
	v30 =	vadd.s32 $0xFFFFFFFF, v30;
	v37, _, _ =	vpop (xrf0)  }
0x1f4: {  	s23 =	sadd.s32 $0x80, s23;
	vm9 =	vmand vm10, vm6;
	v61 =	vor.u32 s26, v0;
	(v2sf) =	vpush v37, $0xF  }
0x1f5: {  	s24 =	sadd.s32 $0xFFFFFF90, s23;
	vm0 =	vmmov vm0;
	vm13 =	vlt.s32 v22, $0x210;
	vm14 =	vlt.s32 v30, $0x210  }
0x1f6: {  	v36 =	vor.u32 s24, v0;
	vm7 =	vmand vm7, vm13;
	v28 =	vadd.s32 v56, v28  }
0x1f7: {  	vm6 =	vmand vm8, vm14;
	v28 =	vadd.s32 $0xFFFFFFFF, v28;
	v21 =	vadd.s32 v21, v27  }
0x1f8: {  	vm15 =	vlt.s32 v28, $0x210;
	v21 =	vadd.s32 $0xFFFFFFFF, v21;
	v26 =	vadd.s32 v57, v26  }
0x1f9: {  	vm12 =	vlt.s32 v21, $0x210;
	v26 =	vadd.s32 $0xFFFFFFFF, v26;
	v25 =	vadd.s32 v58, v25  }
0x1fa: {  	vm1 =	vmand vm1, vm15;
	vm13 =	vlt.s32 v26, $0x210;
	v24 =	vadd.s32 v59, v24  }
0x1fb: {  	[tilespmem:v23+s18+$0x0] =	vst.idx.msk vm9, v61;
	vm3 =	vmand vm3, vm12;
	v62 =	vadd.s32 v60, v29;
	v23 =	vadd.s32 $0xFFFFFFFF, v24  }
0x1fc: {  	vm4 =	vmand vm4, vm13;
	v29 =	vadd.s32 $0xFFFFFFFF, v62;
	vm13 =	vlt.s32 v23, $0x210  }
0x1fd: {  	s31 =	sadd.s32 $0xFFFFFFA0, s23;
	v25 =	vadd.s32 $0xFFFFFFFF, v25;
	vm14 =	vlt.s32 v29, $0x210;
	vm0 =	vmand vm0, vm13  }
0x1fe: {  	s30 =	sadd.s32 $0xFFFFFFB0, s23;
	v38 =	vor.u32 s31, v0;
	[tilespmem:v22+s18+$0x0] =	vst.idx.msk vm7, v36;
	vm12 =	vlt.s32 v25, $0x210;
	vm15 =	vmand vm5, vm14  }
0x1ff: {  	s31 =	sadd.s32 $0xFFFFFFC0, s23;
	v22 =	vor.u32 s30, v0;
	[tilespmem:v30+s18+$0x0] =	vst.idx.msk vm6, v38;
	vm14 =	vmand vm2, vm12  }
0x200: {  	s25 =	sadd.s32 $0xFFFFFFD0, s23;
	v63 =	vor.u32 s31, v0;
	[tilespmem:v28+s18+$0x0] =	vst.idx.msk vm1, v22  }
0x201: {  	s26 =	sadd.s32 $0xFFFFFFE0, s23;
	v22 =	vor.u32 s23, v0;
	s23 =	sadd.s32 $0xFFFFFFF0, s23;
	[tilespmem:v21+s18+$0x0] =	vst.idx.msk vm3, v63;
	v21 =	vor.u32 s25, v0  }
0x202: {  	[tilespmem:v26+s18+$0x0] =	vst.idx.msk vm4, v21;
	v21 =	vor.u32 s23, v0  }
0x203: {  	[tilespmem:v23+s18+$0x0] =	vst.idx.msk vm0, v21;
	s30 =	spop (v2sf)  }
0x204: {  	[tilespmem:v29+s18+$0x0] =	vst.idx.msk vm15, v22;
	v22 =	vor.u32 s26, v0;
	s23 =	sxor.u32 $0x80000000, s30  }
0x205: {  	s31 =	simm.s32 $0x12180;
	[tilespmem:v25+s18+$0x0] =	vst.idx.msk vm14, v22;
	p1 =	slt.s32 s23, $0x210  }
0x206: {  	v22 =	vld [tilespmem:s31+$0x0];
	p2 =	slt.s32 s23, $0xFFFFFFF2;
	s23 =	simm.s32 @!p1 $0x210  }
0x207: {  	v21 =	vmov s23;
	s23 =	sadd.s32 $0xF, s23  }
0x208: {  	s25 =	simm.s32 $0x0;
	s26 =	sand.u32 $0xF, s23  }
0x209: {  	v23 =	vor.u32 s25, v0;
	s30 =	sshra.s32 s23, $0x1F;
	p6 =	sne.s32 s26, $0x0  }
0x20a: {  	vm15 =	vlt.s32 v23, v21;
	s31 =	sshrl.u32 s30, $0x1C;
	p1 =	por !p2, !p6  }
0x20b: {  	s24 =	simm.s32 $0x1;
	v22 =	vadd.s32 $0x2000, v22;
	s23 =	sadd.s32 s31, s23;
	p1 =	por !p1, !p1  }
0x20c: {  	s23 =	sshra.s32 s23, $0x4;
	s24 =	simm.s32 @!p1 $0x0  }
0x20d: {  	s24 =	ssub.s32 s23, s24  }
0x20e: {  	p1 =	sgt.s32 s24, $0x4;
	s23 =	smov.u32 s24  }
0x20f: {  	s23 =	simm.s32 @!p1 $0x4  }
0x210: {  	v22 =	vld.idx.msk [tilespmem:v22+s15+$0x0], vm15;
	s25 =	sshll.u32 s23, $0x4  }
0x211: {  	p1 =	sne.s32 s25, $0x10  }
.Ltmp10:
0x212: {  	_ = 	snop;
	(pc) =	sbr.rel @!p1 .LBB2_17-.Ltmp10, $3  }
0x213: {  	_ =	sdelay $0x1  }
0x214: {  	s26 =	simm.s32 $0x12400;
	v22 =	vnsel vm15, $0x7F800000, v22  }
0x215: {  	s28 =	simm.s32 $0x10;
	s29 =	simm.s32 $0x12190;
	[tilespmem:s26+$0x0] =	vst v22  }
.LBB2_16:
0x216: {  	v22 =	vld [tilespmem:s29+$0x0];
	s30 =	smov.u32 s28;
	s28 =	sadd.s32 $0x10, s28  }
0x217: {  	p1 =	sne.s32 s25, s28;
	_ =	sdelay $0x1  }
0x218: {  	v23 =	vor.u32 s30, v0  }
0x219: {  	vm0 =	vlt.s32 v23, v21  }
0x21a: {  	v22 =	vadd.s32 $0x2000, v22;
	_ =	sdelay $0x4  }
0x21b: {  	v22 =	vld.idx.msk [tilespmem:v22+s15+$0x0], vm0;
	_ =	sdelay $0x2  }
.Ltmp11:
0x21c: {  	(pc) =	sbr.rel @p1 .LBB2_16-.Ltmp11, $3  }
0x21d: {  	_ =	sdelay $0x1  }
0x21e: {  	s26 =	sadd.s32 $0x10, s26;
	v22 =	vnsel vm0, $0x7F800000, v22  }
0x21f: {  	s29 =	sadd.s32 $0x10, s29;
	[tilespmem:s26+$0x0] =	vst v22  }
.LBB2_17:
0x220: {  	v21 =	vld [tilespmem:$0x12400]  }
0x221: {  	v22 =	vld [tilespmem:$0x12180]  }
0x222: {  	v23 =	vld [tilespmem:$0x12410]  }
0x223: {  	v24 =	vld [tilespmem:$0x12190]  }
0x224: {  	v25 =	vld [tilespmem:$0x12420]  }
0x225: {  	v26 =	vld [tilespmem:$0x121A0]  }
0x226: {  	v27 =	vld [tilespmem:$0x12430]  }
0x227: {  	v28 =	vld [tilespmem:$0x121B0]  }
0x228: {  	(xrf1) =	vsort.ascd.msk.f32 $0xffff, v21, v22  }
0x229: {  	(xrf1) =	vsort.ascd.msk.f32 $0xffff, v23, v24;
	_ =	sdelay $0x1  }
0x22a: {  	(xrf1) =	vsort.ascd.msk.f32 $0xffff, v25, v26  }
0x22b: {  	(xrf1) =	vsort.ascd.msk.f32 $0xffff, v27, v28;
	_ =	sdelay $0x9  }
0x22c: {  	v21, v22, _ =	vpop (xrf1)  }
0x22d: {  	v23, v24, _ =	vpop (xrf1)  }
0x22e: {  	v23 =	vperm.xlane v23, v6;
	v24 =	vperm.xlane v24, v6  }
0x22f: {  	v25, v26, _ =	vpop (xrf1)  }
0x230: {  	v27, v28, _ =	vpop (xrf1);
	vm0 =	vlt.f32 v21, v23;
	vm1 =	veq.f32 v21, v23;
	vm2 =	vlt.s32 v22, v24  }
0x231: {  	v27 =	vperm.xlane v27, v6;
	v28 =	vperm.xlane v28, v6;
	vm1 =	vmand vm1, vm2  }
0x232: {  	vm0 =	vmor vm0, vm1  }
0x233: {  	vm4 =	veq.f32 v25, v27;
	vm5 =	vlt.s32 v26, v28;
	vm6 =	vlt.f32 v25, v27  }
0x234: {  	v29 =	vsel vm0, v21, v23;
	v30 =	vsel vm0, v22, v24;
	vm1 =	vmand vm4, vm5  }
0x235: {  	v21 =	vsel vm0, v23, v21;
	v22 =	vsel vm0, v24, v22;
	(xrf1) =	vsort.ascd.msk.f32 $0xffff, v29, v30;
	vm7 =	vmor vm6, vm1  }
0x236: {  	(xrf1) =	vsort.ascd.msk.f32 $0xffff, v21, v22;
	v21 =	vsel vm7, v25, v27;
	v22 =	vsel vm7, v26, v28  }
0x237: {  	v23 =	vsel vm7, v27, v25;
	v24 =	vsel vm7, v28, v26;
	(xrf1) =	vsort.ascd.msk.f32 $0xffff, v21, v22  }
0x238: {  	(xrf1) =	vsort.ascd.msk.f32 $0xffff, v23, v24;
	_ =	sdelay $0xa  }
0x239: {  	v21, v22, _ =	vpop (xrf1)  }
0x23a: {  	v23, v24, _ =	vpop (xrf1)  }
0x23b: {  	v25, v26, _ =	vpop (xrf1)  }
0x23c: {  	v27, v63, _ =	vpop (xrf1);
	v25 =	vperm.xlane v25, v6  }
0x23d: {  	v27 =	vperm.xlane v27, v6;
	v28 =	vperm.xlane v63, v6  }
0x23e: {  	v26 =	vperm.xlane v26, v6  }
0x23f: {  	vm11 =	veq.f32 v23, v25;
	vm9 =	veq.f32 v21, v27;
	vm10 =	vlt.s32 v22, v28  }
0x240: {  	vm3 =	vlt.s32 v24, v26;
	vm8 =	vlt.f32 v21, v27;
	vm1 =	vmand vm9, vm10  }
0x241: {  	vm13 =	vlt.f32 v23, v25;
	vm12 =	vmand vm11, vm3;
	vm0 =	vmor vm8, vm1  }
0x242: {  	vm1 =	vmor vm13, vm12;
	v21 =	vsel vm0, v21, v27  }
0x243: {  	v22 =	vsel vm0, v22, v28;
	v23 =	vsel vm1, v23, v25;
	v24 =	vsel vm1, v24, v26  }
0x244: {  	vm14 =	veq.f32 v21, v23;
	vm1 =	vlt.s32 v22, v24  }
0x245: {  	vm15 =	vlt.f32 v21, v23;
	vm0 =	vmand vm14, vm1  }
0x246: {  	vm0 =	vmor vm15, vm0  }
0x247: {  	v25 =	vsel vm0, v21, v23;
	v26 =	vsel vm0, v22, v24  }
0x248: {  	v21 =	vsel vm0, v23, v21;
	v22 =	vsel vm0, v24, v22;
	(xrf1) =	vsort.ascd.msk.f32 $0xffff, v25, v26  }
0x249: {  	(xrf1) =	vsort.ascd.msk.f32 $0xffff, v21, v22;
	_ =	sdelay $0x8  }
0x24a: {  	p1 =	slt.s32 s24, $0x5  }
.Ltmp12:
0x24b: {  	_ = 	snop;
	(pc) =	sbr.rel @p1 .LBB2_24-.Ltmp12, $3  }
0x24c: {  	_ =	sdelay $0x1  }
0x24d: {  	v23, v22, _ =	vpop (xrf1)  }
0x24e: {  	v24, v21, _ =	vpop (xrf1)  }
0x24f: {  	s23 =	sadd.s32 $0xFFFFFFFC, s23  }
0x250: {  	p2 =	sne.s32 s23, $0x1  }
.Ltmp13:
0x251: {  	_ = 	snop;
	(pc) =	sbr.rel @!p2 .LBB2_19-.Ltmp13, $4  }
0x252: {  	_ = 	snop  }
0x253: {  	s24 =	simm.s32 $0x12440  }
0x254: {  	s25 =	simm.s32 $0x121C0;
	v25 =	vld [tilespmem:s24+$0x0]  }
0x255: {  	p1 =	por $0x0, $0x0;
	v26 =	vld [tilespmem:s25+$0x0];
	s25 =	sadd.s32 $0xFFFFFFFF, s23  }
0x256: {  	_ =	sdelay $0x3  }
0x257: {  	(xrf1) =	vsort.ascd.msk.f32 $0xffff, v25, v26;
	_ =	sdelay $0xc  }
0x258: {  	p2 =	sne.s32 s25, $0x1  }
.Ltmp14:
0x259: {  	v25, v26, _ =	vpop (xrf1);
	(pc) =	sbr.rel @!p2 .LBB2_21-.Ltmp14, $4  }
0x25a: {  	v27 =	vperm.xlane v25, v6;
	v28 =	vperm.xlane v26, v6  }
0x25b: {  	s23 =	simm.s32 $0x12450  }
0x25c: {  	s24 =	simm.s32 $0x121D0;
	v31 =	vmov v24;
	v25 =	vld [tilespmem:s23+$0x0];
	vm1 =	veq.f32 v24, v27;
	vm2 =	vlt.s32 v21, v28  }
0x25d: {  	s25 =	sadd.s32 $0xFFFFFFFF, s25;
	p1 =	por $0x1, $0x1;
	v32 =	vmovc v21;
	v30 =	vmovc v23;
	v29 =	vmov v22;
	v26 =	vld [tilespmem:s24+$0x0];
	vm0 =	vlt.f32 v24, v27;
	vm1 =	vmand vm1, vm2  }
.LBB2_22:
0x25e: {  	p2 =	sne.s32 s25, $0x1;
	vm0 =	vmor vm0, vm1  }
0x25f: {  	v27 =	vsel vm0, v31, v27;
	v28 =	vsel vm0, v32, v28  }
0x260: {  	vm0 =	veq.f32 v30, v27;
	vm1 =	vlt.s32 v29, v28  }
0x261: {  	vm2 =	vlt.f32 v30, v27;
	vm0 =	vmand vm0, vm1  }
0x262: {  	(xrf1) =	vsort.ascd.msk.f32 $0xffff, v25, v26;
	vm0 =	vmor vm2, vm0  }
0x263: {  	v25 =	vsel vm0, v30, v27;
	v26 =	vsel vm0, v27, v30;
	v27 =	vsel vm0, v28, v29  }
0x264: {  	v28 =	vsel vm0, v29, v28;
	(xrf1) =	vsort.ascd.msk.f32 $0xffff, v26, v27  }
0x265: {  	(xrf1) =	vsort.ascd.msk.f32 $0xffff, v25, v28;
	_ =	sdelay $0xa  }
.Ltmp15:
0x266: {  	v25, v26, _ =	vpop (xrf1);
	(pc) =	sbr.rel @p2 .LBB2_22-.Ltmp15, $4  }
0x267: {  	v27 =	vperm.xlane v25, v6;
	v28 =	vperm.xlane v26, v6  }
0x268: {  	s23 =	sadd.s32 $0x10, s23;
	v31, v32, _ =	vpop (xrf1)  }
0x269: {  	s24 =	sadd.s32 $0x10, s24;
	v25 =	vld [tilespmem:s23+$0x0];
	vm1 =	veq.f32 v31, v27;
	vm2 =	vlt.s32 v32, v28;
	v30, v29, _ =	vpop (xrf1)  }
0x26a: {  	s25 =	sadd.s32 $0xFFFFFFFF, s25;
	vm0 =	vlt.f32 v31, v27;
	v26 =	vld [tilespmem:s24+$0x0];
	vm1 =	vmand vm1, vm2  }
.LBB2_23:
0x26b: {  	vm0 =	vmor @p1 vm0, vm1  }
0x26c: {  	v27 =	vsel @p1 vm0, v31, v27;
	v28 =	vsel @p1 vm0, v32, v28  }
0x26d: {  	vm0 =	veq.f32 @p1 v30, v27;
	vm1 =	vlt.s32 @p1 v29, v28  }
0x26e: {  	vm2 =	vlt.f32 @p1 v30, v27;
	vm0 =	vmand @p1 vm0, vm1  }
0x26f: {  	vm0 =	vmor @p1 vm2, vm0  }
0x270: {  	(xrf1) =	vsort.ascd.msk.f32 $0xffff, v25, v26;
	v25 =	vsel @p1 vm0, v27, v30;
	v26 =	vsel @p1 vm0, v28, v29  }
0x271: {  	(xrf1) =	vsort.ascd.msk.f32 @p1 $0xffff, v25, v26;
	_ =	sdelay $0x1  }
0x272: {  	v25 =	vsel @p1 vm0, v30, v27;
	v26 =	vsel @p1 vm0, v29, v28  }
0x273: {  	(xrf1) =	vsort.ascd.msk.f32 @p1 $0xffff, v25, v26;
	_ =	sdelay $0x9  }
0x274: {  	v25, v26, _ =	vpop (xrf1)  }
0x275: {  	v25 =	vperm.xlane v25, v6;
	v26 =	vperm.xlane v26, v6;
	v27, v28, _ =	vpop @p1 (xrf1)  }
0x276: {  	v24 =	vpsel p1, v27, v24;
	v21 =	vpsel p1, v28, v21  }
0x277: {  	vm10 =	veq.f32 v24, v25;
	vm11 =	vlt.s32 v21, v26  }
0x278: {  	v27, v28, _ =	vpop @p1 (xrf1);
	vm12 =	vlt.f32 v24, v25;
	vm0 =	vmand vm10, vm11  }
0x279: {  	v23 =	vpsel p1, v27, v23;
	vm0 =	vmor vm12, vm0  }
0x27a: {  	v22 =	vpsel p1, v28, v22;
	v24 =	vsel vm0, v24, v25;
	v21 =	vsel vm0, v21, v26  }
0x27b: {  	vm13 =	veq.f32 v23, v24;
	vm14 =	vlt.s32 v22, v21  }
0x27c: {  	vm15 =	vlt.f32 v23, v24;
	vm0 =	vmand vm13, vm14  }
0x27d: {  	vm0 =	vmor vm15, vm0  }
0x27e: {  	v25 =	vsel vm0, v24, v23;
	v26 =	vsel vm0, v21, v22  }
0x27f: {  	(xrf1) =	vsort.ascd.msk.f32 $0xffff, v25, v26  }
0x280: {  	v23 =	vsel vm0, v23, v24;
	v21 =	vsel vm0, v22, v21  }
0x281: {  	(xrf1) =	vsort.ascd.msk.f32 $0xffff, v23, v21;
	_ =	sdelay $0xb  }
0x282: {  	v22, v21, _ =	vpop (xrf1);
	_ =	sdelay $0x1  }
0x283: {  	v23, v22, _ =	vpop (xrf1)  }
.LBB2_24:
0x284: {  	vm0 =	vlt.s32 v22, $0x1FFF;
	s23 =	smul.u32 $0x3, s22  }
0x285: {  	v22 =	vnsel vm0, $0x1FFF, v22  }
0x286: {  	v23 =	vmov s23;
	v22 =	vmul.u32 $0x6, v22;
	_ =	sdelay $0x4  }
0x287: {  	s31 =	sand.u32 $0xF, s22;
	v24 =	vld.idx.msk [tilespmem:v23+s14+$0x0], $0xffff  }
0x288: {  	s24 =	smul.u32 $0xC0, s31;
	v26 =	vld.idx.msk [tilespmem:v22+s3+$0x0], $0xffff  }
0x289: {  	v25 =	vadd.s32 $0x1, v23  }
0x28a: {  	v9 =	vadd.s32 s24, v9;
	v23 =	vadd.s32 $0x2, v23  }
0x28b: {  	v27 =	vor.u32 $0x1, v22;
	_ =	sdelay $0x1  }
0x28c: {  	v26 =	vsub.f32 v26, v24  }
0x28d: {  	v25 =	vld.idx.msk [tilespmem:v25+s14+$0x0], $0xffff  }
0x28e: {  	v23 =	vld.idx.msk [tilespmem:v23+s14+$0x0], $0xffff;
	[tilespmem:v9+s19+$0x0] =	vst.idx.msk $0xffff, v26  }
0x28f: {  	v9 =	vld.idx.msk [tilespmem:v27+s3+$0x0], $0xffff;
	_ =	sdelay $0x1  }
0x290: {  	v10 =	vadd.s32 s24, v10  }
0x291: {  	v59 =	vadd.s32 $0x2, v22;
	_ =	sdelay $0x1  }
0x292: {  	v9 =	vsub.f32 v9, v25;
	_ =	sdelay $0x1  }
0x293: {  	[tilespmem:v10+s19+$0x0] =	vst.idx.msk $0xffff, v9  }
0x294: {  	v9 =	vld.idx.msk [tilespmem:v59+s3+$0x0], $0xffff;
	_ =	sdelay $0x1  }
0x295: {  	v10 =	vadd.s32 s24, v11  }
0x296: {  	v11 =	vadd.s32 $0x3, v22;
	_ =	sdelay $0x1  }
0x297: {  	v9 =	vsub.f32 v9, v23;
	_ =	sdelay $0x1  }
0x298: {  	[tilespmem:v10+s19+$0x0] =	vst.idx.msk $0xffff, v9  }
0x299: {  	v10 =	vadd.s32 s24, v12;
	v9 =	vld.idx.msk [tilespmem:v11+s3+$0x0], $0xffff  }
0x29a: {  	v11 =	vadd.s32 $0x4, v22;
	_ =	sdelay $0x3  }
0x29b: {  	[tilespmem:v10+s19+$0x0] =	vst.idx.msk $0xffff, v9  }
0x29c: {  	v10 =	vadd.s32 s24, v13;
	v9 =	vld.idx.msk [tilespmem:v11+s3+$0x0], $0xffff  }
0x29d: {  	v11 =	vadd.s32 $0x5, v22;
	_ =	sdelay $0x2  }
0x29e: {  	vm15 =	vlt.s32 v21, $0x1FFF  }
0x29f: {  	v60 =	vnsel vm15, $0x1FFF, v21;
	[tilespmem:v10+s19+$0x0] =	vst.idx.msk $0xffff, v9  }
0x2a0: {  	v10 =	vadd.s32 s24, v14;
	v9 =	vld.idx.msk [tilespmem:v11+s3+$0x0], $0xffff;
	v11 =	vmul.u32 $0x6, v60;
	_ =	sdelay $0x4  }
0x2a1: {  	[tilespmem:v10+s19+$0x0] =	vst.idx.msk $0xffff, v9  }
0x2a2: {  	v9 =	vld.idx.msk [tilespmem:v11+s3+$0x0], $0xffff;
	_ =	sdelay $0x1  }
0x2a3: {  	v10 =	vadd.s32 s24, v15  }
0x2a4: {  	v12 =	vor.u32 $0x1, v11;
	_ =	sdelay $0x1  }
0x2a5: {  	v9 =	vsub.f32 v9, v24;
	_ =	sdelay $0x1  }
0x2a6: {  	[tilespmem:v10+s19+$0x0] =	vst.idx.msk $0xffff, v9  }
0x2a7: {  	v9 =	vld.idx.msk [tilespmem:v12+s3+$0x0], $0xffff;
	_ =	sdelay $0x1  }
0x2a8: {  	v10 =	vadd.s32 s24, v16  }
0x2a9: {  	v61 =	vadd.s32 $0x2, v11;
	_ =	sdelay $0x1  }
0x2aa: {  	v9 =	vsub.f32 v9, v25;
	_ =	sdelay $0x1  }
0x2ab: {  	[tilespmem:v10+s19+$0x0] =	vst.idx.msk $0xffff, v9  }
0x2ac: {  	v9 =	vld.idx.msk [tilespmem:v61+s3+$0x0], $0xffff;
	_ =	sdelay $0x1  }
0x2ad: {  	v10 =	vadd.s32 s24, v17  }
0x2ae: {  	v62 =	vadd.s32 $0x3, v11;
	_ =	sdelay $0x1  }
0x2af: {  	v9 =	vsub.f32 v9, v23;
	_ =	sdelay $0x1  }
0x2b0: {  	[tilespmem:v10+s19+$0x0] =	vst.idx.msk $0xffff, v9  }
0x2b1: {  	v10 =	vadd.s32 s24, v18;
	v9 =	vld.idx.msk [tilespmem:v62+s3+$0x0], $0xffff  }
0x2b2: {  	v63 =	vadd.s32 $0x4, v11;
	_ =	sdelay $0x3  }
0x2b3: {  	[tilespmem:v10+s19+$0x0] =	vst.idx.msk $0xffff, v9  }
0x2b4: {  	v10 =	vadd.s32 s24, v19;
	v9 =	vld.idx.msk [tilespmem:v63+s3+$0x0], $0xffff  }
0x2b5: {  	v11 =	vadd.s32 $0x5, v11;
	_ =	sdelay $0x3  }
0x2b6: {  	[tilespmem:v10+s19+$0x0] =	vst.idx.msk $0xffff, v9  }
0x2b7: {  	s22 =	sor.u32 s8, s22;
	p1 =	sne.s32 s31, $0xF;
	v10 =	vadd.s32 s24, v20;
	v9 =	vld.idx.msk [tilespmem:v11+s3+$0x0], $0xffff  }
0x2b8: {  	s23 =	smul.u32 @!p1 $0xC0, s22;
	_ =	sdelay $0x1  }
0x2b9: {  	s23 =	sadd.s32 @!p1 $0xFFFFF4C0, s23  }
0x2ba: {  	s23 =	sshrl.u32 @!p1 s23, $0x3  }
0x2bb: {  	s25 =	simm.s32 @!p1 $0x12680;
	s23 =	sadd.s32 @!p1 s1, s23;
	s24 =	simm.s32 @!p1 $0x0;
	[tilespmem:v10+s19+$0x0] =	vst.idx.msk $0xffff, v9  }
0x2bc: {  	[hbm4b:s23+s24] =	stream.linear.scatter @!p1 [tilespmem:s25], [sflag:$0x2], $0xC00, $0x38;
	[tilespmem:$0x13280] =	vst v63  }
.Ltmp16:
0x2bd: {  	_ = 	snop;
	(pc) =	sbr.rel @p0 .LBB2_26-.Ltmp16, $4  }
0x2be: {  	s23 =	simm.s32 @!p1 $0x2  }
0x2bf: {  	_ =	swait.ge @!p1 [sflag:s23], $0xC00  }
0x2c0: {  	[sflag:s23] =	ssyncset.done @!p1 $0x0  }
0x2c1: {  	[sflag:s23] =	ssyncadd.s32 @!p1 $0xFFFFF400  }
.Ltmp17:
0x2c2: {  	(pc) =	sbr.rel .LBB2_2-.Ltmp17, $4  }
0x2c3: {  	_ = 	snop  }
0x2c4: {  	s22 =	sshll.u32 s22, $0xA  }
0x2c5: {  	s21 =	sadd.s32 $0x1, s21;
	s22 =	sadd.s32 s22, s10  }
0x2c6: {  	[tilespmem:s16], [sflag:$0x1] =	stream.linear.gather [hbm4b:s22+s3], $0x2000, $0x38;
	[tilespmem:$0x13280] =	vst v63  }
.LBB2_8:
.Ltmp18:
0x2c7: {  	(pc) =	sbr.rel .LBB2_12-.Ltmp18, $2  }
0x2c8: {  	_ =	sdelay $0x2  }
0x2c9: {  	v19 =	vmovc v11;
	v20 =	vmov v14;
	v18 =	vmov v10;
	v17 =	vmov v9  }
.LBB2_19:
.Ltmp19:
0x2ca: {  	(pc) =	sbr.rel .LBB2_23-.Ltmp19, $2  }
0x2cb: {  	_ =	sdelay $0x2  }
0x2cc: {  	v31 =	vmovc v24;
	v32 =	vmov v21;
	v30 =	vmov v23;
	v29 =	vmov v22  }
.LBB2_10:
.Ltmp20:
0x2cd: {  	(pc) =	sbr.rel .LBB2_12-.Ltmp20, $2  }
0x2ce: {  	_ =	sdelay $0x2  }
0x2cf: {  	v19 =	vmovc v11;
	v20 =	vmov v14;
	v18 =	vmov v10;
	v17 =	vmov v9  }
.LBB2_21:
.Ltmp21:
0x2d0: {  	(pc) =	sbr.rel .LBB2_23-.Ltmp21, $2  }
0x2d1: {  	_ =	sdelay $0x2  }
0x2d2: {  	v31 =	vmovc v24;
	v32 =	vmov v21;
	v30 =	vmov v23;
	v29 =	vmov v22  }
.LBB2_27:
0x2d3: {  	_ =	sfence.sel $0x180000  }
0x2d4: {  	[bflag:$0x0] =	sbarrier.arrive $0xFFFF  }
0x2d5: {  	p0 =	sne.s32 s2, $0x0;
	_ =	strace $0x9000004A  }
0x2d6: {  	s0 =	sadd.s32 @!p0 $0x100000, s0;
	[bflag:$0x2] =	sbarrier.arrive $0xFFFF  }
0x2d7: {  	[sflag:s0] =	ssyncadd.tile.s32 @!p0 $0x1;
	_ =	shalt  }
.Lfunc_end2:
_tile_overlayer_lowered:
.L_overlay_start_2:
0x2d8: {  	(tag) =	ssettag $0x2  }
0x2d9: {  	s0 =	rddreg [dreg:$0x0];
	s2 =	stileid.u32  }
0x2da: {  	s1 =	rddreg [dreg:$0x1];
	p0 =	sne.s32 s2, $0x0  }
0x2db: {  	s3 =	rddreg [dreg:$0x2];
	[bflag:$0x3] =	sbarrier.arrive $0xFFFF;
	s2 =	simm.s32 @!p0 $0x1C02  }
0x2dc: {  	[timem:s3], [sflag:s2] =	dma.local @!p0 [hbm:s0], s1  }
0x2dd: {  	s0 =	simm.s32 @!p0 $0x2  }
0x2de: {  	_ =	swait.ge @!p0 [sflag:s0], s1  }
0x2df: {  	s1 =	ssub.s32 @!p0 $0x0, s1;
	[sflag:s0] =	ssyncset.done @!p0 $0x0  }
0x2e0: {  	[sflag:s0] =	ssyncadd.s32 @!p0 s1  }
0x2e1: {  	[bflag:$0x3] =	sbarrier.arrive $0xFFFF  }
0x2e2: {  	_ =	shalt  }

// kernel: sparse-core-data-format-call.cloned.1.call-start
scs
called_computation_lowered:
.L_overlay_start_0:
0x0: {  	s1 =	sld [smem:$0x3FD9]  }
0x1: {  	s2 =	sld [smem:$0x3FFE];
	_ =	sdelay $0x1  }
0x2: {  	s3 =	srdreg.scid  }
0x3: {  	s0 =	sand.u32 $0x1, s3  }
0x4: {  	s17 =	sshll.u32 s0, $0xA;
	s1 =	sadd.s32 s2, s1  }
0x5: {  	s1 =	sadd.s32 s1, s17  }
0x6: {  	[smem:$0x3FC7] =	sst s1  }
0x7: {  	_ = 	snop  }
0x8: {  	(tm) =	ssettm $0x1  }
0x9: {  	s18 =	sld [smem:$0x3FFB];
	_ =	sdelay $0x3  }
0xa: {  	_ =	strace s18  }
0xb: {  	s1 =	sld [smem:$0x3FFC];
	_ =	sdelay $0x3  }
0xc: {  	_ =	strace s1  }
0xd: {  	s1 =	sld [smem:$0x3FFD];
	_ =	sdelay $0x3  }
0xe: {  	_ =	strace s1  }
0xf: {  	_ =	strace $0x8FFFFFFF  }
0x10: {  	s19 =	sld [smem:$0x3FDB];
	_ =	sdelay $0x1  }
0x11: {  	s20 =	simm.s32 $_scs_section_size  }
0x12: {  	s4 =	simm.s32 $_size__tile_overlayer_lowered;
	s5 =	simm.s32 $_tile_overlayer_lowered  }
0x13: {  	s23 =	simm.s32 $0x1BFF;
	s22 =	sshll.u32 s5, $0x1;
	s1 =	sadd.s32 s20, s19  }
0x14: {  	s6 =	simm.s32 $0x0;
	s21 =	sshll.u32 s4, $0x1;
	s4 =	sadd.s32 s22, s1  }
0x15: {  	[timem:s6], [sflag:s23] =	dma.local [hbm:s4], s21  }
0x16: {  	_ =	swait.ge [sflag:s23], s21  }
0x17: {  	s2 =	ssub.s32 $0x0, s21;
	[sflag:s23] =	ssyncset.done $0x0  }
0x18: {  	[sflag:s23] =	ssyncadd.s32 s2;
	_ =	sdelay $0x1  }
0x19: {  	s24 =	simm.s32 $0x1B8B  }
0x1a: {  	_ =	swait.ge [sflag:s24], $0x1  }
0x1b: {  	[sflag:s24] =	ssyncset.done $0x0  }
0x1c: {  	s26 =	simm.s32 $0x1B8E;
	s25 =	sld [smem:$0x3FFE];
	[sflag:s24] =	ssyncadd.s32 $0xFFFFFFFF  }
0x1d: {  	s27 =	simm.s32 $execute0_lowered;
	[smem:$0x3FD2] =	sst s26  }
0x1e: {  	s4 =	sshll.u32 s27, $0x1;
	_ =	strace $0x80000046;
	[dreg:$0x1] =	wrdreg $0xFFFFFFFF  }
0x1f: {  	s28 =	simm.s32 $_size_execute0_lowered;
	s1 =	sadd.s32 s1, s4;
	[dreg:$0x0] =	wrdreg $0x0  }
0x20: {  	s4 =	sshll.u32 s28, $0x1;
	[dreg:$0x2] =	wrdreg s1  }
0x21: {  	[dreg:$0x3] =	wrdreg s4  }
0x22: {  	[dreg:$0x4] =	wrdreg $0xC0  }
0x23: {  	_ =	task [dreg:s6], $0x5FFFF  }
0x24: {  	[dreg:$0x1] =	wrdreg $0xFFFFFFFF  }
0x25: {  	[dreg:$0x0] =	wrdreg $0x60  }
0x26: {  	[dreg:$0x2] =	wrdreg s25  }
0x27: {  	[dreg:$0x3] =	wrdreg $0x9  }
0x28: {  	_ =	task.clear_ibuf [dreg:s6], $0x4FFFF;
	_ =	strace $0x90000046  }
0x29: {  	s29 =	simm.s32 $0x9;
	_ =	strace $0x80000048  }
0x2a: {  	_ =	swait.ge [sflag:s29], $0x1  }
0x2b: {  	[sflag:s29] =	ssyncadd.s32 $0xFFFFFFFF  }
0x2c: {  	_ =	strace $0x90000048  }
0x2d: {  	_ =	sfence  }
0x2e: {  	s30 =	sld [smem:$0x0];
	_ =	sdelay $0x2  }
0x2f: {  	s31 =	sshll.u32 s3, $0xD;
	s3 =	sshrl.u32 s3, $0x2  }
0x30: {  	s2 =	sand.u32 $0x4000, s31;
	s1 =	sadd.s32 s3, s30  }
0x31: {  	s0 =	sor.u32 s2, s0;
	s1 =	sshll.u32 s1, $0x11  }
0x32: {  	s0 =	sor.u32 s1, s0  }
0x33: {  	s0 =	sadd.s32 $0x8F2B, s0  }
0x34: {  	[sflag:s0] =	ssyncadd.remote.s32 $0x1  }
0x35: {  	_ =	sfence.sel $0xFFFF  }
0x36: {  	[dreg:$0x0] =	wrdreg $0xFFFFFFFF;
	(pc) =	sbr.abs _section_cstart, $3  }
0x37: {  	[dreg:$0x1] =	wrdreg $0xFFFFFFFF  }
0x38: {  	_ =	task.clear_ibuf [dreg:s6], $0x2FFFF;
	_ =	strace $0x9FFFFFFF  }
0x39: {  	(tm) =	ssettm $0x7FFFFFFF  }
tec
execute0_lowered:
.L_overlay_start_1:
0x0: {  	(tag) =	ssettag $0x1  }
0x1: {  	s1 =	rddreg [dreg:$0x0]  }
0x2: {  	s0 =	rddreg [dreg:$0x1]  }
0x3: {  	_ =	strace $0x80000047;
	s4 =	srdreg.scid;
	s6 =	simm.s32 $0x2  }
0x4: {  	s11 =	simm.s32 $0x0;
	p0 =	por $0x0, $0x0;
	s7 =	simm.s32 $0x2000  }
.Ltmp0:
0x5: {  	s12 =	simm.s32 $0x0;
	s9 =	simm.s32 $0x0;
	(pc) =	sbr.rel .LBB1_1-.Ltmp0, $4  }
0x6: {  	s2 =	sadd.s32 $0x11800, s1;
	s3 =	sadd.s32 $0x411800, s1;
	s5 =	sshll.u32 s4, $0x4  }
0x7: {  	s1 =	stileid.u32;
	s4 =	simm.s32 $0x1;
	s5 =	sand.u32 $0x10, s5  }
0x8: {  	s8 =	simm.s32 $0x0;
	[sflag:s4] =	ssyncpa.u1 $0x0;
	s5 =	sor.u32 s1, s5  }
0x9: {  	[sflag:s6] =	ssyncpa.u1 $0x0;
	s6 =	simm.s32 $0x800;
	s10 =	smov.u32 s5  }
.LBB1_7:
0xa: {  	s13 =	sadd.s32 $0x10, s9  }
0xb: {  	s11 =	sadd.s32 $0x20, s10;
	s15 =	smov.u32 s10;
	p2 =	sgt.s32 s13, $0x3F  }
0xc: {  	p1 =	slt.u32 s8, $0x2;
	s15 =	smov.u32 @p2 s11  }
0xd: {  	s8 =	sadd.s32 $0x1, s8;
	s13 =	simm.s32 @p2 $0x0;
	p2 =	sgt.s32 s15, $0x1FF  }
0xe: {  	s15 =	smov.u32 @p2 s5;
	p2 =	sne.s32 s8, $0x42  }
.Ltmp1:
0xf: {  	_ = 	snop;
	(pc) =	sbr.rel @!p2 .LBB1_8-.Ltmp1, $4  }
0x10: {  	s14 =	simm.s32 @!p1 $0x2  }
0x11: {  	s12 =	smov.u32 s10;
	_ =	swait.ge @!p1 [sflag:s14], $0x4000  }
0x12: {  	p0 =	por !p0, !p0;
	s11 =	smov.u32 s9;
	[sflag:s14] =	ssyncset.done @!p1 $0x0  }
0x13: {  	s9 =	smov.u32 s13;
	[sflag:s14] =	ssyncadd.s32 @!p1 $0xFFFFC000;
	s10 =	smov.u32 s15  }
.LBB1_1:
0x14: {  	p1 =	sgt.u32 s8, $0x3F  }
0x15: {  	s13 =	sxor.u32 @!p1 $0xFFFFFFFF, s8;
	s14 =	sshll.u32 @!p1 s10, $0xD  }
0x16: {  	s15 =	sshll.u32 @!p1 s9, $0x7;
	s13 =	sshll.u32 @!p1 s13, $0xE;
	s14 =	sadd.s32 @!p1 s2, s14  }
0x17: {  	s13 =	sand.u32 @!p1 $0x4000, s13;
	s14 =	sadd.s32 @!p1 s15, s14;
	s15 =	simm.s32 @!p1 $0x0  }
0x18: {  	[tilespmem:s13], [sflag:$0x1] =	stream.linear.gather @!p1 [hbm4b:s14+s15], $0x4000, $0x38;
	[tilespmem:$0x10000] =	vst v63  }
0x19: {  	p1 =	seq.s32 s8, $0x0  }
0x1a: {  	p2 =	seq.s32 @!p1 s8, $0x41  }
0x1b: {  	p1 =	por p1, p2  }
.Ltmp2:
0x1c: {  	_ = 	snop;
	(pc) =	sbr.rel @p1 .LBB1_7-.Ltmp2, $1  }
0x1d: {  	_ =	sdelay $0x3  }
0x1e: {  	s13 =	simm.s32 $0x1;
	_ =	swait.ge [sflag:s4], $0x4000;
	s16 =	sshll.u32 s8, $0xE  }
0x1f: {  	s13 =	simm.s32 @!p0 $0x0;
	[sflag:s4] =	ssyncset.done $0x0;
	s31 =	sand.u32 $0x4000, s16  }
0x20: {  	s16 =	simm.s32 $0x0;
	s14 =	sshll.u32 s13, $0xE;
	[sflag:s4] =	ssyncadd.s32 $0xFFFFC000  }
0x21: {  	s13 =	sor.u32 $0x8040, s14;
	s15 =	sor.u32 $0x40, s14;
	s14 =	sor.u32 $0x8000, s31  }
.LBB1_3:
0x22: {  	v0 =	vmov s15;
	_ =	sdelay $0x3  }
0x23: {  	s18 =	simm.s32 $0x0  }
0x24: {  	v6 =	vld.idx.msk [tilespmem:v0+s18+$0x30 ss:$0x1], $0xffff  }
0x25: {  	v7 =	vld.idx.msk [tilespmem:v0+s18+$0xFFFFFFC0 ss:$0x1], $0xffff  }
0x26: {  	v5 =	vld.idx.msk [tilespmem:v0+s18+$0xFFFFFFD0 ss:$0x1], $0xffff  }
0x27: {  	v4 =	vld.idx.msk [tilespmem:v0+s18+$0xFFFFFFE0 ss:$0x1], $0xffff  }
0x28: {  	v3 =	vld.idx.msk [tilespmem:v0+s18+$0xFFFFFFF0 ss:$0x1], $0xffff  }
0x29: {  	v1 =	vld.idx.msk [tilespmem:v0+s18+$0x0 ss:$0x1], $0xffff  }
0x2a: {  	v2 =	vld.idx.msk [tilespmem:v0+s18+$0x10 ss:$0x1], $0xffff;
	[tilespmem:s13+$0x30] =	vst v6  }
0x2b: {  	s17 =	simm.s32 $0x80;
	s19 =	simm.s32 $0x400;
	[tilespmem:s13+$0xFFFFFFC0] =	vst v7;
	v6 =	vld.idx.msk [tilespmem:v0+s18+$0x20 ss:$0x1], $0xffff;
	s18 =	smov.u32 s13  }
.LBB1_4:
0x2c: {  	p1 =	sne.s32 s19, $0xE00;
	v7 =	vld.idx.msk [tilespmem:v0+s17+$0x30 ss:$0x1], $0xffff;
	[tilespmem:s18+$0xFFFFFFD0] =	vst v5  }
0x2d: {  	v8 =	vld.idx.msk [tilespmem:v0+s17+$0xFFFFFFC0 ss:$0x1], $0xffff;
	[tilespmem:s18+$0xFFFFFFE0] =	vst v4  }
0x2e: {  	v5 =	vld.idx.msk [tilespmem:v0+s17+$0xFFFFFFD0 ss:$0x1], $0xffff;
	[tilespmem:s18+$0xFFFFFFF0] =	vst v3  }
.Ltmp3:
0x2f: {  	v4 =	vld.idx.msk [tilespmem:v0+s17+$0xFFFFFFE0 ss:$0x1], $0xffff;
	[tilespmem:s18+$0x0] =	vst v1;
	(pc) =	sbr.rel @p1 .LBB1_4-.Ltmp3, $4  }
0x30: {  	v3 =	vld.idx.msk [tilespmem:v0+s17+$0xFFFFFFF0 ss:$0x1], $0xffff;
	[tilespmem:s18+$0x10] =	vst v2  }
0x31: {  	v1 =	vld.idx.msk [tilespmem:v0+s17+$0x0 ss:$0x1], $0xffff;
	[tilespmem:s18+$0x20] =	vst v6;
	s18 =	sadd.s32 $0x800, s18  }
0x32: {  	v2 =	vld.idx.msk [tilespmem:v0+s17+$0x10 ss:$0x1], $0xffff;
	[tilespmem:s18+$0x30] =	vst v7  }
0x33: {  	[tilespmem:s18+$0xFFFFFFC0] =	vst v8;
	v6 =	vld.idx.msk [tilespmem:v0+s17+$0x20 ss:$0x1], $0xffff;
	s17 =	sshra.s32 s19, $0x2;
	s19 =	sadd.s32 $0x200, s19  }
0x34: {  	_ =	sdelay $0x2  }
0x35: {  	[tilespmem:s18+$0xFFFFFFD0] =	vst v5  }
0x36: {  	v56 =	vld.idx.msk [tilespmem:v0+s17+$0x30 ss:$0x1], $0xffff;
	[tilespmem:s18+$0xFFFFFFE0] =	vst v4  }
0x37: {  	v57 =	vld.idx.msk [tilespmem:v0+s17+$0xFFFFFFC0 ss:$0x1], $0xffff;
	[tilespmem:s18+$0xFFFFFFF0] =	vst v3  }
0x38: {  	v58 =	vld.idx.msk [tilespmem:v0+s17+$0xFFFFFFD0 ss:$0x1], $0xffff;
	[tilespmem:s18+$0x0] =	vst v1  }
0x39: {  	v59 =	vld.idx.msk [tilespmem:v0+s17+$0xFFFFFFE0 ss:$0x1], $0xffff;
	[tilespmem:s18+$0x10] =	vst v2  }
0x3a: {  	v60 =	vld.idx.msk [tilespmem:v0+s17+$0xFFFFFFF0 ss:$0x1], $0xffff;
	s31 =	sadd.s32 $0x800, s18;
	[tilespmem:s18+$0x20] =	vst v6  }
0x3b: {  	v61 =	vld.idx.msk [tilespmem:v0+s17+$0x0 ss:$0x1], $0xffff;
	[tilespmem:s31+$0x30] =	vst v56  }
0x3c: {  	v62 =	vld.idx.msk [tilespmem:v0+s17+$0x10 ss:$0x1], $0xffff;
	s16 =	sadd.s32 $0x1, s16;
	[tilespmem:s31+$0xFFFFFFC0] =	vst v57  }
0x3d: {  	v63 =	vld.idx.msk [tilespmem:v0+s17+$0x20 ss:$0x1], $0xffff;
	p1 =	sne.s32 s16, $0x10;
	[tilespmem:s31+$0xFFFFFFD0] =	vst v58  }
.Ltmp4:
0x3e: {  	[tilespmem:s31+$0xFFFFFFE0] =	vst v59;
	(pc) =	sbr.rel @p1 .LBB1_3-.Ltmp4, $4  }
0x3f: {  	[tilespmem:s31+$0xFFFFFFF0] =	vst v60  }
0x40: {  	[tilespmem:s31+$0x0] =	vst v61  }
0x41: {  	[tilespmem:s31+$0x10] =	vst v62  }
0x42: {  	s13 =	sadd.s32 $0x80, s13;
	s15 =	sadd.s32 $0x400, s15;
	[tilespmem:s31+$0x20] =	vst v63  }
.Ltmp5:
0x43: {  	(pc) =	sbr.rel .LBB1_7-.Ltmp5, $4  }
0x44: {  	s12 =	sshll.u32 s12, $0xD;
	s11 =	sshll.u32 s11, $0x4  }
0x45: {  	s11 =	sand.u32 $0x3F0, s11;
	s12 =	sadd.s32 s3, s12  }
0x46: {  	s11 =	sadd.s32 s11, s12  }
0x47: {  	[hbm4b:s11+s6] =	stream.strided.scatter [tilespmem:s14], [sflag:$0x2], $0x4000, s7, s6, $0x38;
	[tilespmem:$0x10000] =	vst v63  }
.LBB1_8:
0x48: {  	_ =	sfence.sel $0x180000  }
0x49: {  	s2 =	simm.s32 $0x1;
	[bflag:$0x0] =	sbarrier.arrive $0xFFFF  }
0x4a: {  	s31 =	simm.s32 $0x2;
	[sflag:s2] =	ssyncpa.u1 $0x1  }
0x4b: {  	[sflag:s31] =	ssyncpa.u1 $0x1  }
0x4c: {  	p0 =	sne.s32 s1, $0x0;
	_ =	strace $0x90000047  }
0x4d: {  	s0 =	sadd.s32 @!p0 $0x100000, s0;
	[bflag:$0x2] =	sbarrier.arrive $0xFFFF  }
0x4e: {  	[sflag:s0] =	ssyncadd.tile.s32 @!p0 $0x1;
	_ =	shalt  }
.Lfunc_end1:
_tile_overlayer_lowered:
.L_overlay_start_2:
0x4f: {  	(tag) =	ssettag $0x2  }
0x50: {  	s0 =	rddreg [dreg:$0x0];
	s2 =	stileid.u32  }
0x51: {  	s1 =	rddreg [dreg:$0x1];
	p0 =	sne.s32 s2, $0x0  }
0x52: {  	s3 =	rddreg [dreg:$0x2];
	[bflag:$0x3] =	sbarrier.arrive $0xFFFF;
	s2 =	simm.s32 @!p0 $0x1C01  }
0x53: {  	[timem:s3], [sflag:s2] =	dma.local @!p0 [hbm:s0], s1  }
0x54: {  	s0 =	simm.s32 @!p0 $0x1  }
0x55: {  	_ =	swait.ge @!p0 [sflag:s0], s1  }
0x56: {  	s1 =	ssub.s32 @!p0 $0x0, s1;
	[sflag:s0] =	ssyncset.done @!p0 $0x0  }
0x57: {  	[sflag:s0] =	ssyncadd.s32 @!p0 s1  }
0x58: {  	[bflag:$0x3] =	sbarrier.arrive $0xFFFF  }
0x59: {  	_ =	shalt  }

</sc_bundles>
